<compile_context>
chip_gen: v7x
topology: tpu7x:2x2x1
jax: 0.10.2.dev20260603
libtpu: 0.0.44.dev20260713+nightly
codegen_flags: <defaults>
</compile_context>

<pallas_src>
import jax
import jax.numpy as jnp
from jax import lax
from jax.experimental import pallas as pl
from jax.experimental.pallas import tpu as pltpu
from jax.experimental.pallas import tpu_sc as plsc

_VOCAB = 100000
_TAB = _VOCAB + 1
_B, _L = 4096, 200
_MAX_OOV = 51
_NC, _NS, _LANES = 2, 16, 16
_NW = _NC * _NS
_COLS_W = _B // _NW
_NG = _COLS_W // _LANES
_LCHUNK = 40
_NLCHUNK = _L // _LCHUNK


def _body(in_hbm, oovs_hbm, tab_hbm, words_hbm, mask_hbm,
          tab_v, in_a, in_b, oov_v, w_v, m_v,
          sem_tab, sem_oov, sem_ina, sem_inb, sem_w, sem_m):
    wid = lax.axis_index("s") * _NC + lax.axis_index("c")
    c0 = wid * _COLS_W
    in_bufs = (in_a, in_b)
    in_sems = (sem_ina, sem_inb)

    def start_in(k):
        return pltpu.async_copy(
            in_hbm.at[pl.ds(k * _LCHUNK, _LCHUNK), pl.ds(c0, _COLS_W)],
            in_bufs[k % 2], in_sems[k % 2])

    ctab = pltpu.async_copy(tab_hbm, tab_v, sem_tab)
    cin = start_in(0)
    coov = pltpu.async_copy(oovs_hbm.at[:, pl.ds(c0, _COLS_W)], oov_v,
                            sem_oov)

    lane = lax.iota(jnp.int32, _LANES)
    lane_cols = [lane + g * _LANES for g in range(_NG)]
    alives = tuple(jnp.ones((_LANES,), jnp.int32) for _ in range(_NG))
    cw = cm = None
    for k in range(_NLCHUNK):
        in_v = in_bufs[k % 2]
        cin.wait()
        if k + 1 < _NLCHUNK:
            cin = start_in(k + 1)
        if k == 0:
            ctab.wait()
            coov.wait()
        else:
            cw.wait()
            cm.wait()

        def lbody(l, alives, in_v=in_v):
            new = []
            for g in range(_NG):
                ids = in_v[l, pl.ds(g * _LANES, _LANES)]
                alive = jnp.where(ids == 1, 0, alives[g])
                mask_f = alive.astype(jnp.float32)
                tabw = plsc.load_gather(tab_v, [jnp.minimum(ids, _VOCAB)])
                is_oov = ids > _VOCAB
                oov_row = jnp.where(is_oov, ids - _VOCAB, 0)
                oovw = plsc.load_gather(oov_v, [oov_row, lane_cols[g]])
                w = jnp.where(is_oov, oovw, tabw)
                w = jnp.where(alive == 0, 0.0, w)
                w_v[l, pl.ds(g * _LANES, _LANES)] = w
                m_v[l, pl.ds(g * _LANES, _LANES)] = mask_f
                new.append(alive)
            return tuple(new)

        alives = lax.fori_loop(0, _LCHUNK, lbody, alives)
        l0 = k * _LCHUNK
        cw = pltpu.async_copy(
            w_v, words_hbm.at[pl.ds(l0, _LCHUNK), pl.ds(c0, _COLS_W)], sem_w)
        cm = pltpu.async_copy(
            m_v, mask_hbm.at[pl.ds(l0, _LCHUNK), pl.ds(c0, _COLS_W)], sem_m)
    cw.wait()
    cm.wait()


def kernel(input_seqs, oovs, table):
    mesh = plsc.VectorSubcoreMesh(core_axis_name="c", subcore_axis_name="s")
    f = pl.kernel(
        _body,
        out_type=(
            jax.ShapeDtypeStruct((_L, _B), jnp.float32),
            jax.ShapeDtypeStruct((_L, _B), jnp.float32),
        ),
        mesh=mesh,
        compiler_params=pltpu.CompilerParams(
            use_tc_tiling_on_sc=True, needs_layout_passes=False),
        scratch_types=[
            pltpu.VMEM((_TAB,), jnp.float32),
            pltpu.VMEM((_LCHUNK, _COLS_W), jnp.int32),
            pltpu.VMEM((_LCHUNK, _COLS_W), jnp.int32),
            pltpu.VMEM((_MAX_OOV, _COLS_W), jnp.float32),
            pltpu.VMEM((_LCHUNK, _COLS_W), jnp.float32),
            pltpu.VMEM((_LCHUNK, _COLS_W), jnp.float32),
            pltpu.SemaphoreType.DMA,
            pltpu.SemaphoreType.DMA,
            pltpu.SemaphoreType.DMA,
            pltpu.SemaphoreType.DMA,
            pltpu.SemaphoreType.DMA,
            pltpu.SemaphoreType.DMA,
        ],
    )
    words_t, mask_t = f(input_seqs.T, oovs.T, table)
    return (words_t.T, mask_t.T)

# --- scband reference (transcript-rebuilt; emitter-appended) ---
"""Pipeline reference for scband-detokenize-85100482003576 (READ-ONLY COPY).

The authoritative reference and input builder live on the scoring server;
editing this copy changes nothing except your own understanding.
"""

import jax, jax.numpy as jnp
import numpy as np

VOCAB_SIZE = 100000
PAD_ID = 0
END_ID = 1
B, L = 4096, 200
MAX_OOV = 51


def setup_inputs(seed: int = 0) -> dict:
    key = jax.random.key(seed)
    k1, k2, k3 = jax.random.split(key, 3)
    input_seqs = jax.random.randint(k1, (B, L), 0, VOCAB_SIZE + MAX_OOV, dtype=jnp.int32)
    # oovs: per-sentence out-of-vocab word representations (strings -> numeric ids/embeddings)
    oovs = jax.random.normal(k2, (B, MAX_OOV), dtype=jnp.float32)
    # table: StaticHashTable id->word lookup, represented as a dense numeric table
    # of size vocab_size+1 (ids <= vocab_size are in-vocab per the original > comparison)
    table = jax.random.normal(k3, (VOCAB_SIZE + 1,), dtype=jnp.float32)
    return {"input_seqs": input_seqs, "oovs": oovs, "table": table}


def reference(input_seqs, oovs, table):
    Bn, Ln = input_seqs.shape
    # oov mask: ids strictly greater than vocab_size point into the oov list
    oovs_mask = jnp.where(input_seqs > VOCAB_SIZE, 1, 0)
    # loss mask: ones up to (exclusive) the first SENTENCE_END token, else all ones
    matches = (input_seqs == END_ID)
    has_end = jnp.any(matches, axis=1)
    first_idx = jnp.argmax(matches, axis=1)
    end_idx = jnp.where(has_end, first_idx, Ln)
    loss_mask = (jnp.arange(Ln)[None, :] < end_idx[:, None]).astype(jnp.float32)
    # hash-table lookup -> dense gather over the vocab table (embedding lookup)
    in_vocab_ids = jnp.clip(input_seqs, 0, VOCAB_SIZE)
    vocab_words = jnp.take(table, in_vocab_ids, axis=0)
    # gather oov words: batch-wise gather_nd equivalent
    oov_input_seqs = jnp.where(input_seqs > VOCAB_SIZE, input_seqs - VOCAB_SIZE, 0)
    oov_words = jnp.take_along_axis(oovs, oov_input_seqs, axis=1)
    words = jnp.where(oovs_mask == 1, oov_words, vocab_words)
    # positions past sentence end are blanked ('' -> 0.0)
    words = jnp.where(loss_mask == 0, 0.0, words)
    return (words, loss_mask)

if __name__ == "__main__":
    import jax
    _d = setup_inputs()
    print(jax.jit(kernel)(*tuple(_d.values())))

</pallas_src>

<mosaic_0001>
#map = affine_map<(d0, d1) -> (0, 0)>
#map1 = affine_map<(d0, d1) -> (0)>
module attributes {stable_mosaic.version = 14 : i64} {
  func.func @_body(%arg0: i32, %arg1: i32, %arg2: memref<200x4096xi32, #tpu.memory_space<hbm>>, %arg3: memref<51x4096xf32, #tpu.memory_space<hbm>>, %arg4: memref<100001xf32, #tpu.memory_space<hbm>>, %arg5: memref<200x4096xf32, #tpu.memory_space<hbm>>, %arg6: memref<200x4096xf32, #tpu.memory_space<hbm>>, %arg7: memref<100001xf32, #tpu.memory_space<vmem>>, %arg8: memref<40x128xi32, #tpu.memory_space<vmem>>, %arg9: memref<40x128xi32, #tpu.memory_space<vmem>>, %arg10: memref<51x128xf32, #tpu.memory_space<vmem>>, %arg11: memref<40x128xf32, #tpu.memory_space<vmem>>, %arg12: memref<40x128xf32, #tpu.memory_space<vmem>>, %arg13: memref<!tpu.dma_semaphore, #tpu.memory_space<semaphore_mem>>, %arg14: memref<!tpu.dma_semaphore, #tpu.memory_space<semaphore_mem>>, %arg15: memref<!tpu.dma_semaphore, #tpu.memory_space<semaphore_mem>>, %arg16: memref<!tpu.dma_semaphore, #tpu.memory_space<semaphore_mem>>, %arg17: memref<!tpu.dma_semaphore, #tpu.memory_space<semaphore_mem>>, %arg18: memref<!tpu.dma_semaphore, #tpu.memory_space<semaphore_mem>>) attributes {dimension_semantics = [#tpu.dimension_semantics<core_parallel>, #tpu.dimension_semantics<subcore_parallel>], iteration_bounds = array<i64: 2, 16>, scalar_prefetch = 0 : i64, scratch_operands = 12 : i64, tpu.core_type = #tpu.core_type<sc_vector_subcore>, window_params = [{transform_indices = #map}, {transform_indices = #map}, {transform_indices = #map1}, {transform_indices = #map}, {transform_indices = #map}]} {
    %mul3A = arith.constant 2 : i32
    %mul3A_0 = arith.muli %arg1, %mul3A : i32
    %add3A = arith.addi %mul3A_0, %arg0 : i32
    %mul3A_1 = arith.constant 128 : i32
    %mul3A_2 = arith.muli %add3A, %mul3A_1 : i32
    tpu.enqueue_dma source(%arg4 : memref<100001xf32, #tpu.memory_space<hbm>>) target(%arg7 : memref<100001xf32, #tpu.memory_space<vmem>>) target_semaphore(%arg13 : memref<!tpu.dma_semaphore, #tpu.memory_space<semaphore_mem>>)
    %dma_start3A = arith.constant 0 : i32
    %dma_start3A_3 = tpu.memref_slice %arg2[%dma_start3A, %mul3A_2] : memref<200x4096xi32, #tpu.memory_space<hbm>> -> memref<40x128xi32, #tpu.memory_space<hbm>>
    %dma_start3A_4 = arith.constant 0 : i32
    %dma_start3A_5 = tpu.memref_slice %arg2[%dma_start3A_4, %mul3A_2] : memref<200x4096xi32, #tpu.memory_space<hbm>> -> memref<40x128xi32, #tpu.memory_space<hbm>>
    tpu.enqueue_dma source(%dma_start3A_5 : memref<40x128xi32, #tpu.memory_space<hbm>>) target(%arg8 : memref<40x128xi32, #tpu.memory_space<vmem>>) target_semaphore(%arg15 : memref<!tpu.dma_semaphore, #tpu.memory_space<semaphore_mem>>)
    %dma_start3A_6 = arith.constant 0 : i32
    %dma_start3A_7 = tpu.memref_slice %arg3[%dma_start3A_6, %mul3A_2] : memref<51x4096xf32, #tpu.memory_space<hbm>> -> memref<51x128xf32, #tpu.memory_space<hbm>>
    %dma_start3A_8 = arith.constant 0 : i32
    %dma_start3A_9 = tpu.memref_slice %arg3[%dma_start3A_8, %mul3A_2] : memref<51x4096xf32, #tpu.memory_space<hbm>> -> memref<51x128xf32, #tpu.memory_space<hbm>>
    tpu.enqueue_dma source(%dma_start3A_9 : memref<51x128xf32, #tpu.memory_space<hbm>>) target(%arg10 : memref<51x128xf32, #tpu.memory_space<vmem>>) target_semaphore(%arg14 : memref<!tpu.dma_semaphore, #tpu.memory_space<semaphore_mem>>)
    %iota3A = tpu.iota {dimensions = array<i32: 0>} : vector<16xi32>
    %add3A_10 = arith.constant 0 : i32
    %add3A_11 = vector.broadcast %add3A_10 : i32 to vector<16xi32>
    %add3A_12 = arith.addi %iota3A, %add3A_11 : vector<16xi32>
    %add3A_13 = arith.constant 16 : i32
    %add3A_14 = vector.broadcast %add3A_13 : i32 to vector<16xi32>
    %add3A_15 = arith.addi %iota3A, %add3A_14 : vector<16xi32>
    %add3A_16 = arith.constant 32 : i32
    %add3A_17 = vector.broadcast %add3A_16 : i32 to vector<16xi32>
    %add3A_18 = arith.addi %iota3A, %add3A_17 : vector<16xi32>
    %add3A_19 = arith.constant 48 : i32
    %add3A_20 = vector.broadcast %add3A_19 : i32 to vector<16xi32>
    %add3A_21 = arith.addi %iota3A, %add3A_20 : vector<16xi32>
    %add3A_22 = arith.constant 64 : i32
    %add3A_23 = vector.broadcast %add3A_22 : i32 to vector<16xi32>
    %add3A_24 = arith.addi %iota3A, %add3A_23 : vector<16xi32>
    %add3A_25 = arith.constant 80 : i32
    %add3A_26 = vector.broadcast %add3A_25 : i32 to vector<16xi32>
    %add3A_27 = arith.addi %iota3A, %add3A_26 : vector<16xi32>
    %add3A_28 = arith.constant 96 : i32
    %add3A_29 = vector.broadcast %add3A_28 : i32 to vector<16xi32>
    %add3A_30 = arith.addi %iota3A, %add3A_29 : vector<16xi32>
    %add3A_31 = arith.constant 112 : i32
    %add3A_32 = vector.broadcast %add3A_31 : i32 to vector<16xi32>
    %add3A_33 = arith.addi %iota3A, %add3A_32 : vector<16xi32>
    %broadcast_in_dim3A = arith.constant 1 : i32
    %broadcast_in_dim3A_34 = vector.broadcast %broadcast_in_dim3A : i32 to vector<16xi32>
    %broadcast_in_dim3A_35 = arith.constant 1 : i32
    %broadcast_in_dim3A_36 = vector.broadcast %broadcast_in_dim3A_35 : i32 to vector<16xi32>
    %broadcast_in_dim3A_37 = arith.constant 1 : i32
    %broadcast_in_dim3A_38 = vector.broadcast %broadcast_in_dim3A_37 : i32 to vector<16xi32>
    %broadcast_in_dim3A_39 = arith.constant 1 : i32
    %broadcast_in_dim3A_40 = vector.broadcast %broadcast_in_dim3A_39 : i32 to vector<16xi32>
    %broadcast_in_dim3A_41 = arith.constant 1 : i32
    %broadcast_in_dim3A_42 = vector.broadcast %broadcast_in_dim3A_41 : i32 to vector<16xi32>
    %broadcast_in_dim3A_43 = arith.constant 1 : i32
    %broadcast_in_dim3A_44 = vector.broadcast %broadcast_in_dim3A_43 : i32 to vector<16xi32>
    %broadcast_in_dim3A_45 = arith.constant 1 : i32
    %broadcast_in_dim3A_46 = vector.broadcast %broadcast_in_dim3A_45 : i32 to vector<16xi32>
    %broadcast_in_dim3A_47 = arith.constant 1 : i32
    %broadcast_in_dim3A_48 = vector.broadcast %broadcast_in_dim3A_47 : i32 to vector<16xi32>
    %dma_wait3A = arith.constant 0 : i32
    %dma_wait3A_49 = tpu.memref_slice %arg2[%dma_wait3A, %mul3A_2] : memref<200x4096xi32, #tpu.memory_space<hbm>> -> memref<40x128xi32, #tpu.memory_space<hbm>>
    %dma_wait3A_50 = arith.constant 0 : i32
    %dma_wait3A_51 = tpu.memref_slice %arg2[%dma_wait3A_50, %mul3A_2] : memref<200x4096xi32, #tpu.memory_space<hbm>> -> memref<40x128xi32, #tpu.memory_space<hbm>>
    tpu.wait_dma2 semaphore(%arg15 : memref<!tpu.dma_semaphore, #tpu.memory_space<semaphore_mem>>) src(%dma_wait3A_51 : memref<40x128xi32, #tpu.memory_space<hbm>>) dst(%arg8 : memref<40x128xi32, #tpu.memory_space<vmem>>)
    %dma_start3A_52 = arith.constant 40 : i32
    %dma_start3A_53 = tpu.memref_slice %arg2[%dma_start3A_52, %mul3A_2] : memref<200x4096xi32, #tpu.memory_space<hbm>> -> memref<40x128xi32, #tpu.memory_space<hbm>>
    %dma_start3A_54 = arith.constant 40 : i32
    %dma_start3A_55 = tpu.memref_slice %arg2[%dma_start3A_54, %mul3A_2] : memref<200x4096xi32, #tpu.memory_space<hbm>> -> memref<40x128xi32, #tpu.memory_space<hbm>>
    tpu.enqueue_dma source(%dma_start3A_55 : memref<40x128xi32, #tpu.memory_space<hbm>>) target(%arg9 : memref<40x128xi32, #tpu.memory_space<vmem>>) target_semaphore(%arg16 : memref<!tpu.dma_semaphore, #tpu.memory_space<semaphore_mem>>)
    tpu.wait_dma2 semaphore(%arg13 : memref<!tpu.dma_semaphore, #tpu.memory_space<semaphore_mem>>) src(%arg4 : memref<100001xf32, #tpu.memory_space<hbm>>) dst(%arg7 : memref<100001xf32, #tpu.memory_space<vmem>>)
    %dma_wait3A_56 = arith.constant 0 : i32
    %dma_wait3A_57 = tpu.memref_slice %arg3[%dma_wait3A_56, %mul3A_2] : memref<51x4096xf32, #tpu.memory_space<hbm>> -> memref<51x128xf32, #tpu.memory_space<hbm>>
    %dma_wait3A_58 = arith.constant 0 : i32
    %dma_wait3A_59 = tpu.memref_slice %arg3[%dma_wait3A_58, %mul3A_2] : memref<51x4096xf32, #tpu.memory_space<hbm>> -> memref<51x128xf32, #tpu.memory_space<hbm>>
    tpu.wait_dma2 semaphore(%arg14 : memref<!tpu.dma_semaphore, #tpu.memory_space<semaphore_mem>>) src(%dma_wait3A_59 : memref<51x128xf32, #tpu.memory_space<hbm>>) dst(%arg10 : memref<51x128xf32, #tpu.memory_space<vmem>>)
    %scan3A = arith.constant 0 : i32
    %scan3A_60 = arith.constant 40 : i32
    %scan3A_61 = arith.addi %scan3A, %scan3A_60 : i32
    %scan3A_62 = arith.constant 1 : i32
    %scan3A_63:8 = scf.for %scan3A_197 = %scan3A to %scan3A_61 step %scan3A_62 iter_args(%scan3A_198 = %broadcast_in_dim3A_34, %scan3A_199 = %broadcast_in_dim3A_36, %scan3A_200 = %broadcast_in_dim3A_38, %scan3A_201 = %broadcast_in_dim3A_40, %scan3A_202 = %broadcast_in_dim3A_42, %scan3A_203 = %broadcast_in_dim3A_44, %scan3A_204 = %broadcast_in_dim3A_46, %scan3A_205 = %broadcast_in_dim3A_48) -> (vector<16xi32>, vector<16xi32>, vector<16xi32>, vector<16xi32>, vector<16xi32>, vector<16xi32>, vector<16xi32>, vector<16xi32>)  : i32 {
      %get3A = arith.index_cast %scan3A_197 : i32 to index
      %get3A_206 = arith.constant 0 : index
      %get3A_207 = tpu.vector_load %arg8[%get3A, %get3A_206] {strides = array<i32>} : memref<40x128xi32, #tpu.memory_space<vmem>>, vector<16xi32>,
      %eq3A = arith.constant 1 : i32
      %eq3A_208 = vector.broadcast %eq3A : i32 to vector<16xi32>
      %eq3A_209 = arith.cmpi eq, %get3A_207, %eq3A_208 : vector<16xi32>
      %jit3A = arith.constant 0 : i32
      %broadcast_in_dim3A_210 = vector.broadcast %jit3A : i32 to vector<16xi32>
      %select_n3A = arith.select %eq3A_209, %broadcast_in_dim3A_210, %scan3A_198 : vector<16xi1>, vector<16xi32>
      %convert_element_type3A = arith.sitofp %select_n3A : vector<16xi32> to vector<16xf32>
      %min3A = arith.constant 100000 : i32
      %min3A_211 = vector.broadcast %min3A : i32 to vector<16xi32>
      %min3A_212 = arith.minsi %get3A_207, %min3A_211 : vector<16xi32>
      %gather3A = tpu.vector_load_idx %arg7[%min3A_212] : memref<100001xf32, #tpu.memory_space<vmem>>[vector<16xi32>], vector<16xf32>,
      %gt3A = arith.constant 100000 : i32
      %gt3A_213 = vector.broadcast %gt3A : i32 to vector<16xi32>
      %gt3A_214 = arith.cmpi sgt, %get3A_207, %gt3A_213 : vector<16xi32>
      %sub3A = arith.constant 100000 : i32
      %sub3A_215 = vector.broadcast %sub3A : i32 to vector<16xi32>
      %sub3A_216 = arith.subi %get3A_207, %sub3A_215 : vector<16xi32>
      %jit3A_217 = arith.constant 0 : i32
      %broadcast_in_dim3A_218 = vector.broadcast %jit3A_217 : i32 to vector<16xi32>
      %select_n3A_219 = arith.select %gt3A_214, %sub3A_216, %broadcast_in_dim3A_218 : vector<16xi1>, vector<16xi32>
      %gather3A_220 = tpu.vector_load_idx %arg10[%select_n3A_219, %add3A_12] : memref<51x128xf32, #tpu.memory_space<vmem>>[vector<16xi32>, vector<16xi32>], vector<16xf32>,
      %select_n3A_221 = arith.select %gt3A_214, %gather3A_220, %gather3A : vector<16xi1>, vector<16xf32>
      %eq3A_222 = arith.constant 0 : i32
      %eq3A_223 = vector.broadcast %eq3A_222 : i32 to vector<16xi32>
      %eq3A_224 = arith.cmpi eq, %select_n3A, %eq3A_223 : vector<16xi32>
      %jit3A_225 = arith.constant 0.000000e+00 : f32
      %broadcast_in_dim3A_226 = vector.broadcast %jit3A_225 : f32 to vector<16xf32>
      %select_n3A_227 = arith.select %eq3A_224, %broadcast_in_dim3A_226, %select_n3A_221 : vector<16xi1>, vector<16xf32>
      %swap3A = arith.index_cast %scan3A_197 : i32 to index
      %swap3A_228 = arith.constant 0 : index
      %swap3A_229 = tpu.vector_load %arg11[%swap3A, %swap3A_228] {strides = array<i32>} : memref<40x128xf32, #tpu.memory_space<vmem>>, vector<16xf32>,
      tpu.vector_store %arg11[%swap3A, %swap3A_228], %select_n3A_227 {strides = array<i32>} : memref<40x128xf32, #tpu.memory_space<vmem>>, vector<16xf32>,
      %swap3A_230 = arith.index_cast %scan3A_197 : i32 to index
      %swap3A_231 = arith.constant 0 : index
      %swap3A_232 = tpu.vector_load %arg12[%swap3A_230, %swap3A_231] {strides = array<i32>} : memref<40x128xf32, #tpu.memory_space<vmem>>, vector<16xf32>,
      tpu.vector_store %arg12[%swap3A_230, %swap3A_231], %convert_element_type3A {strides = array<i32>} : memref<40x128xf32, #tpu.memory_space<vmem>>, vector<16xf32>,
      %get3A_233 = arith.index_cast %scan3A_197 : i32 to index
      %get3A_234 = arith.constant 16 : index
      %get3A_235 = tpu.vector_load %arg8[%get3A_233, %get3A_234] {strides = array<i32>} : memref<40x128xi32, #tpu.memory_space<vmem>>, vector<16xi32>,
      %eq3A_236 = arith.constant 1 : i32
      %eq3A_237 = vector.broadcast %eq3A_236 : i32 to vector<16xi32>
      %eq3A_238 = arith.cmpi eq, %get3A_235, %eq3A_237 : vector<16xi32>
      %jit3A_239 = arith.constant 0 : i32
      %broadcast_in_dim3A_240 = vector.broadcast %jit3A_239 : i32 to vector<16xi32>
      %select_n3A_241 = arith.select %eq3A_238, %broadcast_in_dim3A_240, %scan3A_199 : vector<16xi1>, vector<16xi32>
      %convert_element_type3A_242 = arith.sitofp %select_n3A_241 : vector<16xi32> to vector<16xf32>
      %min3A_243 = arith.constant 100000 : i32
      %min3A_244 = vector.broadcast %min3A_243 : i32 to vector<16xi32>
      %min3A_245 = arith.minsi %get3A_235, %min3A_244 : vector<16xi32>
      %gather3A_246 = tpu.vector_load_idx %arg7[%min3A_245] : memref<100001xf32, #tpu.memory_space<vmem>>[vector<16xi32>], vector<16xf32>,
      %gt3A_247 = arith.constant 100000 : i32
      %gt3A_248 = vector.broadcast %gt3A_247 : i32 to vector<16xi32>
      %gt3A_249 = arith.cmpi sgt, %get3A_235, %gt3A_248 : vector<16xi32>
      %sub3A_250 = arith.constant 100000 : i32
      %sub3A_251 = vector.broadcast %sub3A_250 : i32 to vector<16xi32>
      %sub3A_252 = arith.subi %get3A_235, %sub3A_251 : vector<16xi32>
      %jit3A_253 = arith.constant 0 : i32
      %broadcast_in_dim3A_254 = vector.broadcast %jit3A_253 : i32 to vector<16xi32>
      %select_n3A_255 = arith.select %gt3A_249, %sub3A_252, %broadcast_in_dim3A_254 : vector<16xi1>, vector<16xi32>
      %gather3A_256 = tpu.vector_load_idx %arg10[%select_n3A_255, %add3A_15] : memref<51x128xf32, #tpu.memory_space<vmem>>[vector<16xi32>, vector<16xi32>], vector<16xf32>,
      %select_n3A_257 = arith.select %gt3A_249, %gather3A_256, %gather3A_246 : vector<16xi1>, vector<16xf32>
      %eq3A_258 = arith.constant 0 : i32
      %eq3A_259 = vector.broadcast %eq3A_258 : i32 to vector<16xi32>
      %eq3A_260 = arith.cmpi eq, %select_n3A_241, %eq3A_259 : vector<16xi32>
      %jit3A_261 = arith.constant 0.000000e+00 : f32
      %broadcast_in_dim3A_262 = vector.broadcast %jit3A_261 : f32 to vector<16xf32>
      %select_n3A_263 = arith.select %eq3A_260, %broadcast_in_dim3A_262, %select_n3A_257 : vector<16xi1>, vector<16xf32>
      %swap3A_264 = arith.index_cast %scan3A_197 : i32 to index
      %swap3A_265 = arith.constant 16 : index
      %swap3A_266 = tpu.vector_load %arg11[%swap3A_264, %swap3A_265] {strides = array<i32>} : memref<40x128xf32, #tpu.memory_space<vmem>>, vector<16xf32>,
      tpu.vector_store %arg11[%swap3A_264, %swap3A_265], %select_n3A_263 {strides = array<i32>} : memref<40x128xf32, #tpu.memory_space<vmem>>, vector<16xf32>,
      %swap3A_267 = arith.index_cast %scan3A_197 : i32 to index
      %swap3A_268 = arith.constant 16 : index
      %swap3A_269 = tpu.vector_load %arg12[%swap3A_267, %swap3A_268] {strides = array<i32>} : memref<40x128xf32, #tpu.memory_space<vmem>>, vector<16xf32>,
      tpu.vector_store %arg12[%swap3A_267, %swap3A_268], %convert_element_type3A_242 {strides = array<i32>} : memref<40x128xf32, #tpu.memory_space<vmem>>, vector<16xf32>,
      %get3A_270 = arith.index_cast %scan3A_197 : i32 to index
      %get3A_271 = arith.constant 32 : index
      %get3A_272 = tpu.vector_load %arg8[%get3A_270, %get3A_271] {strides = array<i32>} : memref<40x128xi32, #tpu.memory_space<vmem>>, vector<16xi32>,
      %eq3A_273 = arith.constant 1 : i32
      %eq3A_274 = vector.broadcast %eq3A_273 : i32 to vector<16xi32>
      %eq3A_275 = arith.cmpi eq, %get3A_272, %eq3A_274 : vector<16xi32>
      %jit3A_276 = arith.constant 0 : i32
      %broadcast_in_dim3A_277 = vector.broadcast %jit3A_276 : i32 to vector<16xi32>
      %select_n3A_278 = arith.select %eq3A_275, %broadcast_in_dim3A_277, %scan3A_200 : vector<16xi1>, vector<16xi32>
      %convert_element_type3A_279 = arith.sitofp %select_n3A_278 : vector<16xi32> to vector<16xf32>
      %min3A_280 = arith.constant 100000 : i32
      %min3A_281 = vector.broadcast %min3A_280 : i32 to vector<16xi32>
      %min3A_282 = arith.minsi %get3A_272, %min3A_281 : vector<16xi32>
      %gather3A_283 = tpu.vector_load_idx %arg7[%min3A_282] : memref<100001xf32, #tpu.memory_space<vmem>>[vector<16xi32>], vector<16xf32>,
      %gt3A_284 = arith.constant 100000 : i32
      %gt3A_285 = vector.broadcast %gt3A_284 : i32 to vector<16xi32>
      %gt3A_286 = arith.cmpi sgt, %get3A_272, %gt3A_285 : vector<16xi32>
      %sub3A_287 = arith.constant 100000 : i32
      %sub3A_288 = vector.broadcast %sub3A_287 : i32 to vector<16xi32>
      %sub3A_289 = arith.subi %get3A_272, %sub3A_288 : vector<16xi32>
      %jit3A_290 = arith.constant 0 : i32
      %broadcast_in_dim3A_291 = vector.broadcast %jit3A_290 : i32 to vector<16xi32>
      %select_n3A_292 = arith.select %gt3A_286, %sub3A_289, %broadcast_in_dim3A_291 : vector<16xi1>, vector<16xi32>
      %gather3A_293 = tpu.vector_load_idx %arg10[%select_n3A_292, %add3A_18] : memref<51x128xf32, #tpu.memory_space<vmem>>[vector<16xi32>, vector<16xi32>], vector<16xf32>,
      %select_n3A_294 = arith.select %gt3A_286, %gather3A_293, %gather3A_283 : vector<16xi1>, vector<16xf32>
      %eq3A_295 = arith.constant 0 : i32
      %eq3A_296 = vector.broadcast %eq3A_295 : i32 to vector<16xi32>
      %eq3A_297 = arith.cmpi eq, %select_n3A_278, %eq3A_296 : vector<16xi32>
      %jit3A_298 = arith.constant 0.000000e+00 : f32
      %broadcast_in_dim3A_299 = vector.broadcast %jit3A_298 : f32 to vector<16xf32>
      %select_n3A_300 = arith.select %eq3A_297, %broadcast_in_dim3A_299, %select_n3A_294 : vector<16xi1>, vector<16xf32>
      %swap3A_301 = arith.index_cast %scan3A_197 : i32 to index
      %swap3A_302 = arith.constant 32 : index
      %swap3A_303 = tpu.vector_load %arg11[%swap3A_301, %swap3A_302] {strides = array<i32>} : memref<40x128xf32, #tpu.memory_space<vmem>>, vector<16xf32>,
      tpu.vector_store %arg11[%swap3A_301, %swap3A_302], %select_n3A_300 {strides = array<i32>} : memref<40x128xf32, #tpu.memory_space<vmem>>, vector<16xf32>,
      %swap3A_304 = arith.index_cast %scan3A_197 : i32 to index
      %swap3A_305 = arith.constant 32 : index
      %swap3A_306 = tpu.vector_load %arg12[%swap3A_304, %swap3A_305] {strides = array<i32>} : memref<40x128xf32, #tpu.memory_space<vmem>>, vector<16xf32>,
      tpu.vector_store %arg12[%swap3A_304, %swap3A_305], %convert_element_type3A_279 {strides = array<i32>} : memref<40x128xf32, #tpu.memory_space<vmem>>, vector<16xf32>,
      %get3A_307 = arith.index_cast %scan3A_197 : i32 to index
      %get3A_308 = arith.constant 48 : index
      %get3A_309 = tpu.vector_load %arg8[%get3A_307, %get3A_308] {strides = array<i32>} : memref<40x128xi32, #tpu.memory_space<vmem>>, vector<16xi32>,
      %eq3A_310 = arith.constant 1 : i32
      %eq3A_311 = vector.broadcast %eq3A_310 : i32 to vector<16xi32>
      %eq3A_312 = arith.cmpi eq, %get3A_309, %eq3A_311 : vector<16xi32>
      %jit3A_313 = arith.constant 0 : i32
      %broadcast_in_dim3A_314 = vector.broadcast %jit3A_313 : i32 to vector<16xi32>
      %select_n3A_315 = arith.select %eq3A_312, %broadcast_in_dim3A_314, %scan3A_201 : vector<16xi1>, vector<16xi32>
      %convert_element_type3A_316 = arith.sitofp %select_n3A_315 : vector<16xi32> to vector<16xf32>
      %min3A_317 = arith.constant 100000 : i32
      %min3A_318 = vector.broadcast %min3A_317 : i32 to vector<16xi32>
      %min3A_319 = arith.minsi %get3A_309, %min3A_318 : vector<16xi32>
      %gather3A_320 = tpu.vector_load_idx %arg7[%min3A_319] : memref<100001xf32, #tpu.memory_space<vmem>>[vector<16xi32>], vector<16xf32>,
      %gt3A_321 = arith.constant 100000 : i32
      %gt3A_322 = vector.broadcast %gt3A_321 : i32 to vector<16xi32>
      %gt3A_323 = arith.cmpi sgt, %get3A_309, %gt3A_322 : vector<16xi32>
      %sub3A_324 = arith.constant 100000 : i32
      %sub3A_325 = vector.broadcast %sub3A_324 : i32 to vector<16xi32>
      %sub3A_326 = arith.subi %get3A_309, %sub3A_325 : vector<16xi32>
      %jit3A_327 = arith.constant 0 : i32
      %broadcast_in_dim3A_328 = vector.broadcast %jit3A_327 : i32 to vector<16xi32>
      %select_n3A_329 = arith.select %gt3A_323, %sub3A_326, %broadcast_in_dim3A_328 : vector<16xi1>, vector<16xi32>
      %gather3A_330 = tpu.vector_load_idx %arg10[%select_n3A_329, %add3A_21] : memref<51x128xf32, #tpu.memory_space<vmem>>[vector<16xi32>, vector<16xi32>], vector<16xf32>,
      %select_n3A_331 = arith.select %gt3A_323, %gather3A_330, %gather3A_320 : vector<16xi1>, vector<16xf32>
      %eq3A_332 = arith.constant 0 : i32
      %eq3A_333 = vector.broadcast %eq3A_332 : i32 to vector<16xi32>
      %eq3A_334 = arith.cmpi eq, %select_n3A_315, %eq3A_333 : vector<16xi32>
      %jit3A_335 = arith.constant 0.000000e+00 : f32
      %broadcast_in_dim3A_336 = vector.broadcast %jit3A_335 : f32 to vector<16xf32>
      %select_n3A_337 = arith.select %eq3A_334, %broadcast_in_dim3A_336, %select_n3A_331 : vector<16xi1>, vector<16xf32>
      %swap3A_338 = arith.index_cast %scan3A_197 : i32 to index
      %swap3A_339 = arith.constant 48 : index
      %swap3A_340 = tpu.vector_load %arg11[%swap3A_338, %swap3A_339] {strides = array<i32>} : memref<40x128xf32, #tpu.memory_space<vmem>>, vector<16xf32>,
      tpu.vector_store %arg11[%swap3A_338, %swap3A_339], %select_n3A_337 {strides = array<i32>} : memref<40x128xf32, #tpu.memory_space<vmem>>, vector<16xf32>,
      %swap3A_341 = arith.index_cast %scan3A_197 : i32 to index
      %swap3A_342 = arith.constant 48 : index
      %swap3A_343 = tpu.vector_load %arg12[%swap3A_341, %swap3A_342] {strides = array<i32>} : memref<40x128xf32, #tpu.memory_space<vmem>>, vector<16xf32>,
      tpu.vector_store %arg12[%swap3A_341, %swap3A_342], %convert_element_type3A_316 {strides = array<i32>} : memref<40x128xf32, #tpu.memory_space<vmem>>, vector<16xf32>,
      %get3A_344 = arith.index_cast %scan3A_197 : i32 to index
      %get3A_345 = arith.constant 64 : index
      %get3A_346 = tpu.vector_load %arg8[%get3A_344, %get3A_345] {strides = array<i32>} : memref<40x128xi32, #tpu.memory_space<vmem>>, vector<16xi32>,
      %eq3A_347 = arith.constant 1 : i32
      %eq3A_348 = vector.broadcast %eq3A_347 : i32 to vector<16xi32>
      %eq3A_349 = arith.cmpi eq, %get3A_346, %eq3A_348 : vector<16xi32>
      %jit3A_350 = arith.constant 0 : i32
      %broadcast_in_dim3A_351 = vector.broadcast %jit3A_350 : i32 to vector<16xi32>
      %select_n3A_352 = arith.select %eq3A_349, %broadcast_in_dim3A_351, %scan3A_202 : vector<16xi1>, vector<16xi32>
      %convert_element_type3A_353 = arith.sitofp %select_n3A_352 : vector<16xi32> to vector<16xf32>
      %min3A_354 = arith.constant 100000 : i32
      %min3A_355 = vector.broadcast %min3A_354 : i32 to vector<16xi32>
      %min3A_356 = arith.minsi %get3A_346, %min3A_355 : vector<16xi32>
      %gather3A_357 = tpu.vector_load_idx %arg7[%min3A_356] : memref<100001xf32, #tpu.memory_space<vmem>>[vector<16xi32>], vector<16xf32>,
      %gt3A_358 = arith.constant 100000 : i32
      %gt3A_359 = vector.broadcast %gt3A_358 : i32 to vector<16xi32>
      %gt3A_360 = arith.cmpi sgt, %get3A_346, %gt3A_359 : vector<16xi32>
      %sub3A_361 = arith.constant 100000 : i32
      %sub3A_362 = vector.broadcast %sub3A_361 : i32 to vector<16xi32>
      %sub3A_363 = arith.subi %get3A_346, %sub3A_362 : vector<16xi32>
      %jit3A_364 = arith.constant 0 : i32
      %broadcast_in_dim3A_365 = vector.broadcast %jit3A_364 : i32 to vector<16xi32>
      %select_n3A_366 = arith.select %gt3A_360, %sub3A_363, %broadcast_in_dim3A_365 : vector<16xi1>, vector<16xi32>
      %gather3A_367 = tpu.vector_load_idx %arg10[%select_n3A_366, %add3A_24] : memref<51x128xf32, #tpu.memory_space<vmem>>[vector<16xi32>, vector<16xi32>], vector<16xf32>,
      %select_n3A_368 = arith.select %gt3A_360, %gather3A_367, %gather3A_357 : vector<16xi1>, vector<16xf32>
      %eq3A_369 = arith.constant 0 : i32
      %eq3A_370 = vector.broadcast %eq3A_369 : i32 to vector<16xi32>
      %eq3A_371 = arith.cmpi eq, %select_n3A_352, %eq3A_370 : vector<16xi32>
      %jit3A_372 = arith.constant 0.000000e+00 : f32
      %broadcast_in_dim3A_373 = vector.broadcast %jit3A_372 : f32 to vector<16xf32>
      %select_n3A_374 = arith.select %eq3A_371, %broadcast_in_dim3A_373, %select_n3A_368 : vector<16xi1>, vector<16xf32>
      %swap3A_375 = arith.index_cast %scan3A_197 : i32 to index
      %swap3A_376 = arith.constant 64 : index
      %swap3A_377 = tpu.vector_load %arg11[%swap3A_375, %swap3A_376] {strides = array<i32>} : memref<40x128xf32, #tpu.memory_space<vmem>>, vector<16xf32>,
      tpu.vector_store %arg11[%swap3A_375, %swap3A_376], %select_n3A_374 {strides = array<i32>} : memref<40x128xf32, #tpu.memory_space<vmem>>, vector<16xf32>,
      %swap3A_378 = arith.index_cast %scan3A_197 : i32 to index
      %swap3A_379 = arith.constant 64 : index
      %swap3A_380 = tpu.vector_load %arg12[%swap3A_378, %swap3A_379] {strides = array<i32>} : memref<40x128xf32, #tpu.memory_space<vmem>>, vector<16xf32>,
      tpu.vector_store %arg12[%swap3A_378, %swap3A_379], %convert_element_type3A_353 {strides = array<i32>} : memref<40x128xf32, #tpu.memory_space<vmem>>, vector<16xf32>,
      %get3A_381 = arith.index_cast %scan3A_197 : i32 to index
      %get3A_382 = arith.constant 80 : index
      %get3A_383 = tpu.vector_load %arg8[%get3A_381, %get3A_382] {strides = array<i32>} : memref<40x128xi32, #tpu.memory_space<vmem>>, vector<16xi32>,
      %eq3A_384 = arith.constant 1 : i32
      %eq3A_385 = vector.broadcast %eq3A_384 : i32 to vector<16xi32>
      %eq3A_386 = arith.cmpi eq, %get3A_383, %eq3A_385 : vector<16xi32>
      %jit3A_387 = arith.constant 0 : i32
      %broadcast_in_dim3A_388 = vector.broadcast %jit3A_387 : i32 to vector<16xi32>
      %select_n3A_389 = arith.select %eq3A_386, %broadcast_in_dim3A_388, %scan3A_203 : vector<16xi1>, vector<16xi32>
      %convert_element_type3A_390 = arith.sitofp %select_n3A_389 : vector<16xi32> to vector<16xf32>
      %min3A_391 = arith.constant 100000 : i32
      %min3A_392 = vector.broadcast %min3A_391 : i32 to vector<16xi32>
      %min3A_393 = arith.minsi %get3A_383, %min3A_392 : vector<16xi32>
      %gather3A_394 = tpu.vector_load_idx %arg7[%min3A_393] : memref<100001xf32, #tpu.memory_space<vmem>>[vector<16xi32>], vector<16xf32>,
      %gt3A_395 = arith.constant 100000 : i32
      %gt3A_396 = vector.broadcast %gt3A_395 : i32 to vector<16xi32>
      %gt3A_397 = arith.cmpi sgt, %get3A_383, %gt3A_396 : vector<16xi32>
      %sub3A_398 = arith.constant 100000 : i32
      %sub3A_399 = vector.broadcast %sub3A_398 : i32 to vector<16xi32>
      %sub3A_400 = arith.subi %get3A_383, %sub3A_399 : vector<16xi32>
      %jit3A_401 = arith.constant 0 : i32
      %broadcast_in_dim3A_402 = vector.broadcast %jit3A_401 : i32 to vector<16xi32>
      %select_n3A_403 = arith.select %gt3A_397, %sub3A_400, %broadcast_in_dim3A_402 : vector<16xi1>, vector<16xi32>
      %gather3A_404 = tpu.vector_load_idx %arg10[%select_n3A_403, %add3A_27] : memref<51x128xf32, #tpu.memory_space<vmem>>[vector<16xi32>, vector<16xi32>], vector<16xf32>,
      %select_n3A_405 = arith.select %gt3A_397, %gather3A_404, %gather3A_394 : vector<16xi1>, vector<16xf32>
      %eq3A_406 = arith.constant 0 : i32
      %eq3A_407 = vector.broadcast %eq3A_406 : i32 to vector<16xi32>
      %eq3A_408 = arith.cmpi eq, %select_n3A_389, %eq3A_407 : vector<16xi32>
      %jit3A_409 = arith.constant 0.000000e+00 : f32
      %broadcast_in_dim3A_410 = vector.broadcast %jit3A_409 : f32 to vector<16xf32>
      %select_n3A_411 = arith.select %eq3A_408, %broadcast_in_dim3A_410, %select_n3A_405 : vector<16xi1>, vector<16xf32>
      %swap3A_412 = arith.index_cast %scan3A_197 : i32 to index
      %swap3A_413 = arith.constant 80 : index
      %swap3A_414 = tpu.vector_load %arg11[%swap3A_412, %swap3A_413] {strides = array<i32>} : memref<40x128xf32, #tpu.memory_space<vmem>>, vector<16xf32>,
      tpu.vector_store %arg11[%swap3A_412, %swap3A_413], %select_n3A_411 {strides = array<i32>} : memref<40x128xf32, #tpu.memory_space<vmem>>, vector<16xf32>,
      %swap3A_415 = arith.index_cast %scan3A_197 : i32 to index
      %swap3A_416 = arith.constant 80 : index
      %swap3A_417 = tpu.vector_load %arg12[%swap3A_415, %swap3A_416] {strides = array<i32>} : memref<40x128xf32, #tpu.memory_space<vmem>>, vector<16xf32>,
      tpu.vector_store %arg12[%swap3A_415, %swap3A_416], %convert_element_type3A_390 {strides = array<i32>} : memref<40x128xf32, #tpu.memory_space<vmem>>, vector<16xf32>,
      %get3A_418 = arith.index_cast %scan3A_197 : i32 to index
      %get3A_419 = arith.constant 96 : index
      %get3A_420 = tpu.vector_load %arg8[%get3A_418, %get3A_419] {strides = array<i32>} : memref<40x128xi32, #tpu.memory_space<vmem>>, vector<16xi32>,
      %eq3A_421 = arith.constant 1 : i32
      %eq3A_422 = vector.broadcast %eq3A_421 : i32 to vector<16xi32>
      %eq3A_423 = arith.cmpi eq, %get3A_420, %eq3A_422 : vector<16xi32>
      %jit3A_424 = arith.constant 0 : i32
      %broadcast_in_dim3A_425 = vector.broadcast %jit3A_424 : i32 to vector<16xi32>
      %select_n3A_426 = arith.select %eq3A_423, %broadcast_in_dim3A_425, %scan3A_204 : vector<16xi1>, vector<16xi32>
      %convert_element_type3A_427 = arith.sitofp %select_n3A_426 : vector<16xi32> to vector<16xf32>
      %min3A_428 = arith.constant 100000 : i32
      %min3A_429 = vector.broadcast %min3A_428 : i32 to vector<16xi32>
      %min3A_430 = arith.minsi %get3A_420, %min3A_429 : vector<16xi32>
      %gather3A_431 = tpu.vector_load_idx %arg7[%min3A_430] : memref<100001xf32, #tpu.memory_space<vmem>>[vector<16xi32>], vector<16xf32>,
      %gt3A_432 = arith.constant 100000 : i32
      %gt3A_433 = vector.broadcast %gt3A_432 : i32 to vector<16xi32>
      %gt3A_434 = arith.cmpi sgt, %get3A_420, %gt3A_433 : vector<16xi32>
      %sub3A_435 = arith.constant 100000 : i32
      %sub3A_436 = vector.broadcast %sub3A_435 : i32 to vector<16xi32>
      %sub3A_437 = arith.subi %get3A_420, %sub3A_436 : vector<16xi32>
      %jit3A_438 = arith.constant 0 : i32
      %broadcast_in_dim3A_439 = vector.broadcast %jit3A_438 : i32 to vector<16xi32>
      %select_n3A_440 = arith.select %gt3A_434, %sub3A_437, %broadcast_in_dim3A_439 : vector<16xi1>, vector<16xi32>
      %gather3A_441 = tpu.vector_load_idx %arg10[%select_n3A_440, %add3A_30] : memref<51x128xf32, #tpu.memory_space<vmem>>[vector<16xi32>, vector<16xi32>], vector<16xf32>,
      %select_n3A_442 = arith.select %gt3A_434, %gather3A_441, %gather3A_431 : vector<16xi1>, vector<16xf32>
      %eq3A_443 = arith.constant 0 : i32
      %eq3A_444 = vector.broadcast %eq3A_443 : i32 to vector<16xi32>
      %eq3A_445 = arith.cmpi eq, %select_n3A_426, %eq3A_444 : vector<16xi32>
      %jit3A_446 = arith.constant 0.000000e+00 : f32
      %broadcast_in_dim3A_447 = vector.broadcast %jit3A_446 : f32 to vector<16xf32>
      %select_n3A_448 = arith.select %eq3A_445, %broadcast_in_dim3A_447, %select_n3A_442 : vector<16xi1>, vector<16xf32>
      %swap3A_449 = arith.index_cast %scan3A_197 : i32 to index
      %swap3A_450 = arith.constant 96 : index
      %swap3A_451 = tpu.vector_load %arg11[%swap3A_449, %swap3A_450] {strides = array<i32>} : memref<40x128xf32, #tpu.memory_space<vmem>>, vector<16xf32>,
      tpu.vector_store %arg11[%swap3A_449, %swap3A_450], %select_n3A_448 {strides = array<i32>} : memref<40x128xf32, #tpu.memory_space<vmem>>, vector<16xf32>,
      %swap3A_452 = arith.index_cast %scan3A_197 : i32 to index
      %swap3A_453 = arith.constant 96 : index
      %swap3A_454 = tpu.vector_load %arg12[%swap3A_452, %swap3A_453] {strides = array<i32>} : memref<40x128xf32, #tpu.memory_space<vmem>>, vector<16xf32>,
      tpu.vector_store %arg12[%swap3A_452, %swap3A_453], %convert_element_type3A_427 {strides = array<i32>} : memref<40x128xf32, #tpu.memory_space<vmem>>, vector<16xf32>,
      %get3A_455 = arith.index_cast %scan3A_197 : i32 to index
      %get3A_456 = arith.constant 112 : index
      %get3A_457 = tpu.vector_load %arg8[%get3A_455, %get3A_456] {strides = array<i32>} : memref<40x128xi32, #tpu.memory_space<vmem>>, vector<16xi32>,
      %eq3A_458 = arith.constant 1 : i32
      %eq3A_459 = vector.broadcast %eq3A_458 : i32 to vector<16xi32>
      %eq3A_460 = arith.cmpi eq, %get3A_457, %eq3A_459 : vector<16xi32>
      %jit3A_461 = arith.constant 0 : i32
      %broadcast_in_dim3A_462 = vector.broadcast %jit3A_461 : i32 to vector<16xi32>
      %select_n3A_463 = arith.select %eq3A_460, %broadcast_in_dim3A_462, %scan3A_205 : vector<16xi1>, vector<16xi32>
      %convert_element_type3A_464 = arith.sitofp %select_n3A_463 : vector<16xi32> to vector<16xf32>
      %min3A_465 = arith.constant 100000 : i32
      %min3A_466 = vector.broadcast %min3A_465 : i32 to vector<16xi32>
      %min3A_467 = arith.minsi %get3A_457, %min3A_466 : vector<16xi32>
      %gather3A_468 = tpu.vector_load_idx %arg7[%min3A_467] : memref<100001xf32, #tpu.memory_space<vmem>>[vector<16xi32>], vector<16xf32>,
      %gt3A_469 = arith.constant 100000 : i32
      %gt3A_470 = vector.broadcast %gt3A_469 : i32 to vector<16xi32>
      %gt3A_471 = arith.cmpi sgt, %get3A_457, %gt3A_470 : vector<16xi32>
      %sub3A_472 = arith.constant 100000 : i32
      %sub3A_473 = vector.broadcast %sub3A_472 : i32 to vector<16xi32>
      %sub3A_474 = arith.subi %get3A_457, %sub3A_473 : vector<16xi32>
      %jit3A_475 = arith.constant 0 : i32
      %broadcast_in_dim3A_476 = vector.broadcast %jit3A_475 : i32 to vector<16xi32>
      %select_n3A_477 = arith.select %gt3A_471, %sub3A_474, %broadcast_in_dim3A_476 : vector<16xi1>, vector<16xi32>
      %gather3A_478 = tpu.vector_load_idx %arg10[%select_n3A_477, %add3A_33] : memref<51x128xf32, #tpu.memory_space<vmem>>[vector<16xi32>, vector<16xi32>], vector<16xf32>,
      %select_n3A_479 = arith.select %gt3A_471, %gather3A_478, %gather3A_468 : vector<16xi1>, vector<16xf32>
      %eq3A_480 = arith.constant 0 : i32
      %eq3A_481 = vector.broadcast %eq3A_480 : i32 to vector<16xi32>
      %eq3A_482 = arith.cmpi eq, %select_n3A_463, %eq3A_481 : vector<16xi32>
      %jit3A_483 = arith.constant 0.000000e+00 : f32
      %broadcast_in_dim3A_484 = vector.broadcast %jit3A_483 : f32 to vector<16xf32>
      %select_n3A_485 = arith.select %eq3A_482, %broadcast_in_dim3A_484, %select_n3A_479 : vector<16xi1>, vector<16xf32>
      %swap3A_486 = arith.index_cast %scan3A_197 : i32 to index
      %swap3A_487 = arith.constant 112 : index
      %swap3A_488 = tpu.vector_load %arg11[%swap3A_486, %swap3A_487] {strides = array<i32>} : memref<40x128xf32, #tpu.memory_space<vmem>>, vector<16xf32>,
      tpu.vector_store %arg11[%swap3A_486, %swap3A_487], %select_n3A_485 {strides = array<i32>} : memref<40x128xf32, #tpu.memory_space<vmem>>, vector<16xf32>,
      %swap3A_489 = arith.index_cast %scan3A_197 : i32 to index
      %swap3A_490 = arith.constant 112 : index
      %swap3A_491 = tpu.vector_load %arg12[%swap3A_489, %swap3A_490] {strides = array<i32>} : memref<40x128xf32, #tpu.memory_space<vmem>>, vector<16xf32>,
      tpu.vector_store %arg12[%swap3A_489, %swap3A_490], %convert_element_type3A_464 {strides = array<i32>} : memref<40x128xf32, #tpu.memory_space<vmem>>, vector<16xf32>,
      scf.yield %select_n3A, %select_n3A_241, %select_n3A_278, %select_n3A_315, %select_n3A_352, %select_n3A_389, %select_n3A_426, %select_n3A_463 : vector<16xi32>, vector<16xi32>, vector<16xi32>, vector<16xi32>, vector<16xi32>, vector<16xi32>, vector<16xi32>, vector<16xi32>
    }
    %scan3A_64 = arith.constant 40 : i32
    %dma_start3A_65 = arith.constant 0 : i32
    %dma_start3A_66 = tpu.memref_slice %arg5[%dma_start3A_65, %mul3A_2] : memref<200x4096xf32, #tpu.memory_space<hbm>> -> memref<40x128xf32, #tpu.memory_space<hbm>>
    %dma_start3A_67 = arith.constant 0 : i32
    %dma_start3A_68 = tpu.memref_slice %arg5[%dma_start3A_67, %mul3A_2] : memref<200x4096xf32, #tpu.memory_space<hbm>> -> memref<40x128xf32, #tpu.memory_space<hbm>>
    tpu.enqueue_dma source(%arg11 : memref<40x128xf32, #tpu.memory_space<vmem>>) target(%dma_start3A_68 : memref<40x128xf32, #tpu.memory_space<hbm>>) target_semaphore(%arg17 : memref<!tpu.dma_semaphore, #tpu.memory_space<semaphore_mem>>)
    %dma_start3A_69 = arith.constant 0 : i32
    %dma_start3A_70 = tpu.memref_slice %arg6[%dma_start3A_69, %mul3A_2] : memref<200x4096xf32, #tpu.memory_space<hbm>> -> memref<40x128xf32, #tpu.memory_space<hbm>>
    %dma_start3A_71 = arith.constant 0 : i32
    %dma_start3A_72 = tpu.memref_slice %arg6[%dma_start3A_71, %mul3A_2] : memref<200x4096xf32, #tpu.memory_space<hbm>> -> memref<40x128xf32, #tpu.memory_space<hbm>>
    tpu.enqueue_dma source(%arg12 : memref<40x128xf32, #tpu.memory_space<vmem>>) target(%dma_start3A_72 : memref<40x128xf32, #tpu.memory_space<hbm>>) target_semaphore(%arg18 : memref<!tpu.dma_semaphore, #tpu.memory_space<semaphore_mem>>)
    %dma_wait3A_73 = arith.constant 40 : i32
    %dma_wait3A_74 = tpu.memref_slice %arg2[%dma_wait3A_73, %mul3A_2] : memref<200x4096xi32, #tpu.memory_space<hbm>> -> memref<40x128xi32, #tpu.memory_space<hbm>>
    %dma_wait3A_75 = arith.constant 40 : i32
    %dma_wait3A_76 = tpu.memref_slice %arg2[%dma_wait3A_75, %mul3A_2] : memref<200x4096xi32, #tpu.memory_space<hbm>> -> memref<40x128xi32, #tpu.memory_space<hbm>>
    tpu.wait_dma2 semaphore(%arg16 : memref<!tpu.dma_semaphore, #tpu.memory_space<semaphore_mem>>) src(%dma_wait3A_76 : memref<40x128xi32, #tpu.memory_space<hbm>>) dst(%arg9 : memref<40x128xi32, #tpu.memory_space<vmem>>)
    %dma_start3A_77 = arith.constant 80 : i32
    %dma_start3A_78 = tpu.memref_slice %arg2[%dma_start3A_77, %mul3A_2] : memref<200x4096xi32, #tpu.memory_space<hbm>> -> memref<40x128xi32, #tpu.memory_space<hbm>>
    %dma_start3A_79 = arith.constant 80 : i32
    %dma_start3A_80 = tpu.memref_slice %arg2[%dma_start3A_79, %mul3A_2] : memref<200x4096xi32, #tpu.memory_space<hbm>> -> memref<40x128xi32, #tpu.memory_space<hbm>>
    tpu.enqueue_dma source(%dma_start3A_80 : memref<40x128xi32, #tpu.memory_space<hbm>>) target(%arg8 : memref<40x128xi32, #tpu.memory_space<vmem>>) target_semaphore(%arg15 : memref<!tpu.dma_semaphore, #tpu.memory_space<semaphore_mem>>)
    %dma_wait3A_81 = arith.constant 0 : i32
    %dma_wait3A_82 = tpu.memref_slice %arg5[%dma_wait3A_81, %mul3A_2] : memref<200x4096xf32, #tpu.memory_space<hbm>> -> memref<40x128xf32, #tpu.memory_space<hbm>>
    %dma_wait3A_83 = arith.constant 0 : i32
    %dma_wait3A_84 = tpu.memref_slice %arg5[%dma_wait3A_83, %mul3A_2] : memref<200x4096xf32, #tpu.memory_space<hbm>> -> memref<40x128xf32, #tpu.memory_space<hbm>>
    tpu.wait_dma2 semaphore(%arg17 : memref<!tpu.dma_semaphore, #tpu.memory_space<semaphore_mem>>) src(%arg11 : memref<40x128xf32, #tpu.memory_space<vmem>>) dst(%dma_wait3A_84 : memref<40x128xf32, #tpu.memory_space<hbm>>)
    %dma_wait3A_85 = arith.constant 0 : i32
    %dma_wait3A_86 = tpu.memref_slice %arg6[%dma_wait3A_85, %mul3A_2] : memref<200x4096xf32, #tpu.memory_space<hbm>> -> memref<40x128xf32, #tpu.memory_space<hbm>>
    %dma_wait3A_87 = arith.constant 0 : i32
    %dma_wait3A_88 = tpu.memref_slice %arg6[%dma_wait3A_87, %mul3A_2] : memref<200x4096xf32, #tpu.memory_space<hbm>> -> memref<40x128xf32, #tpu.memory_space<hbm>>
    tpu.wait_dma2 semaphore(%arg18 : memref<!tpu.dma_semaphore, #tpu.memory_space<semaphore_mem>>) src(%arg12 : memref<40x128xf32, #tpu.memory_space<vmem>>) dst(%dma_wait3A_88 : memref<40x128xf32, #tpu.memory_space<hbm>>)
    %scan3A_89 = arith.constant 0 : i32
    %scan3A_90 = arith.constant 40 : i32
    %scan3A_91 = arith.addi %scan3A_89, %scan3A_90 : i32
    %scan3A_92 = arith.constant 1 : i32
    %scan3A_93:8 = scf.for %scan3A_197 = %scan3A_89 to %scan3A_91 step %scan3A_92 iter_args(%scan3A_198 = %scan3A_63#0, %scan3A_199 = %scan3A_63#1, %scan3A_200 = %scan3A_63#2, %scan3A_201 = %scan3A_63#3, %scan3A_202 = %scan3A_63#4, %scan3A_203 = %scan3A_63#5, %scan3A_204 = %scan3A_63#6, %scan3A_205 = %scan3A_63#7) -> (vector<16xi32>, vector<16xi32>, vector<16xi32>, vector<16xi32>, vector<16xi32>, vector<16xi32>, vector<16xi32>, vector<16xi32>)  : i32 {
      %get3A = arith.index_cast %scan3A_197 : i32 to index
      %get3A_206 = arith.constant 0 : index
      %get3A_207 = tpu.vector_load %arg9[%get3A, %get3A_206] {strides = array<i32>} : memref<40x128xi32, #tpu.memory_space<vmem>>, vector<16xi32>,
      %eq3A = arith.constant 1 : i32
      %eq3A_208 = vector.broadcast %eq3A : i32 to vector<16xi32>
      %eq3A_209 = arith.cmpi eq, %get3A_207, %eq3A_208 : vector<16xi32>
      %jit3A = arith.constant 0 : i32
      %broadcast_in_dim3A_210 = vector.broadcast %jit3A : i32 to vector<16xi32>
      %select_n3A = arith.select %eq3A_209, %broadcast_in_dim3A_210, %scan3A_198 : vector<16xi1>, vector<16xi32>
      %convert_element_type3A = arith.sitofp %select_n3A : vector<16xi32> to vector<16xf32>
      %min3A = arith.constant 100000 : i32
      %min3A_211 = vector.broadcast %min3A : i32 to vector<16xi32>
      %min3A_212 = arith.minsi %get3A_207, %min3A_211 : vector<16xi32>
      %gather3A = tpu.vector_load_idx %arg7[%min3A_212] : memref<100001xf32, #tpu.memory_space<vmem>>[vector<16xi32>], vector<16xf32>,
      %gt3A = arith.constant 100000 : i32
      %gt3A_213 = vector.broadcast %gt3A : i32 to vector<16xi32>
      %gt3A_214 = arith.cmpi sgt, %get3A_207, %gt3A_213 : vector<16xi32>
      %sub3A = arith.constant 100000 : i32
      %sub3A_215 = vector.broadcast %sub3A : i32 to vector<16xi32>
      %sub3A_216 = arith.subi %get3A_207, %sub3A_215 : vector<16xi32>
      %jit3A_217 = arith.constant 0 : i32
      %broadcast_in_dim3A_218 = vector.broadcast %jit3A_217 : i32 to vector<16xi32>
      %select_n3A_219 = arith.select %gt3A_214, %sub3A_216, %broadcast_in_dim3A_218 : vector<16xi1>, vector<16xi32>
      %gather3A_220 = tpu.vector_load_idx %arg10[%select_n3A_219, %add3A_12] : memref<51x128xf32, #tpu.memory_space<vmem>>[vector<16xi32>, vector<16xi32>], vector<16xf32>,
      %select_n3A_221 = arith.select %gt3A_214, %gather3A_220, %gather3A : vector<16xi1>, vector<16xf32>
      %eq3A_222 = arith.constant 0 : i32
      %eq3A_223 = vector.broadcast %eq3A_222 : i32 to vector<16xi32>
      %eq3A_224 = arith.cmpi eq, %select_n3A, %eq3A_223 : vector<16xi32>
      %jit3A_225 = arith.constant 0.000000e+00 : f32
      %broadcast_in_dim3A_226 = vector.broadcast %jit3A_225 : f32 to vector<16xf32>
      %select_n3A_227 = arith.select %eq3A_224, %broadcast_in_dim3A_226, %select_n3A_221 : vector<16xi1>, vector<16xf32>
      %swap3A = arith.index_cast %scan3A_197 : i32 to index
      %swap3A_228 = arith.constant 0 : index
      %swap3A_229 = tpu.vector_load %arg11[%swap3A, %swap3A_228] {strides = array<i32>} : memref<40x128xf32, #tpu.memory_space<vmem>>, vector<16xf32>,
      tpu.vector_store %arg11[%swap3A, %swap3A_228], %select_n3A_227 {strides = array<i32>} : memref<40x128xf32, #tpu.memory_space<vmem>>, vector<16xf32>,
      %swap3A_230 = arith.index_cast %scan3A_197 : i32 to index
      %swap3A_231 = arith.constant 0 : index
      %swap3A_232 = tpu.vector_load %arg12[%swap3A_230, %swap3A_231] {strides = array<i32>} : memref<40x128xf32, #tpu.memory_space<vmem>>, vector<16xf32>,
      tpu.vector_store %arg12[%swap3A_230, %swap3A_231], %convert_element_type3A {strides = array<i32>} : memref<40x128xf32, #tpu.memory_space<vmem>>, vector<16xf32>,
      %get3A_233 = arith.index_cast %scan3A_197 : i32 to index
      %get3A_234 = arith.constant 16 : index
      %get3A_235 = tpu.vector_load %arg9[%get3A_233, %get3A_234] {strides = array<i32>} : memref<40x128xi32, #tpu.memory_space<vmem>>, vector<16xi32>,
      %eq3A_236 = arith.constant 1 : i32
      %eq3A_237 = vector.broadcast %eq3A_236 : i32 to vector<16xi32>
      %eq3A_238 = arith.cmpi eq, %get3A_235, %eq3A_237 : vector<16xi32>
      %jit3A_239 = arith.constant 0 : i32
      %broadcast_in_dim3A_240 = vector.broadcast %jit3A_239 : i32 to vector<16xi32>
      %select_n3A_241 = arith.select %eq3A_238, %broadcast_in_dim3A_240, %scan3A_199 : vector<16xi1>, vector<16xi32>
      %convert_element_type3A_242 = arith.sitofp %select_n3A_241 : vector<16xi32> to vector<16xf32>
      %min3A_243 = arith.constant 100000 : i32
      %min3A_244 = vector.broadcast %min3A_243 : i32 to vector<16xi32>
      %min3A_245 = arith.minsi %get3A_235, %min3A_244 : vector<16xi32>
      %gather3A_246 = tpu.vector_load_idx %arg7[%min3A_245] : memref<100001xf32, #tpu.memory_space<vmem>>[vector<16xi32>], vector<16xf32>,
      %gt3A_247 = arith.constant 100000 : i32
      %gt3A_248 = vector.broadcast %gt3A_247 : i32 to vector<16xi32>
      %gt3A_249 = arith.cmpi sgt, %get3A_235, %gt3A_248 : vector<16xi32>
      %sub3A_250 = arith.constant 100000 : i32
      %sub3A_251 = vector.broadcast %sub3A_250 : i32 to vector<16xi32>
      %sub3A_252 = arith.subi %get3A_235, %sub3A_251 : vector<16xi32>
      %jit3A_253 = arith.constant 0 : i32
      %broadcast_in_dim3A_254 = vector.broadcast %jit3A_253 : i32 to vector<16xi32>
      %select_n3A_255 = arith.select %gt3A_249, %sub3A_252, %broadcast_in_dim3A_254 : vector<16xi1>, vector<16xi32>
      %gather3A_256 = tpu.vector_load_idx %arg10[%select_n3A_255, %add3A_15] : memref<51x128xf32, #tpu.memory_space<vmem>>[vector<16xi32>, vector<16xi32>], vector<16xf32>,
      %select_n3A_257 = arith.select %gt3A_249, %gather3A_256, %gather3A_246 : vector<16xi1>, vector<16xf32>
      %eq3A_258 = arith.constant 0 : i32
      %eq3A_259 = vector.broadcast %eq3A_258 : i32 to vector<16xi32>
      %eq3A_260 = arith.cmpi eq, %select_n3A_241, %eq3A_259 : vector<16xi32>
      %jit3A_261 = arith.constant 0.000000e+00 : f32
      %broadcast_in_dim3A_262 = vector.broadcast %jit3A_261 : f32 to vector<16xf32>
      %select_n3A_263 = arith.select %eq3A_260, %broadcast_in_dim3A_262, %select_n3A_257 : vector<16xi1>, vector<16xf32>
      %swap3A_264 = arith.index_cast %scan3A_197 : i32 to index
      %swap3A_265 = arith.constant 16 : index
      %swap3A_266 = tpu.vector_load %arg11[%swap3A_264, %swap3A_265] {strides = array<i32>} : memref<40x128xf32, #tpu.memory_space<vmem>>, vector<16xf32>,
      tpu.vector_store %arg11[%swap3A_264, %swap3A_265], %select_n3A_263 {strides = array<i32>} : memref<40x128xf32, #tpu.memory_space<vmem>>, vector<16xf32>,
      %swap3A_267 = arith.index_cast %scan3A_197 : i32 to index
      %swap3A_268 = arith.constant 16 : index
      %swap3A_269 = tpu.vector_load %arg12[%swap3A_267, %swap3A_268] {strides = array<i32>} : memref<40x128xf32, #tpu.memory_space<vmem>>, vector<16xf32>,
      tpu.vector_store %arg12[%swap3A_267, %swap3A_268], %convert_element_type3A_242 {strides = array<i32>} : memref<40x128xf32, #tpu.memory_space<vmem>>, vector<16xf32>,
      %get3A_270 = arith.index_cast %scan3A_197 : i32 to index
      %get3A_271 = arith.constant 32 : index
      %get3A_272 = tpu.vector_load %arg9[%get3A_270, %get3A_271] {strides = array<i32>} : memref<40x128xi32, #tpu.memory_space<vmem>>, vector<16xi32>,
      %eq3A_273 = arith.constant 1 : i32
      %eq3A_274 = vector.broadcast %eq3A_273 : i32 to vector<16xi32>
      %eq3A_275 = arith.cmpi eq, %get3A_272, %eq3A_274 : vector<16xi32>
      %jit3A_276 = arith.constant 0 : i32
      %broadcast_in_dim3A_277 = vector.broadcast %jit3A_276 : i32 to vector<16xi32>
      %select_n3A_278 = arith.select %eq3A_275, %broadcast_in_dim3A_277, %scan3A_200 : vector<16xi1>, vector<16xi32>
      %convert_element_type3A_279 = arith.sitofp %select_n3A_278 : vector<16xi32> to vector<16xf32>
      %min3A_280 = arith.constant 100000 : i32
      %min3A_281 = vector.broadcast %min3A_280 : i32 to vector<16xi32>
      %min3A_282 = arith.minsi %get3A_272, %min3A_281 : vector<16xi32>
      %gather3A_283 = tpu.vector_load_idx %arg7[%min3A_282] : memref<100001xf32, #tpu.memory_space<vmem>>[vector<16xi32>], vector<16xf32>,
      %gt3A_284 = arith.constant 100000 : i32
      %gt3A_285 = vector.broadcast %gt3A_284 : i32 to vector<16xi32>
      %gt3A_286 = arith.cmpi sgt, %get3A_272, %gt3A_285 : vector<16xi32>
      %sub3A_287 = arith.constant 100000 : i32
      %sub3A_288 = vector.broadcast %sub3A_287 : i32 to vector<16xi32>
      %sub3A_289 = arith.subi %get3A_272, %sub3A_288 : vector<16xi32>
      %jit3A_290 = arith.constant 0 : i32
      %broadcast_in_dim3A_291 = vector.broadcast %jit3A_290 : i32 to vector<16xi32>
      %select_n3A_292 = arith.select %gt3A_286, %sub3A_289, %broadcast_in_dim3A_291 : vector<16xi1>, vector<16xi32>
      %gather3A_293 = tpu.vector_load_idx %arg10[%select_n3A_292, %add3A_18] : memref<51x128xf32, #tpu.memory_space<vmem>>[vector<16xi32>, vector<16xi32>], vector<16xf32>,
      %select_n3A_294 = arith.select %gt3A_286, %gather3A_293, %gather3A_283 : vector<16xi1>, vector<16xf32>
      %eq3A_295 = arith.constant 0 : i32
      %eq3A_296 = vector.broadcast %eq3A_295 : i32 to vector<16xi32>
      %eq3A_297 = arith.cmpi eq, %select_n3A_278, %eq3A_296 : vector<16xi32>
      %jit3A_298 = arith.constant 0.000000e+00 : f32
      %broadcast_in_dim3A_299 = vector.broadcast %jit3A_298 : f32 to vector<16xf32>
      %select_n3A_300 = arith.select %eq3A_297, %broadcast_in_dim3A_299, %select_n3A_294 : vector<16xi1>, vector<16xf32>
      %swap3A_301 = arith.index_cast %scan3A_197 : i32 to index
      %swap3A_302 = arith.constant 32 : index
      %swap3A_303 = tpu.vector_load %arg11[%swap3A_301, %swap3A_302] {strides = array<i32>} : memref<40x128xf32, #tpu.memory_space<vmem>>, vector<16xf32>,
      tpu.vector_store %arg11[%swap3A_301, %swap3A_302], %select_n3A_300 {strides = array<i32>} : memref<40x128xf32, #tpu.memory_space<vmem>>, vector<16xf32>,
      %swap3A_304 = arith.index_cast %scan3A_197 : i32 to index
      %swap3A_305 = arith.constant 32 : index
      %swap3A_306 = tpu.vector_load %arg12[%swap3A_304, %swap3A_305] {strides = array<i32>} : memref<40x128xf32, #tpu.memory_space<vmem>>, vector<16xf32>,
      tpu.vector_store %arg12[%swap3A_304, %swap3A_305], %convert_element_type3A_279 {strides = array<i32>} : memref<40x128xf32, #tpu.memory_space<vmem>>, vector<16xf32>,
      %get3A_307 = arith.index_cast %scan3A_197 : i32 to index
      %get3A_308 = arith.constant 48 : index
      %get3A_309 = tpu.vector_load %arg9[%get3A_307, %get3A_308] {strides = array<i32>} : memref<40x128xi32, #tpu.memory_space<vmem>>, vector<16xi32>,
      %eq3A_310 = arith.constant 1 : i32
      %eq3A_311 = vector.broadcast %eq3A_310 : i32 to vector<16xi32>
      %eq3A_312 = arith.cmpi eq, %get3A_309, %eq3A_311 : vector<16xi32>
      %jit3A_313 = arith.constant 0 : i32
      %broadcast_in_dim3A_314 = vector.broadcast %jit3A_313 : i32 to vector<16xi32>
      %select_n3A_315 = arith.select %eq3A_312, %broadcast_in_dim3A_314, %scan3A_201 : vector<16xi1>, vector<16xi32>
      %convert_element_type3A_316 = arith.sitofp %select_n3A_315 : vector<16xi32> to vector<16xf32>
      %min3A_317 = arith.constant 100000 : i32
      %min3A_318 = vector.broadcast %min3A_317 : i32 to vector<16xi32>
      %min3A_319 = arith.minsi %get3A_309, %min3A_318 : vector<16xi32>
      %gather3A_320 = tpu.vector_load_idx %arg7[%min3A_319] : memref<100001xf32, #tpu.memory_space<vmem>>[vector<16xi32>], vector<16xf32>,
      %gt3A_321 = arith.constant 100000 : i32
      %gt3A_322 = vector.broadcast %gt3A_321 : i32 to vector<16xi32>
      %gt3A_323 = arith.cmpi sgt, %get3A_309, %gt3A_322 : vector<16xi32>
      %sub3A_324 = arith.constant 100000 : i32
      %sub3A_325 = vector.broadcast %sub3A_324 : i32 to vector<16xi32>
      %sub3A_326 = arith.subi %get3A_309, %sub3A_325 : vector<16xi32>
      %jit3A_327 = arith.constant 0 : i32
      %broadcast_in_dim3A_328 = vector.broadcast %jit3A_327 : i32 to vector<16xi32>
      %select_n3A_329 = arith.select %gt3A_323, %sub3A_326, %broadcast_in_dim3A_328 : vector<16xi1>, vector<16xi32>
      %gather3A_330 = tpu.vector_load_idx %arg10[%select_n3A_329, %add3A_21] : memref<51x128xf32, #tpu.memory_space<vmem>>[vector<16xi32>, vector<16xi32>], vector<16xf32>,
      %select_n3A_331 = arith.select %gt3A_323, %gather3A_330, %gather3A_320 : vector<16xi1>, vector<16xf32>
      %eq3A_332 = arith.constant 0 : i32
      %eq3A_333 = vector.broadcast %eq3A_332 : i32 to vector<16xi32>
      %eq3A_334 = arith.cmpi eq, %select_n3A_315, %eq3A_333 : vector<16xi32>
      %jit3A_335 = arith.constant 0.000000e+00 : f32
      %broadcast_in_dim3A_336 = vector.broadcast %jit3A_335 : f32 to vector<16xf32>
      %select_n3A_337 = arith.select %eq3A_334, %broadcast_in_dim3A_336, %select_n3A_331 : vector<16xi1>, vector<16xf32>
      %swap3A_338 = arith.index_cast %scan3A_197 : i32 to index
      %swap3A_339 = arith.constant 48 : index
      %swap3A_340 = tpu.vector_load %arg11[%swap3A_338, %swap3A_339] {strides = array<i32>} : memref<40x128xf32, #tpu.memory_space<vmem>>, vector<16xf32>,
      tpu.vector_store %arg11[%swap3A_338, %swap3A_339], %select_n3A_337 {strides = array<i32>} : memref<40x128xf32, #tpu.memory_space<vmem>>, vector<16xf32>,
      %swap3A_341 = arith.index_cast %scan3A_197 : i32 to index
      %swap3A_342 = arith.constant 48 : index
      %swap3A_343 = tpu.vector_load %arg12[%swap3A_341, %swap3A_342] {strides = array<i32>} : memref<40x128xf32, #tpu.memory_space<vmem>>, vector<16xf32>,
      tpu.vector_store %arg12[%swap3A_341, %swap3A_342], %convert_element_type3A_316 {strides = array<i32>} : memref<40x128xf32, #tpu.memory_space<vmem>>, vector<16xf32>,
      %get3A_344 = arith.index_cast %scan3A_197 : i32 to index
      %get3A_345 = arith.constant 64 : index
      %get3A_346 = tpu.vector_load %arg9[%get3A_344, %get3A_345] {strides = array<i32>} : memref<40x128xi32, #tpu.memory_space<vmem>>, vector<16xi32>,
      %eq3A_347 = arith.constant 1 : i32
      %eq3A_348 = vector.broadcast %eq3A_347 : i32 to vector<16xi32>
      %eq3A_349 = arith.cmpi eq, %get3A_346, %eq3A_348 : vector<16xi32>
      %jit3A_350 = arith.constant 0 : i32
      %broadcast_in_dim3A_351 = vector.broadcast %jit3A_350 : i32 to vector<16xi32>
      %select_n3A_352 = arith.select %eq3A_349, %broadcast_in_dim3A_351, %scan3A_202 : vector<16xi1>, vector<16xi32>
      %convert_element_type3A_353 = arith.sitofp %select_n3A_352 : vector<16xi32> to vector<16xf32>
      %min3A_354 = arith.constant 100000 : i32
      %min3A_355 = vector.broadcast %min3A_354 : i32 to vector<16xi32>
      %min3A_356 = arith.minsi %get3A_346, %min3A_355 : vector<16xi32>
      %gather3A_357 = tpu.vector_load_idx %arg7[%min3A_356] : memref<100001xf32, #tpu.memory_space<vmem>>[vector<16xi32>], vector<16xf32>,
      %gt3A_358 = arith.constant 100000 : i32
      %gt3A_359 = vector.broadcast %gt3A_358 : i32 to vector<16xi32>
      %gt3A_360 = arith.cmpi sgt, %get3A_346, %gt3A_359 : vector<16xi32>
      %sub3A_361 = arith.constant 100000 : i32
      %sub3A_362 = vector.broadcast %sub3A_361 : i32 to vector<16xi32>
      %sub3A_363 = arith.subi %get3A_346, %sub3A_362 : vector<16xi32>
      %jit3A_364 = arith.constant 0 : i32
      %broadcast_in_dim3A_365 = vector.broadcast %jit3A_364 : i32 to vector<16xi32>
      %select_n3A_366 = arith.select %gt3A_360, %sub3A_363, %broadcast_in_dim3A_365 : vector<16xi1>, vector<16xi32>
      %gather3A_367 = tpu.vector_load_idx %arg10[%select_n3A_366, %add3A_24] : memref<51x128xf32, #tpu.memory_space<vmem>>[vector<16xi32>, vector<16xi32>], vector<16xf32>,
      %select_n3A_368 = arith.select %gt3A_360, %gather3A_367, %gather3A_357 : vector<16xi1>, vector<16xf32>
      %eq3A_369 = arith.constant 0 : i32
      %eq3A_370 = vector.broadcast %eq3A_369 : i32 to vector<16xi32>
      %eq3A_371 = arith.cmpi eq, %select_n3A_352, %eq3A_370 : vector<16xi32>
      %jit3A_372 = arith.constant 0.000000e+00 : f32
      %broadcast_in_dim3A_373 = vector.broadcast %jit3A_372 : f32 to vector<16xf32>
      %select_n3A_374 = arith.select %eq3A_371, %broadcast_in_dim3A_373, %select_n3A_368 : vector<16xi1>, vector<16xf32>
      %swap3A_375 = arith.index_cast %scan3A_197 : i32 to index
      %swap3A_376 = arith.constant 64 : index
      %swap3A_377 = tpu.vector_load %arg11[%swap3A_375, %swap3A_376] {strides = array<i32>} : memref<40x128xf32, #tpu.memory_space<vmem>>, vector<16xf32>,
      tpu.vector_store %arg11[%swap3A_375, %swap3A_376], %select_n3A_374 {strides = array<i32>} : memref<40x128xf32, #tpu.memory_space<vmem>>, vector<16xf32>,
      %swap3A_378 = arith.index_cast %scan3A_197 : i32 to index
      %swap3A_379 = arith.constant 64 : index
      %swap3A_380 = tpu.vector_load %arg12[%swap3A_378, %swap3A_379] {strides = array<i32>} : memref<40x128xf32, #tpu.memory_space<vmem>>, vector<16xf32>,
      tpu.vector_store %arg12[%swap3A_378, %swap3A_379], %convert_element_type3A_353 {strides = array<i32>} : memref<40x128xf32, #tpu.memory_space<vmem>>, vector<16xf32>,
      %get3A_381 = arith.index_cast %scan3A_197 : i32 to index
      %get3A_382 = arith.constant 80 : index
      %get3A_383 = tpu.vector_load %arg9[%get3A_381, %get3A_382] {strides = array<i32>} : memref<40x128xi32, #tpu.memory_space<vmem>>, vector<16xi32>,
      %eq3A_384 = arith.constant 1 : i32
      %eq3A_385 = vector.broadcast %eq3A_384 : i32 to vector<16xi32>
      %eq3A_386 = arith.cmpi eq, %get3A_383, %eq3A_385 : vector<16xi32>
      %jit3A_387 = arith.constant 0 : i32
      %broadcast_in_dim3A_388 = vector.broadcast %jit3A_387 : i32 to vector<16xi32>
      %select_n3A_389 = arith.select %eq3A_386, %broadcast_in_dim3A_388, %scan3A_203 : vector<16xi1>, vector<16xi32>
      %convert_element_type3A_390 = arith.sitofp %select_n3A_389 : vector<16xi32> to vector<16xf32>
      %min3A_391 = arith.constant 100000 : i32
      %min3A_392 = vector.broadcast %min3A_391 : i32 to vector<16xi32>
      %min3A_393 = arith.minsi %get3A_383, %min3A_392 : vector<16xi32>
      %gather3A_394 = tpu.vector_load_idx %arg7[%min3A_393] : memref<100001xf32, #tpu.memory_space<vmem>>[vector<16xi32>], vector<16xf32>,
      %gt3A_395 = arith.constant 100000 : i32
      %gt3A_396 = vector.broadcast %gt3A_395 : i32 to vector<16xi32>
      %gt3A_397 = arith.cmpi sgt, %get3A_383, %gt3A_396 : vector<16xi32>
      %sub3A_398 = arith.constant 100000 : i32
      %sub3A_399 = vector.broadcast %sub3A_398 : i32 to vector<16xi32>
      %sub3A_400 = arith.subi %get3A_383, %sub3A_399 : vector<16xi32>
      %jit3A_401 = arith.constant 0 : i32
      %broadcast_in_dim3A_402 = vector.broadcast %jit3A_401 : i32 to vector<16xi32>
      %select_n3A_403 = arith.select %gt3A_397, %sub3A_400, %broadcast_in_dim3A_402 : vector<16xi1>, vector<16xi32>
      %gather3A_404 = tpu.vector_load_idx %arg10[%select_n3A_403, %add3A_27] : memref<51x128xf32, #tpu.memory_space<vmem>>[vector<16xi32>, vector<16xi32>], vector<16xf32>,
      %select_n3A_405 = arith.select %gt3A_397, %gather3A_404, %gather3A_394 : vector<16xi1>, vector<16xf32>
      %eq3A_406 = arith.constant 0 : i32
      %eq3A_407 = vector.broadcast %eq3A_406 : i32 to vector<16xi32>
      %eq3A_408 = arith.cmpi eq, %select_n3A_389, %eq3A_407 : vector<16xi32>
      %jit3A_409 = arith.constant 0.000000e+00 : f32
      %broadcast_in_dim3A_410 = vector.broadcast %jit3A_409 : f32 to vector<16xf32>
      %select_n3A_411 = arith.select %eq3A_408, %broadcast_in_dim3A_410, %select_n3A_405 : vector<16xi1>, vector<16xf32>
      %swap3A_412 = arith.index_cast %scan3A_197 : i32 to index
      %swap3A_413 = arith.constant 80 : index
      %swap3A_414 = tpu.vector_load %arg11[%swap3A_412, %swap3A_413] {strides = array<i32>} : memref<40x128xf32, #tpu.memory_space<vmem>>, vector<16xf32>,
      tpu.vector_store %arg11[%swap3A_412, %swap3A_413], %select_n3A_411 {strides = array<i32>} : memref<40x128xf32, #tpu.memory_space<vmem>>, vector<16xf32>,
      %swap3A_415 = arith.index_cast %scan3A_197 : i32 to index
      %swap3A_416 = arith.constant 80 : index
      %swap3A_417 = tpu.vector_load %arg12[%swap3A_415, %swap3A_416] {strides = array<i32>} : memref<40x128xf32, #tpu.memory_space<vmem>>, vector<16xf32>,
      tpu.vector_store %arg12[%swap3A_415, %swap3A_416], %convert_element_type3A_390 {strides = array<i32>} : memref<40x128xf32, #tpu.memory_space<vmem>>, vector<16xf32>,
      %get3A_418 = arith.index_cast %scan3A_197 : i32 to index
      %get3A_419 = arith.constant 96 : index
      %get3A_420 = tpu.vector_load %arg9[%get3A_418, %get3A_419] {strides = array<i32>} : memref<40x128xi32, #tpu.memory_space<vmem>>, vector<16xi32>,
      %eq3A_421 = arith.constant 1 : i32
      %eq3A_422 = vector.broadcast %eq3A_421 : i32 to vector<16xi32>
      %eq3A_423 = arith.cmpi eq, %get3A_420, %eq3A_422 : vector<16xi32>
      %jit3A_424 = arith.constant 0 : i32
      %broadcast_in_dim3A_425 = vector.broadcast %jit3A_424 : i32 to vector<16xi32>
      %select_n3A_426 = arith.select %eq3A_423, %broadcast_in_dim3A_425, %scan3A_204 : vector<16xi1>, vector<16xi32>
      %convert_element_type3A_427 = arith.sitofp %select_n3A_426 : vector<16xi32> to vector<16xf32>
      %min3A_428 = arith.constant 100000 : i32
      %min3A_429 = vector.broadcast %min3A_428 : i32 to vector<16xi32>
      %min3A_430 = arith.minsi %get3A_420, %min3A_429 : vector<16xi32>
      %gather3A_431 = tpu.vector_load_idx %arg7[%min3A_430] : memref<100001xf32, #tpu.memory_space<vmem>>[vector<16xi32>], vector<16xf32>,
      %gt3A_432 = arith.constant 100000 : i32
      %gt3A_433 = vector.broadcast %gt3A_432 : i32 to vector<16xi32>
      %gt3A_434 = arith.cmpi sgt, %get3A_420, %gt3A_433 : vector<16xi32>
      %sub3A_435 = arith.constant 100000 : i32
      %sub3A_436 = vector.broadcast %sub3A_435 : i32 to vector<16xi32>
      %sub3A_437 = arith.subi %get3A_420, %sub3A_436 : vector<16xi32>
      %jit3A_438 = arith.constant 0 : i32
      %broadcast_in_dim3A_439 = vector.broadcast %jit3A_438 : i32 to vector<16xi32>
      %select_n3A_440 = arith.select %gt3A_434, %sub3A_437, %broadcast_in_dim3A_439 : vector<16xi1>, vector<16xi32>
      %gather3A_441 = tpu.vector_load_idx %arg10[%select_n3A_440, %add3A_30] : memref<51x128xf32, #tpu.memory_space<vmem>>[vector<16xi32>, vector<16xi32>], vector<16xf32>,
      %select_n3A_442 = arith.select %gt3A_434, %gather3A_441, %gather3A_431 : vector<16xi1>, vector<16xf32>
      %eq3A_443 = arith.constant 0 : i32
      %eq3A_444 = vector.broadcast %eq3A_443 : i32 to vector<16xi32>
      %eq3A_445 = arith.cmpi eq, %select_n3A_426, %eq3A_444 : vector<16xi32>
      %jit3A_446 = arith.constant 0.000000e+00 : f32
      %broadcast_in_dim3A_447 = vector.broadcast %jit3A_446 : f32 to vector<16xf32>
      %select_n3A_448 = arith.select %eq3A_445, %broadcast_in_dim3A_447, %select_n3A_442 : vector<16xi1>, vector<16xf32>
      %swap3A_449 = arith.index_cast %scan3A_197 : i32 to index
      %swap3A_450 = arith.constant 96 : index
      %swap3A_451 = tpu.vector_load %arg11[%swap3A_449, %swap3A_450] {strides = array<i32>} : memref<40x128xf32, #tpu.memory_space<vmem>>, vector<16xf32>,
      tpu.vector_store %arg11[%swap3A_449, %swap3A_450], %select_n3A_448 {strides = array<i32>} : memref<40x128xf32, #tpu.memory_space<vmem>>, vector<16xf32>,
      %swap3A_452 = arith.index_cast %scan3A_197 : i32 to index
      %swap3A_453 = arith.constant 96 : index
      %swap3A_454 = tpu.vector_load %arg12[%swap3A_452, %swap3A_453] {strides = array<i32>} : memref<40x128xf32, #tpu.memory_space<vmem>>, vector<16xf32>,
      tpu.vector_store %arg12[%swap3A_452, %swap3A_453], %convert_element_type3A_427 {strides = array<i32>} : memref<40x128xf32, #tpu.memory_space<vmem>>, vector<16xf32>,
      %get3A_455 = arith.index_cast %scan3A_197 : i32 to index
      %get3A_456 = arith.constant 112 : index
      %get3A_457 = tpu.vector_load %arg9[%get3A_455, %get3A_456] {strides = array<i32>} : memref<40x128xi32, #tpu.memory_space<vmem>>, vector<16xi32>,
      %eq3A_458 = arith.constant 1 : i32
      %eq3A_459 = vector.broadcast %eq3A_458 : i32 to vector<16xi32>
      %eq3A_460 = arith.cmpi eq, %get3A_457, %eq3A_459 : vector<16xi32>
      %jit3A_461 = arith.constant 0 : i32
      %broadcast_in_dim3A_462 = vector.broadcast %jit3A_461 : i32 to vector<16xi32>
      %select_n3A_463 = arith.select %eq3A_460, %broadcast_in_dim3A_462, %scan3A_205 : vector<16xi1>, vector<16xi32>
      %convert_element_type3A_464 = arith.sitofp %select_n3A_463 : vector<16xi32> to vector<16xf32>
      %min3A_465 = arith.constant 100000 : i32
      %min3A_466 = vector.broadcast %min3A_465 : i32 to vector<16xi32>
      %min3A_467 = arith.minsi %get3A_457, %min3A_466 : vector<16xi32>
      %gather3A_468 = tpu.vector_load_idx %arg7[%min3A_467] : memref<100001xf32, #tpu.memory_space<vmem>>[vector<16xi32>], vector<16xf32>,
      %gt3A_469 = arith.constant 100000 : i32
      %gt3A_470 = vector.broadcast %gt3A_469 : i32 to vector<16xi32>
      %gt3A_471 = arith.cmpi sgt, %get3A_457, %gt3A_470 : vector<16xi32>
      %sub3A_472 = arith.constant 100000 : i32
      %sub3A_473 = vector.broadcast %sub3A_472 : i32 to vector<16xi32>
      %sub3A_474 = arith.subi %get3A_457, %sub3A_473 : vector<16xi32>
      %jit3A_475 = arith.constant 0 : i32
      %broadcast_in_dim3A_476 = vector.broadcast %jit3A_475 : i32 to vector<16xi32>
      %select_n3A_477 = arith.select %gt3A_471, %sub3A_474, %broadcast_in_dim3A_476 : vector<16xi1>, vector<16xi32>
      %gather3A_478 = tpu.vector_load_idx %arg10[%select_n3A_477, %add3A_33] : memref<51x128xf32, #tpu.memory_space<vmem>>[vector<16xi32>, vector<16xi32>], vector<16xf32>,
      %select_n3A_479 = arith.select %gt3A_471, %gather3A_478, %gather3A_468 : vector<16xi1>, vector<16xf32>
      %eq3A_480 = arith.constant 0 : i32
      %eq3A_481 = vector.broadcast %eq3A_480 : i32 to vector<16xi32>
      %eq3A_482 = arith.cmpi eq, %select_n3A_463, %eq3A_481 : vector<16xi32>
      %jit3A_483 = arith.constant 0.000000e+00 : f32
      %broadcast_in_dim3A_484 = vector.broadcast %jit3A_483 : f32 to vector<16xf32>
      %select_n3A_485 = arith.select %eq3A_482, %broadcast_in_dim3A_484, %select_n3A_479 : vector<16xi1>, vector<16xf32>
      %swap3A_486 = arith.index_cast %scan3A_197 : i32 to index
      %swap3A_487 = arith.constant 112 : index
      %swap3A_488 = tpu.vector_load %arg11[%swap3A_486, %swap3A_487] {strides = array<i32>} : memref<40x128xf32, #tpu.memory_space<vmem>>, vector<16xf32>,
      tpu.vector_store %arg11[%swap3A_486, %swap3A_487], %select_n3A_485 {strides = array<i32>} : memref<40x128xf32, #tpu.memory_space<vmem>>, vector<16xf32>,
      %swap3A_489 = arith.index_cast %scan3A_197 : i32 to index
      %swap3A_490 = arith.constant 112 : index
      %swap3A_491 = tpu.vector_load %arg12[%swap3A_489, %swap3A_490] {strides = array<i32>} : memref<40x128xf32, #tpu.memory_space<vmem>>, vector<16xf32>,
      tpu.vector_store %arg12[%swap3A_489, %swap3A_490], %convert_element_type3A_464 {strides = array<i32>} : memref<40x128xf32, #tpu.memory_space<vmem>>, vector<16xf32>,
      scf.yield %select_n3A, %select_n3A_241, %select_n3A_278, %select_n3A_315, %select_n3A_352, %select_n3A_389, %select_n3A_426, %select_n3A_463 : vector<16xi32>, vector<16xi32>, vector<16xi32>, vector<16xi32>, vector<16xi32>, vector<16xi32>, vector<16xi32>, vector<16xi32>
    }
    %scan3A_94 = arith.constant 40 : i32
    %dma_start3A_95 = arith.constant 40 : i32
    %dma_start3A_96 = tpu.memref_slice %arg5[%dma_start3A_95, %mul3A_2] : memref<200x4096xf32, #tpu.memory_space<hbm>> -> memref<40x128xf32, #tpu.memory_space<hbm>>
    %dma_start3A_97 = arith.constant 40 : i32
    %dma_start3A_98 = tpu.memref_slice %arg5[%dma_start3A_97, %mul3A_2] : memref<200x4096xf32, #tpu.memory_space<hbm>> -> memref<40x128xf32, #tpu.memory_space<hbm>>
    tpu.enqueue_dma source(%arg11 : memref<40x128xf32, #tpu.memory_space<vmem>>) target(%dma_start3A_98 : memref<40x128xf32, #tpu.memory_space<hbm>>) target_semaphore(%arg17 : memref<!tpu.dma_semaphore, #tpu.memory_space<semaphore_mem>>)
    %dma_start3A_99 = arith.constant 40 : i32
    %dma_start3A_100 = tpu.memref_slice %arg6[%dma_start3A_99, %mul3A_2] : memref<200x4096xf32, #tpu.memory_space<hbm>> -> memref<40x128xf32, #tpu.memory_space<hbm>>
    %dma_start3A_101 = arith.constant 40 : i32
    %dma_start3A_102 = tpu.memref_slice %arg6[%dma_start3A_101, %mul3A_2] : memref<200x4096xf32, #tpu.memory_space<hbm>> -> memref<40x128xf32, #tpu.memory_space<hbm>>
    tpu.enqueue_dma source(%arg12 : memref<40x128xf32, #tpu.memory_space<vmem>>) target(%dma_start3A_102 : memref<40x128xf32, #tpu.memory_space<hbm>>) target_semaphore(%arg18 : memref<!tpu.dma_semaphore, #tpu.memory_space<semaphore_mem>>)
    %dma_wait3A_103 = arith.constant 80 : i32
    %dma_wait3A_104 = tpu.memref_slice %arg2[%dma_wait3A_103, %mul3A_2] : memref<200x4096xi32, #tpu.memory_space<hbm>> -> memref<40x128xi32, #tpu.memory_space<hbm>>
    %dma_wait3A_105 = arith.constant 80 : i32
    %dma_wait3A_106 = tpu.memref_slice %arg2[%dma_wait3A_105, %mul3A_2] : memref<200x4096xi32, #tpu.memory_space<hbm>> -> memref<40x128xi32, #tpu.memory_space<hbm>>
    tpu.wait_dma2 semaphore(%arg15 : memref<!tpu.dma_semaphore, #tpu.memory_space<semaphore_mem>>) src(%dma_wait3A_106 : memref<40x128xi32, #tpu.memory_space<hbm>>) dst(%arg8 : memref<40x128xi32, #tpu.memory_space<vmem>>)
    %dma_start3A_107 = arith.constant 120 : i32
    %dma_start3A_108 = tpu.memref_slice %arg2[%dma_start3A_107, %mul3A_2] : memref<200x4096xi32, #tpu.memory_space<hbm>> -> memref<40x128xi32, #tpu.memory_space<hbm>>
    %dma_start3A_109 = arith.constant 120 : i32
    %dma_start3A_110 = tpu.memref_slice %arg2[%dma_start3A_109, %mul3A_2] : memref<200x4096xi32, #tpu.memory_space<hbm>> -> memref<40x128xi32, #tpu.memory_space<hbm>>
    tpu.enqueue_dma source(%dma_start3A_110 : memref<40x128xi32, #tpu.memory_space<hbm>>) target(%arg9 : memref<40x128xi32, #tpu.memory_space<vmem>>) target_semaphore(%arg16 : memref<!tpu.dma_semaphore, #tpu.memory_space<semaphore_mem>>)
    %dma_wait3A_111 = arith.constant 40 : i32
    %dma_wait3A_112 = tpu.memref_slice %arg5[%dma_wait3A_111, %mul3A_2] : memref<200x4096xf32, #tpu.memory_space<hbm>> -> memref<40x128xf32, #tpu.memory_space<hbm>>
    %dma_wait3A_113 = arith.constant 40 : i32
    %dma_wait3A_114 = tpu.memref_slice %arg5[%dma_wait3A_113, %mul3A_2] : memref<200x4096xf32, #tpu.memory_space<hbm>> -> memref<40x128xf32, #tpu.memory_space<hbm>>
    tpu.wait_dma2 semaphore(%arg17 : memref<!tpu.dma_semaphore, #tpu.memory_space<semaphore_mem>>) src(%arg11 : memref<40x128xf32, #tpu.memory_space<vmem>>) dst(%dma_wait3A_114 : memref<40x128xf32, #tpu.memory_space<hbm>>)
    %dma_wait3A_115 = arith.constant 40 : i32
    %dma_wait3A_116 = tpu.memref_slice %arg6[%dma_wait3A_115, %mul3A_2] : memref<200x4096xf32, #tpu.memory_space<hbm>> -> memref<40x128xf32, #tpu.memory_space<hbm>>
    %dma_wait3A_117 = arith.constant 40 : i32
    %dma_wait3A_118 = tpu.memref_slice %arg6[%dma_wait3A_117, %mul3A_2] : memref<200x4096xf32, #tpu.memory_space<hbm>> -> memref<40x128xf32, #tpu.memory_space<hbm>>
    tpu.wait_dma2 semaphore(%arg18 : memref<!tpu.dma_semaphore, #tpu.memory_space<semaphore_mem>>) src(%arg12 : memref<40x128xf32, #tpu.memory_space<vmem>>) dst(%dma_wait3A_118 : memref<40x128xf32, #tpu.memory_space<hbm>>)
    %scan3A_119 = arith.constant 0 : i32
    %scan3A_120 = arith.constant 40 : i32
    %scan3A_121 = arith.addi %scan3A_119, %scan3A_120 : i32
    %scan3A_122 = arith.constant 1 : i32
    %scan3A_123:8 = scf.for %scan3A_197 = %scan3A_119 to %scan3A_121 step %scan3A_122 iter_args(%scan3A_198 = %scan3A_93#0, %scan3A_199 = %scan3A_93#1, %scan3A_200 = %scan3A_93#2, %scan3A_201 = %scan3A_93#3, %scan3A_202 = %scan3A_93#4, %scan3A_203 = %scan3A_93#5, %scan3A_204 = %scan3A_93#6, %scan3A_205 = %scan3A_93#7) -> (vector<16xi32>, vector<16xi32>, vector<16xi32>, vector<16xi32>, vector<16xi32>, vector<16xi32>, vector<16xi32>, vector<16xi32>)  : i32 {
      %get3A = arith.index_cast %scan3A_197 : i32 to index
      %get3A_206 = arith.constant 0 : index
      %get3A_207 = tpu.vector_load %arg8[%get3A, %get3A_206] {strides = array<i32>} : memref<40x128xi32, #tpu.memory_space<vmem>>, vector<16xi32>,
      %eq3A = arith.constant 1 : i32
      %eq3A_208 = vector.broadcast %eq3A : i32 to vector<16xi32>
      %eq3A_209 = arith.cmpi eq, %get3A_207, %eq3A_208 : vector<16xi32>
      %jit3A = arith.constant 0 : i32
      %broadcast_in_dim3A_210 = vector.broadcast %jit3A : i32 to vector<16xi32>
      %select_n3A = arith.select %eq3A_209, %broadcast_in_dim3A_210, %scan3A_198 : vector<16xi1>, vector<16xi32>
      %convert_element_type3A = arith.sitofp %select_n3A : vector<16xi32> to vector<16xf32>
      %min3A = arith.constant 100000 : i32
      %min3A_211 = vector.broadcast %min3A : i32 to vector<16xi32>
      %min3A_212 = arith.minsi %get3A_207, %min3A_211 : vector<16xi32>
      %gather3A = tpu.vector_load_idx %arg7[%min3A_212] : memref<100001xf32, #tpu.memory_space<vmem>>[vector<16xi32>], vector<16xf32>,
      %gt3A = arith.constant 100000 : i32
      %gt3A_213 = vector.broadcast %gt3A : i32 to vector<16xi32>
      %gt3A_214 = arith.cmpi sgt, %get3A_207, %gt3A_213 : vector<16xi32>
      %sub3A = arith.constant 100000 : i32
      %sub3A_215 = vector.broadcast %sub3A : i32 to vector<16xi32>
      %sub3A_216 = arith.subi %get3A_207, %sub3A_215 : vector<16xi32>
      %jit3A_217 = arith.constant 0 : i32
      %broadcast_in_dim3A_218 = vector.broadcast %jit3A_217 : i32 to vector<16xi32>
      %select_n3A_219 = arith.select %gt3A_214, %sub3A_216, %broadcast_in_dim3A_218 : vector<16xi1>, vector<16xi32>
      %gather3A_220 = tpu.vector_load_idx %arg10[%select_n3A_219, %add3A_12] : memref<51x128xf32, #tpu.memory_space<vmem>>[vector<16xi32>, vector<16xi32>], vector<16xf32>,
      %select_n3A_221 = arith.select %gt3A_214, %gather3A_220, %gather3A : vector<16xi1>, vector<16xf32>
      %eq3A_222 = arith.constant 0 : i32
      %eq3A_223 = vector.broadcast %eq3A_222 : i32 to vector<16xi32>
      %eq3A_224 = arith.cmpi eq, %select_n3A, %eq3A_223 : vector<16xi32>
      %jit3A_225 = arith.constant 0.000000e+00 : f32
      %broadcast_in_dim3A_226 = vector.broadcast %jit3A_225 : f32 to vector<16xf32>
      %select_n3A_227 = arith.select %eq3A_224, %broadcast_in_dim3A_226, %select_n3A_221 : vector<16xi1>, vector<16xf32>
      %swap3A = arith.index_cast %scan3A_197 : i32 to index
      %swap3A_228 = arith.constant 0 : index
      %swap3A_229 = tpu.vector_load %arg11[%swap3A, %swap3A_228] {strides = array<i32>} : memref<40x128xf32, #tpu.memory_space<vmem>>, vector<16xf32>,
      tpu.vector_store %arg11[%swap3A, %swap3A_228], %select_n3A_227 {strides = array<i32>} : memref<40x128xf32, #tpu.memory_space<vmem>>, vector<16xf32>,
      %swap3A_230 = arith.index_cast %scan3A_197 : i32 to index
      %swap3A_231 = arith.constant 0 : index
      %swap3A_232 = tpu.vector_load %arg12[%swap3A_230, %swap3A_231] {strides = array<i32>} : memref<40x128xf32, #tpu.memory_space<vmem>>, vector<16xf32>,
      tpu.vector_store %arg12[%swap3A_230, %swap3A_231], %convert_element_type3A {strides = array<i32>} : memref<40x128xf32, #tpu.memory_space<vmem>>, vector<16xf32>,
      %get3A_233 = arith.index_cast %scan3A_197 : i32 to index
      %get3A_234 = arith.constant 16 : index
      %get3A_235 = tpu.vector_load %arg8[%get3A_233, %get3A_234] {strides = array<i32>} : memref<40x128xi32, #tpu.memory_space<vmem>>, vector<16xi32>,
      %eq3A_236 = arith.constant 1 : i32
      %eq3A_237 = vector.broadcast %eq3A_236 : i32 to vector<16xi32>
      %eq3A_238 = arith.cmpi eq, %get3A_235, %eq3A_237 : vector<16xi32>
      %jit3A_239 = arith.constant 0 : i32
      %broadcast_in_dim3A_240 = vector.broadcast %jit3A_239 : i32 to vector<16xi32>
      %select_n3A_241 = arith.select %eq3A_238, %broadcast_in_dim3A_240, %scan3A_199 : vector<16xi1>, vector<16xi32>
      %convert_element_type3A_242 = arith.sitofp %select_n3A_241 : vector<16xi32> to vector<16xf32>
      %min3A_243 = arith.constant 100000 : i32
      %min3A_244 = vector.broadcast %min3A_243 : i32 to vector<16xi32>
      %min3A_245 = arith.minsi %get3A_235, %min3A_244 : vector<16xi32>
      %gather3A_246 = tpu.vector_load_idx %arg7[%min3A_245] : memref<100001xf32, #tpu.memory_space<vmem>>[vector<16xi32>], vector<16xf32>,
      %gt3A_247 = arith.constant 100000 : i32
      %gt3A_248 = vector.broadcast %gt3A_247 : i32 to vector<16xi32>
      %gt3A_249 = arith.cmpi sgt, %get3A_235, %gt3A_248 : vector<16xi32>
      %sub3A_250 = arith.constant 100000 : i32
      %sub3A_251 = vector.broadcast %sub3A_250 : i32 to vector<16xi32>
      %sub3A_252 = arith.subi %get3A_235, %sub3A_251 : vector<16xi32>
      %jit3A_253 = arith.constant 0 : i32
      %broadcast_in_dim3A_254 = vector.broadcast %jit3A_253 : i32 to vector<16xi32>
      %select_n3A_255 = arith.select %gt3A_249, %sub3A_252, %broadcast_in_dim3A_254 : vector<16xi1>, vector<16xi32>
      %gather3A_256 = tpu.vector_load_idx %arg10[%select_n3A_255, %add3A_15] : memref<51x128xf32, #tpu.memory_space<vmem>>[vector<16xi32>, vector<16xi32>], vector<16xf32>,
      %select_n3A_257 = arith.select %gt3A_249, %gather3A_256, %gather3A_246 : vector<16xi1>, vector<16xf32>
      %eq3A_258 = arith.constant 0 : i32
      %eq3A_259 = vector.broadcast %eq3A_258 : i32 to vector<16xi32>
      %eq3A_260 = arith.cmpi eq, %select_n3A_241, %eq3A_259 : vector<16xi32>
      %jit3A_261 = arith.constant 0.000000e+00 : f32
      %broadcast_in_dim3A_262 = vector.broadcast %jit3A_261 : f32 to vector<16xf32>
      %select_n3A_263 = arith.select %eq3A_260, %broadcast_in_dim3A_262, %select_n3A_257 : vector<16xi1>, vector<16xf32>
      %swap3A_264 = arith.index_cast %scan3A_197 : i32 to index
      %swap3A_265 = arith.constant 16 : index
      %swap3A_266 = tpu.vector_load %arg11[%swap3A_264, %swap3A_265] {strides = array<i32>} : memref<40x128xf32, #tpu.memory_space<vmem>>, vector<16xf32>,
      tpu.vector_store %arg11[%swap3A_264, %swap3A_265], %select_n3A_263 {strides = array<i32>} : memref<40x128xf32, #tpu.memory_space<vmem>>, vector<16xf32>,
      %swap3A_267 = arith.index_cast %scan3A_197 : i32 to index
      %swap3A_268 = arith.constant 16 : index
      %swap3A_269 = tpu.vector_load %arg12[%swap3A_267, %swap3A_268] {strides = array<i32>} : memref<40x128xf32, #tpu.memory_space<vmem>>, vector<16xf32>,
      tpu.vector_store %arg12[%swap3A_267, %swap3A_268], %convert_element_type3A_242 {strides = array<i32>} : memref<40x128xf32, #tpu.memory_space<vmem>>, vector<16xf32>,
      %get3A_270 = arith.index_cast %scan3A_197 : i32 to index
      %get3A_271 = arith.constant 32 : index
      %get3A_272 = tpu.vector_load %arg8[%get3A_270, %get3A_271] {strides = array<i32>} : memref<40x128xi32, #tpu.memory_space<vmem>>, vector<16xi32>,
      %eq3A_273 = arith.constant 1 : i32
      %eq3A_274 = vector.broadcast %eq3A_273 : i32 to vector<16xi32>
      %eq3A_275 = arith.cmpi eq, %get3A_272, %eq3A_274 : vector<16xi32>
      %jit3A_276 = arith.constant 0 : i32
      %broadcast_in_dim3A_277 = vector.broadcast %jit3A_276 : i32 to vector<16xi32>
      %select_n3A_278 = arith.select %eq3A_275, %broadcast_in_dim3A_277, %scan3A_200 : vector<16xi1>, vector<16xi32>
      %convert_element_type3A_279 = arith.sitofp %select_n3A_278 : vector<16xi32> to vector<16xf32>
      %min3A_280 = arith.constant 100000 : i32
      %min3A_281 = vector.broadcast %min3A_280 : i32 to vector<16xi32>
      %min3A_282 = arith.minsi %get3A_272, %min3A_281 : vector<16xi32>
      %gather3A_283 = tpu.vector_load_idx %arg7[%min3A_282] : memref<100001xf32, #tpu.memory_space<vmem>>[vector<16xi32>], vector<16xf32>,
      %gt3A_284 = arith.constant 100000 : i32
      %gt3A_285 = vector.broadcast %gt3A_284 : i32 to vector<16xi32>
      %gt3A_286 = arith.cmpi sgt, %get3A_272, %gt3A_285 : vector<16xi32>
      %sub3A_287 = arith.constant 100000 : i32
      %sub3A_288 = vector.broadcast %sub3A_287 : i32 to vector<16xi32>
      %sub3A_289 = arith.subi %get3A_272, %sub3A_288 : vector<16xi32>
      %jit3A_290 = arith.constant 0 : i32
      %broadcast_in_dim3A_291 = vector.broadcast %jit3A_290 : i32 to vector<16xi32>
      %select_n3A_292 = arith.select %gt3A_286, %sub3A_289, %broadcast_in_dim3A_291 : vector<16xi1>, vector<16xi32>
      %gather3A_293 = tpu.vector_load_idx %arg10[%select_n3A_292, %add3A_18] : memref<51x128xf32, #tpu.memory_space<vmem>>[vector<16xi32>, vector<16xi32>], vector<16xf32>,
      %select_n3A_294 = arith.select %gt3A_286, %gather3A_293, %gather3A_283 : vector<16xi1>, vector<16xf32>
      %eq3A_295 = arith.constant 0 : i32
      %eq3A_296 = vector.broadcast %eq3A_295 : i32 to vector<16xi32>
      %eq3A_297 = arith.cmpi eq, %select_n3A_278, %eq3A_296 : vector<16xi32>
      %jit3A_298 = arith.constant 0.000000e+00 : f32
      %broadcast_in_dim3A_299 = vector.broadcast %jit3A_298 : f32 to vector<16xf32>
      %select_n3A_300 = arith.select %eq3A_297, %broadcast_in_dim3A_299, %select_n3A_294 : vector<16xi1>, vector<16xf32>
      %swap3A_301 = arith.index_cast %scan3A_197 : i32 to index
      %swap3A_302 = arith.constant 32 : index
      %swap3A_303 = tpu.vector_load %arg11[%swap3A_301, %swap3A_302] {strides = array<i32>} : memref<40x128xf32, #tpu.memory_space<vmem>>, vector<16xf32>,
      tpu.vector_store %arg11[%swap3A_301, %swap3A_302], %select_n3A_300 {strides = array<i32>} : memref<40x128xf32, #tpu.memory_space<vmem>>, vector<16xf32>,
      %swap3A_304 = arith.index_cast %scan3A_197 : i32 to index
      %swap3A_305 = arith.constant 32 : index
      %swap3A_306 = tpu.vector_load %arg12[%swap3A_304, %swap3A_305] {strides = array<i32>} : memref<40x128xf32, #tpu.memory_space<vmem>>, vector<16xf32>,
      tpu.vector_store %arg12[%swap3A_304, %swap3A_305], %convert_element_type3A_279 {strides = array<i32>} : memref<40x128xf32, #tpu.memory_space<vmem>>, vector<16xf32>,
      %get3A_307 = arith.index_cast %scan3A_197 : i32 to index
      %get3A_308 = arith.constant 48 : index
      %get3A_309 = tpu.vector_load %arg8[%get3A_307, %get3A_308] {strides = array<i32>} : memref<40x128xi32, #tpu.memory_space<vmem>>, vector<16xi32>,
      %eq3A_310 = arith.constant 1 : i32
      %eq3A_311 = vector.broadcast %eq3A_310 : i32 to vector<16xi32>
      %eq3A_312 = arith.cmpi eq, %get3A_309, %eq3A_311 : vector<16xi32>
      %jit3A_313 = arith.constant 0 : i32
      %broadcast_in_dim3A_314 = vector.broadcast %jit3A_313 : i32 to vector<16xi32>
      %select_n3A_315 = arith.select %eq3A_312, %broadcast_in_dim3A_314, %scan3A_201 : vector<16xi1>, vector<16xi32>
      %convert_element_type3A_316 = arith.sitofp %select_n3A_315 : vector<16xi32> to vector<16xf32>
      %min3A_317 = arith.constant 100000 : i32
      %min3A_318 = vector.broadcast %min3A_317 : i32 to vector<16xi32>
      %min3A_319 = arith.minsi %get3A_309, %min3A_318 : vector<16xi32>
      %gather3A_320 = tpu.vector_load_idx %arg7[%min3A_319] : memref<100001xf32, #tpu.memory_space<vmem>>[vector<16xi32>], vector<16xf32>,
      %gt3A_321 = arith.constant 100000 : i32
      %gt3A_322 = vector.broadcast %gt3A_321 : i32 to vector<16xi32>
      %gt3A_323 = arith.cmpi sgt, %get3A_309, %gt3A_322 : vector<16xi32>
      %sub3A_324 = arith.constant 100000 : i32
      %sub3A_325 = vector.broadcast %sub3A_324 : i32 to vector<16xi32>
      %sub3A_326 = arith.subi %get3A_309, %sub3A_325 : vector<16xi32>
      %jit3A_327 = arith.constant 0 : i32
      %broadcast_in_dim3A_328 = vector.broadcast %jit3A_327 : i32 to vector<16xi32>
      %select_n3A_329 = arith.select %gt3A_323, %sub3A_326, %broadcast_in_dim3A_328 : vector<16xi1>, vector<16xi32>
      %gather3A_330 = tpu.vector_load_idx %arg10[%select_n3A_329, %add3A_21] : memref<51x128xf32, #tpu.memory_space<vmem>>[vector<16xi32>, vector<16xi32>], vector<16xf32>,
      %select_n3A_331 = arith.select %gt3A_323, %gather3A_330, %gather3A_320 : vector<16xi1>, vector<16xf32>
      %eq3A_332 = arith.constant 0 : i32
      %eq3A_333 = vector.broadcast %eq3A_332 : i32 to vector<16xi32>
      %eq3A_334 = arith.cmpi eq, %select_n3A_315, %eq3A_333 : vector<16xi32>
      %jit3A_335 = arith.constant 0.000000e+00 : f32
      %broadcast_in_dim3A_336 = vector.broadcast %jit3A_335 : f32 to vector<16xf32>
      %select_n3A_337 = arith.select %eq3A_334, %broadcast_in_dim3A_336, %select_n3A_331 : vector<16xi1>, vector<16xf32>
      %swap3A_338 = arith.index_cast %scan3A_197 : i32 to index
      %swap3A_339 = arith.constant 48 : index
      %swap3A_340 = tpu.vector_load %arg11[%swap3A_338, %swap3A_339] {strides = array<i32>} : memref<40x128xf32, #tpu.memory_space<vmem>>, vector<16xf32>,
      tpu.vector_store %arg11[%swap3A_338, %swap3A_339], %select_n3A_337 {strides = array<i32>} : memref<40x128xf32, #tpu.memory_space<vmem>>, vector<16xf32>,
      %swap3A_341 = arith.index_cast %scan3A_197 : i32 to index
      %swap3A_342 = arith.constant 48 : index
      %swap3A_343 = tpu.vector_load %arg12[%swap3A_341, %swap3A_342] {strides = array<i32>} : memref<40x128xf32, #tpu.memory_space<vmem>>, vector<16xf32>,
      tpu.vector_store %arg12[%swap3A_341, %swap3A_342], %convert_element_type3A_316 {strides = array<i32>} : memref<40x128xf32, #tpu.memory_space<vmem>>, vector<16xf32>,
      %get3A_344 = arith.index_cast %scan3A_197 : i32 to index
      %get3A_345 = arith.constant 64 : index
      %get3A_346 = tpu.vector_load %arg8[%get3A_344, %get3A_345] {strides = array<i32>} : memref<40x128xi32, #tpu.memory_space<vmem>>, vector<16xi32>,
      %eq3A_347 = arith.constant 1 : i32
      %eq3A_348 = vector.broadcast %eq3A_347 : i32 to vector<16xi32>
      %eq3A_349 = arith.cmpi eq, %get3A_346, %eq3A_348 : vector<16xi32>
      %jit3A_350 = arith.constant 0 : i32
      %broadcast_in_dim3A_351 = vector.broadcast %jit3A_350 : i32 to vector<16xi32>
      %select_n3A_352 = arith.select %eq3A_349, %broadcast_in_dim3A_351, %scan3A_202 : vector<16xi1>, vector<16xi32>
      %convert_element_type3A_353 = arith.sitofp %select_n3A_352 : vector<16xi32> to vector<16xf32>
      %min3A_354 = arith.constant 100000 : i32
      %min3A_355 = vector.broadcast %min3A_354 : i32 to vector<16xi32>
      %min3A_356 = arith.minsi %get3A_346, %min3A_355 : vector<16xi32>
      %gather3A_357 = tpu.vector_load_idx %arg7[%min3A_356] : memref<100001xf32, #tpu.memory_space<vmem>>[vector<16xi32>], vector<16xf32>,
      %gt3A_358 = arith.constant 100000 : i32
      %gt3A_359 = vector.broadcast %gt3A_358 : i32 to vector<16xi32>
      %gt3A_360 = arith.cmpi sgt, %get3A_346, %gt3A_359 : vector<16xi32>
      %sub3A_361 = arith.constant 100000 : i32
      %sub3A_362 = vector.broadcast %sub3A_361 : i32 to vector<16xi32>
      %sub3A_363 = arith.subi %get3A_346, %sub3A_362 : vector<16xi32>
      %jit3A_364 = arith.constant 0 : i32
      %broadcast_in_dim3A_365 = vector.broadcast %jit3A_364 : i32 to vector<16xi32>
      %select_n3A_366 = arith.select %gt3A_360, %sub3A_363, %broadcast_in_dim3A_365 : vector<16xi1>, vector<16xi32>
      %gather3A_367 = tpu.vector_load_idx %arg10[%select_n3A_366, %add3A_24] : memref<51x128xf32, #tpu.memory_space<vmem>>[vector<16xi32>, vector<16xi32>], vector<16xf32>,
      %select_n3A_368 = arith.select %gt3A_360, %gather3A_367, %gather3A_357 : vector<16xi1>, vector<16xf32>
      %eq3A_369 = arith.constant 0 : i32
      %eq3A_370 = vector.broadcast %eq3A_369 : i32 to vector<16xi32>
      %eq3A_371 = arith.cmpi eq, %select_n3A_352, %eq3A_370 : vector<16xi32>
      %jit3A_372 = arith.constant 0.000000e+00 : f32
      %broadcast_in_dim3A_373 = vector.broadcast %jit3A_372 : f32 to vector<16xf32>
      %select_n3A_374 = arith.select %eq3A_371, %broadcast_in_dim3A_373, %select_n3A_368 : vector<16xi1>, vector<16xf32>
      %swap3A_375 = arith.index_cast %scan3A_197 : i32 to index
      %swap3A_376 = arith.constant 64 : index
      %swap3A_377 = tpu.vector_load %arg11[%swap3A_375, %swap3A_376] {strides = array<i32>} : memref<40x128xf32, #tpu.memory_space<vmem>>, vector<16xf32>,
      tpu.vector_store %arg11[%swap3A_375, %swap3A_376], %select_n3A_374 {strides = array<i32>} : memref<40x128xf32, #tpu.memory_space<vmem>>, vector<16xf32>,
      %swap3A_378 = arith.index_cast %scan3A_197 : i32 to index
      %swap3A_379 = arith.constant 64 : index
      %swap3A_380 = tpu.vector_load %arg12[%swap3A_378, %swap3A_379] {strides = array<i32>} : memref<40x128xf32, #tpu.memory_space<vmem>>, vector<16xf32>,
      tpu.vector_store %arg12[%swap3A_378, %swap3A_379], %convert_element_type3A_353 {strides = array<i32>} : memref<40x128xf32, #tpu.memory_space<vmem>>, vector<16xf32>,
      %get3A_381 = arith.index_cast %scan3A_197 : i32 to index
      %get3A_382 = arith.constant 80 : index
      %get3A_383 = tpu.vector_load %arg8[%get3A_381, %get3A_382] {strides = array<i32>} : memref<40x128xi32, #tpu.memory_space<vmem>>, vector<16xi32>,
      %eq3A_384 = arith.constant 1 : i32
      %eq3A_385 = vector.broadcast %eq3A_384 : i32 to vector<16xi32>
      %eq3A_386 = arith.cmpi eq, %get3A_383, %eq3A_385 : vector<16xi32>
      %jit3A_387 = arith.constant 0 : i32
      %broadcast_in_dim3A_388 = vector.broadcast %jit3A_387 : i32 to vector<16xi32>
      %select_n3A_389 = arith.select %eq3A_386, %broadcast_in_dim3A_388, %scan3A_203 : vector<16xi1>, vector<16xi32>
      %convert_element_type3A_390 = arith.sitofp %select_n3A_389 : vector<16xi32> to vector<16xf32>
      %min3A_391 = arith.constant 100000 : i32
      %min3A_392 = vector.broadcast %min3A_391 : i32 to vector<16xi32>
      %min3A_393 = arith.minsi %get3A_383, %min3A_392 : vector<16xi32>
      %gather3A_394 = tpu.vector_load_idx %arg7[%min3A_393] : memref<100001xf32, #tpu.memory_space<vmem>>[vector<16xi32>], vector<16xf32>,
      %gt3A_395 = arith.constant 100000 : i32
      %gt3A_396 = vector.broadcast %gt3A_395 : i32 to vector<16xi32>
      %gt3A_397 = arith.cmpi sgt, %get3A_383, %gt3A_396 : vector<16xi32>
      %sub3A_398 = arith.constant 100000 : i32
      %sub3A_399 = vector.broadcast %sub3A_398 : i32 to vector<16xi32>
      %sub3A_400 = arith.subi %get3A_383, %sub3A_399 : vector<16xi32>
      %jit3A_401 = arith.constant 0 : i32
      %broadcast_in_dim3A_402 = vector.broadcast %jit3A_401 : i32 to vector<16xi32>
      %select_n3A_403 = arith.select %gt3A_397, %sub3A_400, %broadcast_in_dim3A_402 : vector<16xi1>, vector<16xi32>
      %gather3A_404 = tpu.vector_load_idx %arg10[%select_n3A_403, %add3A_27] : memref<51x128xf32, #tpu.memory_space<vmem>>[vector<16xi32>, vector<16xi32>], vector<16xf32>,
      %select_n3A_405 = arith.select %gt3A_397, %gather3A_404, %gather3A_394 : vector<16xi1>, vector<16xf32>
      %eq3A_406 = arith.constant 0 : i32
      %eq3A_407 = vector.broadcast %eq3A_406 : i32 to vector<16xi32>
      %eq3A_408 = arith.cmpi eq, %select_n3A_389, %eq3A_407 : vector<16xi32>
      %jit3A_409 = arith.constant 0.000000e+00 : f32
      %broadcast_in_dim3A_410 = vector.broadcast %jit3A_409 : f32 to vector<16xf32>
      %select_n3A_411 = arith.select %eq3A_408, %broadcast_in_dim3A_410, %select_n3A_405 : vector<16xi1>, vector<16xf32>
      %swap3A_412 = arith.index_cast %scan3A_197 : i32 to index
      %swap3A_413 = arith.constant 80 : index
      %swap3A_414 = tpu.vector_load %arg11[%swap3A_412, %swap3A_413] {strides = array<i32>} : memref<40x128xf32, #tpu.memory_space<vmem>>, vector<16xf32>,
      tpu.vector_store %arg11[%swap3A_412, %swap3A_413], %select_n3A_411 {strides = array<i32>} : memref<40x128xf32, #tpu.memory_space<vmem>>, vector<16xf32>,
      %swap3A_415 = arith.index_cast %scan3A_197 : i32 to index
      %swap3A_416 = arith.constant 80 : index
      %swap3A_417 = tpu.vector_load %arg12[%swap3A_415, %swap3A_416] {strides = array<i32>} : memref<40x128xf32, #tpu.memory_space<vmem>>, vector<16xf32>,
      tpu.vector_store %arg12[%swap3A_415, %swap3A_416], %convert_element_type3A_390 {strides = array<i32>} : memref<40x128xf32, #tpu.memory_space<vmem>>, vector<16xf32>,
      %get3A_418 = arith.index_cast %scan3A_197 : i32 to index
      %get3A_419 = arith.constant 96 : index
      %get3A_420 = tpu.vector_load %arg8[%get3A_418, %get3A_419] {strides = array<i32>} : memref<40x128xi32, #tpu.memory_space<vmem>>, vector<16xi32>,
      %eq3A_421 = arith.constant 1 : i32
      %eq3A_422 = vector.broadcast %eq3A_421 : i32 to vector<16xi32>
      %eq3A_423 = arith.cmpi eq, %get3A_420, %eq3A_422 : vector<16xi32>
      %jit3A_424 = arith.constant 0 : i32
      %broadcast_in_dim3A_425 = vector.broadcast %jit3A_424 : i32 to vector<16xi32>
      %select_n3A_426 = arith.select %eq3A_423, %broadcast_in_dim3A_425, %scan3A_204 : vector<16xi1>, vector<16xi32>
      %convert_element_type3A_427 = arith.sitofp %select_n3A_426 : vector<16xi32> to vector<16xf32>
      %min3A_428 = arith.constant 100000 : i32
      %min3A_429 = vector.broadcast %min3A_428 : i32 to vector<16xi32>
      %min3A_430 = arith.minsi %get3A_420, %min3A_429 : vector<16xi32>
      %gather3A_431 = tpu.vector_load_idx %arg7[%min3A_430] : memref<100001xf32, #tpu.memory_space<vmem>>[vector<16xi32>], vector<16xf32>,
      %gt3A_432 = arith.constant 100000 : i32
      %gt3A_433 = vector.broadcast %gt3A_432 : i32 to vector<16xi32>
      %gt3A_434 = arith.cmpi sgt, %get3A_420, %gt3A_433 : vector<16xi32>
      %sub3A_435 = arith.constant 100000 : i32
      %sub3A_436 = vector.broadcast %sub3A_435 : i32 to vector<16xi32>
      %sub3A_437 = arith.subi %get3A_420, %sub3A_436 : vector<16xi32>
      %jit3A_438 = arith.constant 0 : i32
      %broadcast_in_dim3A_439 = vector.broadcast %jit3A_438 : i32 to vector<16xi32>
      %select_n3A_440 = arith.select %gt3A_434, %sub3A_437, %broadcast_in_dim3A_439 : vector<16xi1>, vector<16xi32>
      %gather3A_441 = tpu.vector_load_idx %arg10[%select_n3A_440, %add3A_30] : memref<51x128xf32, #tpu.memory_space<vmem>>[vector<16xi32>, vector<16xi32>], vector<16xf32>,
      %select_n3A_442 = arith.select %gt3A_434, %gather3A_441, %gather3A_431 : vector<16xi1>, vector<16xf32>
      %eq3A_443 = arith.constant 0 : i32
      %eq3A_444 = vector.broadcast %eq3A_443 : i32 to vector<16xi32>
      %eq3A_445 = arith.cmpi eq, %select_n3A_426, %eq3A_444 : vector<16xi32>
      %jit3A_446 = arith.constant 0.000000e+00 : f32
      %broadcast_in_dim3A_447 = vector.broadcast %jit3A_446 : f32 to vector<16xf32>
      %select_n3A_448 = arith.select %eq3A_445, %broadcast_in_dim3A_447, %select_n3A_442 : vector<16xi1>, vector<16xf32>
      %swap3A_449 = arith.index_cast %scan3A_197 : i32 to index
      %swap3A_450 = arith.constant 96 : index
      %swap3A_451 = tpu.vector_load %arg11[%swap3A_449, %swap3A_450] {strides = array<i32>} : memref<40x128xf32, #tpu.memory_space<vmem>>, vector<16xf32>,
      tpu.vector_store %arg11[%swap3A_449, %swap3A_450], %select_n3A_448 {strides = array<i32>} : memref<40x128xf32, #tpu.memory_space<vmem>>, vector<16xf32>,
      %swap3A_452 = arith.index_cast %scan3A_197 : i32 to index
      %swap3A_453 = arith.constant 96 : index
      %swap3A_454 = tpu.vector_load %arg12[%swap3A_452, %swap3A_453] {strides = array<i32>} : memref<40x128xf32, #tpu.memory_space<vmem>>, vector<16xf32>,
      tpu.vector_store %arg12[%swap3A_452, %swap3A_453], %convert_element_type3A_427 {strides = array<i32>} : memref<40x128xf32, #tpu.memory_space<vmem>>, vector<16xf32>,
      %get3A_455 = arith.index_cast %scan3A_197 : i32 to index
      %get3A_456 = arith.constant 112 : index
      %get3A_457 = tpu.vector_load %arg8[%get3A_455, %get3A_456] {strides = array<i32>} : memref<40x128xi32, #tpu.memory_space<vmem>>, vector<16xi32>,
      %eq3A_458 = arith.constant 1 : i32
      %eq3A_459 = vector.broadcast %eq3A_458 : i32 to vector<16xi32>
      %eq3A_460 = arith.cmpi eq, %get3A_457, %eq3A_459 : vector<16xi32>
      %jit3A_461 = arith.constant 0 : i32
      %broadcast_in_dim3A_462 = vector.broadcast %jit3A_461 : i32 to vector<16xi32>
      %select_n3A_463 = arith.select %eq3A_460, %broadcast_in_dim3A_462, %scan3A_205 : vector<16xi1>, vector<16xi32>
      %convert_element_type3A_464 = arith.sitofp %select_n3A_463 : vector<16xi32> to vector<16xf32>
      %min3A_465 = arith.constant 100000 : i32
      %min3A_466 = vector.broadcast %min3A_465 : i32 to vector<16xi32>
      %min3A_467 = arith.minsi %get3A_457, %min3A_466 : vector<16xi32>
      %gather3A_468 = tpu.vector_load_idx %arg7[%min3A_467] : memref<100001xf32, #tpu.memory_space<vmem>>[vector<16xi32>], vector<16xf32>,
      %gt3A_469 = arith.constant 100000 : i32
      %gt3A_470 = vector.broadcast %gt3A_469 : i32 to vector<16xi32>
      %gt3A_471 = arith.cmpi sgt, %get3A_457, %gt3A_470 : vector<16xi32>
      %sub3A_472 = arith.constant 100000 : i32
      %sub3A_473 = vector.broadcast %sub3A_472 : i32 to vector<16xi32>
      %sub3A_474 = arith.subi %get3A_457, %sub3A_473 : vector<16xi32>
      %jit3A_475 = arith.constant 0 : i32
      %broadcast_in_dim3A_476 = vector.broadcast %jit3A_475 : i32 to vector<16xi32>
      %select_n3A_477 = arith.select %gt3A_471, %sub3A_474, %broadcast_in_dim3A_476 : vector<16xi1>, vector<16xi32>
      %gather3A_478 = tpu.vector_load_idx %arg10[%select_n3A_477, %add3A_33] : memref<51x128xf32, #tpu.memory_space<vmem>>[vector<16xi32>, vector<16xi32>], vector<16xf32>,
      %select_n3A_479 = arith.select %gt3A_471, %gather3A_478, %gather3A_468 : vector<16xi1>, vector<16xf32>
      %eq3A_480 = arith.constant 0 : i32
      %eq3A_481 = vector.broadcast %eq3A_480 : i32 to vector<16xi32>
      %eq3A_482 = arith.cmpi eq, %select_n3A_463, %eq3A_481 : vector<16xi32>
      %jit3A_483 = arith.constant 0.000000e+00 : f32
      %broadcast_in_dim3A_484 = vector.broadcast %jit3A_483 : f32 to vector<16xf32>
      %select_n3A_485 = arith.select %eq3A_482, %broadcast_in_dim3A_484, %select_n3A_479 : vector<16xi1>, vector<16xf32>
      %swap3A_486 = arith.index_cast %scan3A_197 : i32 to index
      %swap3A_487 = arith.constant 112 : index
      %swap3A_488 = tpu.vector_load %arg11[%swap3A_486, %swap3A_487] {strides = array<i32>} : memref<40x128xf32, #tpu.memory_space<vmem>>, vector<16xf32>,
      tpu.vector_store %arg11[%swap3A_486, %swap3A_487], %select_n3A_485 {strides = array<i32>} : memref<40x128xf32, #tpu.memory_space<vmem>>, vector<16xf32>,
      %swap3A_489 = arith.index_cast %scan3A_197 : i32 to index
      %swap3A_490 = arith.constant 112 : index
      %swap3A_491 = tpu.vector_load %arg12[%swap3A_489, %swap3A_490] {strides = array<i32>} : memref<40x128xf32, #tpu.memory_space<vmem>>, vector<16xf32>,
      tpu.vector_store %arg12[%swap3A_489, %swap3A_490], %convert_element_type3A_464 {strides = array<i32>} : memref<40x128xf32, #tpu.memory_space<vmem>>, vector<16xf32>,
      scf.yield %select_n3A, %select_n3A_241, %select_n3A_278, %select_n3A_315, %select_n3A_352, %select_n3A_389, %select_n3A_426, %select_n3A_463 : vector<16xi32>, vector<16xi32>, vector<16xi32>, vector<16xi32>, vector<16xi32>, vector<16xi32>, vector<16xi32>, vector<16xi32>
    }
    %scan3A_124 = arith.constant 40 : i32
    %dma_start3A_125 = arith.constant 80 : i32
    %dma_start3A_126 = tpu.memref_slice %arg5[%dma_start3A_125, %mul3A_2] : memref<200x4096xf32, #tpu.memory_space<hbm>> -> memref<40x128xf32, #tpu.memory_space<hbm>>
    %dma_start3A_127 = arith.constant 80 : i32
    %dma_start3A_128 = tpu.memref_slice %arg5[%dma_start3A_127, %mul3A_2] : memref<200x4096xf32, #tpu.memory_space<hbm>> -> memref<40x128xf32, #tpu.memory_space<hbm>>
    tpu.enqueue_dma source(%arg11 : memref<40x128xf32, #tpu.memory_space<vmem>>) target(%dma_start3A_128 : memref<40x128xf32, #tpu.memory_space<hbm>>) target_semaphore(%arg17 : memref<!tpu.dma_semaphore, #tpu.memory_space<semaphore_mem>>)
    %dma_start3A_129 = arith.constant 80 : i32
    %dma_start3A_130 = tpu.memref_slice %arg6[%dma_start3A_129, %mul3A_2] : memref<200x4096xf32, #tpu.memory_space<hbm>> -> memref<40x128xf32, #tpu.memory_space<hbm>>
    %dma_start3A_131 = arith.constant 80 : i32
    %dma_start3A_132 = tpu.memref_slice %arg6[%dma_start3A_131, %mul3A_2] : memref<200x4096xf32, #tpu.memory_space<hbm>> -> memref<40x128xf32, #tpu.memory_space<hbm>>
    tpu.enqueue_dma source(%arg12 : memref<40x128xf32, #tpu.memory_space<vmem>>) target(%dma_start3A_132 : memref<40x128xf32, #tpu.memory_space<hbm>>) target_semaphore(%arg18 : memref<!tpu.dma_semaphore, #tpu.memory_space<semaphore_mem>>)
    %dma_wait3A_133 = arith.constant 120 : i32
    %dma_wait3A_134 = tpu.memref_slice %arg2[%dma_wait3A_133, %mul3A_2] : memref<200x4096xi32, #tpu.memory_space<hbm>> -> memref<40x128xi32, #tpu.memory_space<hbm>>
    %dma_wait3A_135 = arith.constant 120 : i32
    %dma_wait3A_136 = tpu.memref_slice %arg2[%dma_wait3A_135, %mul3A_2] : memref<200x4096xi32, #tpu.memory_space<hbm>> -> memref<40x128xi32, #tpu.memory_space<hbm>>
    tpu.wait_dma2 semaphore(%arg16 : memref<!tpu.dma_semaphore, #tpu.memory_space<semaphore_mem>>) src(%dma_wait3A_136 : memref<40x128xi32, #tpu.memory_space<hbm>>) dst(%arg9 : memref<40x128xi32, #tpu.memory_space<vmem>>)
    %dma_start3A_137 = arith.constant 160 : i32
    %dma_start3A_138 = tpu.memref_slice %arg2[%dma_start3A_137, %mul3A_2] : memref<200x4096xi32, #tpu.memory_space<hbm>> -> memref<40x128xi32, #tpu.memory_space<hbm>>
    %dma_start3A_139 = arith.constant 160 : i32
    %dma_start3A_140 = tpu.memref_slice %arg2[%dma_start3A_139, %mul3A_2] : memref<200x4096xi32, #tpu.memory_space<hbm>> -> memref<40x128xi32, #tpu.memory_space<hbm>>
    tpu.enqueue_dma source(%dma_start3A_140 : memref<40x128xi32, #tpu.memory_space<hbm>>) target(%arg8 : memref<40x128xi32, #tpu.memory_space<vmem>>) target_semaphore(%arg15 : memref<!tpu.dma_semaphore, #tpu.memory_space<semaphore_mem>>)
    %dma_wait3A_141 = arith.constant 80 : i32
    %dma_wait3A_142 = tpu.memref_slice %arg5[%dma_wait3A_141, %mul3A_2] : memref<200x4096xf32, #tpu.memory_space<hbm>> -> memref<40x128xf32, #tpu.memory_space<hbm>>
    %dma_wait3A_143 = arith.constant 80 : i32
    %dma_wait3A_144 = tpu.memref_slice %arg5[%dma_wait3A_143, %mul3A_2] : memref<200x4096xf32, #tpu.memory_space<hbm>> -> memref<40x128xf32, #tpu.memory_space<hbm>>
    tpu.wait_dma2 semaphore(%arg17 : memref<!tpu.dma_semaphore, #tpu.memory_space<semaphore_mem>>) src(%arg11 : memref<40x128xf32, #tpu.memory_space<vmem>>) dst(%dma_wait3A_144 : memref<40x128xf32, #tpu.memory_space<hbm>>)
    %dma_wait3A_145 = arith.constant 80 : i32
    %dma_wait3A_146 = tpu.memref_slice %arg6[%dma_wait3A_145, %mul3A_2] : memref<200x4096xf32, #tpu.memory_space<hbm>> -> memref<40x128xf32, #tpu.memory_space<hbm>>
    %dma_wait3A_147 = arith.constant 80 : i32
    %dma_wait3A_148 = tpu.memref_slice %arg6[%dma_wait3A_147, %mul3A_2] : memref<200x4096xf32, #tpu.memory_space<hbm>> -> memref<40x128xf32, #tpu.memory_space<hbm>>
    tpu.wait_dma2 semaphore(%arg18 : memref<!tpu.dma_semaphore, #tpu.memory_space<semaphore_mem>>) src(%arg12 : memref<40x128xf32, #tpu.memory_space<vmem>>) dst(%dma_wait3A_148 : memref<40x128xf32, #tpu.memory_space<hbm>>)
    %scan3A_149 = arith.constant 0 : i32
    %scan3A_150 = arith.constant 40 : i32
    %scan3A_151 = arith.addi %scan3A_149, %scan3A_150 : i32
    %scan3A_152 = arith.constant 1 : i32
    %scan3A_153:8 = scf.for %scan3A_197 = %scan3A_149 to %scan3A_151 step %scan3A_152 iter_args(%scan3A_198 = %scan3A_123#0, %scan3A_199 = %scan3A_123#1, %scan3A_200 = %scan3A_123#2, %scan3A_201 = %scan3A_123#3, %scan3A_202 = %scan3A_123#4, %scan3A_203 = %scan3A_123#5, %scan3A_204 = %scan3A_123#6, %scan3A_205 = %scan3A_123#7) -> (vector<16xi32>, vector<16xi32>, vector<16xi32>, vector<16xi32>, vector<16xi32>, vector<16xi32>, vector<16xi32>, vector<16xi32>)  : i32 {
      %get3A = arith.index_cast %scan3A_197 : i32 to index
      %get3A_206 = arith.constant 0 : index
      %get3A_207 = tpu.vector_load %arg9[%get3A, %get3A_206] {strides = array<i32>} : memref<40x128xi32, #tpu.memory_space<vmem>>, vector<16xi32>,
      %eq3A = arith.constant 1 : i32
      %eq3A_208 = vector.broadcast %eq3A : i32 to vector<16xi32>
      %eq3A_209 = arith.cmpi eq, %get3A_207, %eq3A_208 : vector<16xi32>
      %jit3A = arith.constant 0 : i32
      %broadcast_in_dim3A_210 = vector.broadcast %jit3A : i32 to vector<16xi32>
      %select_n3A = arith.select %eq3A_209, %broadcast_in_dim3A_210, %scan3A_198 : vector<16xi1>, vector<16xi32>
      %convert_element_type3A = arith.sitofp %select_n3A : vector<16xi32> to vector<16xf32>
      %min3A = arith.constant 100000 : i32
      %min3A_211 = vector.broadcast %min3A : i32 to vector<16xi32>
      %min3A_212 = arith.minsi %get3A_207, %min3A_211 : vector<16xi32>
      %gather3A = tpu.vector_load_idx %arg7[%min3A_212] : memref<100001xf32, #tpu.memory_space<vmem>>[vector<16xi32>], vector<16xf32>,
      %gt3A = arith.constant 100000 : i32
      %gt3A_213 = vector.broadcast %gt3A : i32 to vector<16xi32>
      %gt3A_214 = arith.cmpi sgt, %get3A_207, %gt3A_213 : vector<16xi32>
      %sub3A = arith.constant 100000 : i32
      %sub3A_215 = vector.broadcast %sub3A : i32 to vector<16xi32>
      %sub3A_216 = arith.subi %get3A_207, %sub3A_215 : vector<16xi32>
      %jit3A_217 = arith.constant 0 : i32
      %broadcast_in_dim3A_218 = vector.broadcast %jit3A_217 : i32 to vector<16xi32>
      %select_n3A_219 = arith.select %gt3A_214, %sub3A_216, %broadcast_in_dim3A_218 : vector<16xi1>, vector<16xi32>
      %gather3A_220 = tpu.vector_load_idx %arg10[%select_n3A_219, %add3A_12] : memref<51x128xf32, #tpu.memory_space<vmem>>[vector<16xi32>, vector<16xi32>], vector<16xf32>,
      %select_n3A_221 = arith.select %gt3A_214, %gather3A_220, %gather3A : vector<16xi1>, vector<16xf32>
      %eq3A_222 = arith.constant 0 : i32
      %eq3A_223 = vector.broadcast %eq3A_222 : i32 to vector<16xi32>
      %eq3A_224 = arith.cmpi eq, %select_n3A, %eq3A_223 : vector<16xi32>
      %jit3A_225 = arith.constant 0.000000e+00 : f32
      %broadcast_in_dim3A_226 = vector.broadcast %jit3A_225 : f32 to vector<16xf32>
      %select_n3A_227 = arith.select %eq3A_224, %broadcast_in_dim3A_226, %select_n3A_221 : vector<16xi1>, vector<16xf32>
      %swap3A = arith.index_cast %scan3A_197 : i32 to index
      %swap3A_228 = arith.constant 0 : index
      %swap3A_229 = tpu.vector_load %arg11[%swap3A, %swap3A_228] {strides = array<i32>} : memref<40x128xf32, #tpu.memory_space<vmem>>, vector<16xf32>,
      tpu.vector_store %arg11[%swap3A, %swap3A_228], %select_n3A_227 {strides = array<i32>} : memref<40x128xf32, #tpu.memory_space<vmem>>, vector<16xf32>,
      %swap3A_230 = arith.index_cast %scan3A_197 : i32 to index
      %swap3A_231 = arith.constant 0 : index
      %swap3A_232 = tpu.vector_load %arg12[%swap3A_230, %swap3A_231] {strides = array<i32>} : memref<40x128xf32, #tpu.memory_space<vmem>>, vector<16xf32>,
      tpu.vector_store %arg12[%swap3A_230, %swap3A_231], %convert_element_type3A {strides = array<i32>} : memref<40x128xf32, #tpu.memory_space<vmem>>, vector<16xf32>,
      %get3A_233 = arith.index_cast %scan3A_197 : i32 to index
      %get3A_234 = arith.constant 16 : index
      %get3A_235 = tpu.vector_load %arg9[%get3A_233, %get3A_234] {strides = array<i32>} : memref<40x128xi32, #tpu.memory_space<vmem>>, vector<16xi32>,
      %eq3A_236 = arith.constant 1 : i32
      %eq3A_237 = vector.broadcast %eq3A_236 : i32 to vector<16xi32>
      %eq3A_238 = arith.cmpi eq, %get3A_235, %eq3A_237 : vector<16xi32>
      %jit3A_239 = arith.constant 0 : i32
      %broadcast_in_dim3A_240 = vector.broadcast %jit3A_239 : i32 to vector<16xi32>
      %select_n3A_241 = arith.select %eq3A_238, %broadcast_in_dim3A_240, %scan3A_199 : vector<16xi1>, vector<16xi32>
      %convert_element_type3A_242 = arith.sitofp %select_n3A_241 : vector<16xi32> to vector<16xf32>
      %min3A_243 = arith.constant 100000 : i32
      %min3A_244 = vector.broadcast %min3A_243 : i32 to vector<16xi32>
      %min3A_245 = arith.minsi %get3A_235, %min3A_244 : vector<16xi32>
      %gather3A_246 = tpu.vector_load_idx %arg7[%min3A_245] : memref<100001xf32, #tpu.memory_space<vmem>>[vector<16xi32>], vector<16xf32>,
      %gt3A_247 = arith.constant 100000 : i32
      %gt3A_248 = vector.broadcast %gt3A_247 : i32 to vector<16xi32>
      %gt3A_249 = arith.cmpi sgt, %get3A_235, %gt3A_248 : vector<16xi32>
      %sub3A_250 = arith.constant 100000 : i32
      %sub3A_251 = vector.broadcast %sub3A_250 : i32 to vector<16xi32>
      %sub3A_252 = arith.subi %get3A_235, %sub3A_251 : vector<16xi32>
      %jit3A_253 = arith.constant 0 : i32
      %broadcast_in_dim3A_254 = vector.broadcast %jit3A_253 : i32 to vector<16xi32>
      %select_n3A_255 = arith.select %gt3A_249, %sub3A_252, %broadcast_in_dim3A_254 : vector<16xi1>, vector<16xi32>
      %gather3A_256 = tpu.vector_load_idx %arg10[%select_n3A_255, %add3A_15] : memref<51x128xf32, #tpu.memory_space<vmem>>[vector<16xi32>, vector<16xi32>], vector<16xf32>,
      %select_n3A_257 = arith.select %gt3A_249, %gather3A_256, %gather3A_246 : vector<16xi1>, vector<16xf32>
      %eq3A_258 = arith.constant 0 : i32
      %eq3A_259 = vector.broadcast %eq3A_258 : i32 to vector<16xi32>
      %eq3A_260 = arith.cmpi eq, %select_n3A_241, %eq3A_259 : vector<16xi32>
      %jit3A_261 = arith.constant 0.000000e+00 : f32
      %broadcast_in_dim3A_262 = vector.broadcast %jit3A_261 : f32 to vector<16xf32>
      %select_n3A_263 = arith.select %eq3A_260, %broadcast_in_dim3A_262, %select_n3A_257 : vector<16xi1>, vector<16xf32>
      %swap3A_264 = arith.index_cast %scan3A_197 : i32 to index
      %swap3A_265 = arith.constant 16 : index
      %swap3A_266 = tpu.vector_load %arg11[%swap3A_264, %swap3A_265] {strides = array<i32>} : memref<40x128xf32, #tpu.memory_space<vmem>>, vector<16xf32>,
      tpu.vector_store %arg11[%swap3A_264, %swap3A_265], %select_n3A_263 {strides = array<i32>} : memref<40x128xf32, #tpu.memory_space<vmem>>, vector<16xf32>,
      %swap3A_267 = arith.index_cast %scan3A_197 : i32 to index
      %swap3A_268 = arith.constant 16 : index
      %swap3A_269 = tpu.vector_load %arg12[%swap3A_267, %swap3A_268] {strides = array<i32>} : memref<40x128xf32, #tpu.memory_space<vmem>>, vector<16xf32>,
      tpu.vector_store %arg12[%swap3A_267, %swap3A_268], %convert_element_type3A_242 {strides = array<i32>} : memref<40x128xf32, #tpu.memory_space<vmem>>, vector<16xf32>,
      %get3A_270 = arith.index_cast %scan3A_197 : i32 to index
      %get3A_271 = arith.constant 32 : index
      %get3A_272 = tpu.vector_load %arg9[%get3A_270, %get3A_271] {strides = array<i32>} : memref<40x128xi32, #tpu.memory_space<vmem>>, vector<16xi32>,
      %eq3A_273 = arith.constant 1 : i32
      %eq3A_274 = vector.broadcast %eq3A_273 : i32 to vector<16xi32>
      %eq3A_275 = arith.cmpi eq, %get3A_272, %eq3A_274 : vector<16xi32>
      %jit3A_276 = arith.constant 0 : i32
      %broadcast_in_dim3A_277 = vector.broadcast %jit3A_276 : i32 to vector<16xi32>
      %select_n3A_278 = arith.select %eq3A_275, %broadcast_in_dim3A_277, %scan3A_200 : vector<16xi1>, vector<16xi32>
      %convert_element_type3A_279 = arith.sitofp %select_n3A_278 : vector<16xi32> to vector<16xf32>
      %min3A_280 = arith.constant 100000 : i32
      %min3A_281 = vector.broadcast %min3A_280 : i32 to vector<16xi32>
      %min3A_282 = arith.minsi %get3A_272, %min3A_281 : vector<16xi32>
      %gather3A_283 = tpu.vector_load_idx %arg7[%min3A_282] : memref<100001xf32, #tpu.memory_space<vmem>>[vector<16xi32>], vector<16xf32>,
      %gt3A_284 = arith.constant 100000 : i32
      %gt3A_285 = vector.broadcast %gt3A_284 : i32 to vector<16xi32>
      %gt3A_286 = arith.cmpi sgt, %get3A_272, %gt3A_285 : vector<16xi32>
      %sub3A_287 = arith.constant 100000 : i32
      %sub3A_288 = vector.broadcast %sub3A_287 : i32 to vector<16xi32>
      %sub3A_289 = arith.subi %get3A_272, %sub3A_288 : vector<16xi32>
      %jit3A_290 = arith.constant 0 : i32
      %broadcast_in_dim3A_291 = vector.broadcast %jit3A_290 : i32 to vector<16xi32>
      %select_n3A_292 = arith.select %gt3A_286, %sub3A_289, %broadcast_in_dim3A_291 : vector<16xi1>, vector<16xi32>
      %gather3A_293 = tpu.vector_load_idx %arg10[%select_n3A_292, %add3A_18] : memref<51x128xf32, #tpu.memory_space<vmem>>[vector<16xi32>, vector<16xi32>], vector<16xf32>,
      %select_n3A_294 = arith.select %gt3A_286, %gather3A_293, %gather3A_283 : vector<16xi1>, vector<16xf32>
      %eq3A_295 = arith.constant 0 : i32
      %eq3A_296 = vector.broadcast %eq3A_295 : i32 to vector<16xi32>
      %eq3A_297 = arith.cmpi eq, %select_n3A_278, %eq3A_296 : vector<16xi32>
      %jit3A_298 = arith.constant 0.000000e+00 : f32
      %broadcast_in_dim3A_299 = vector.broadcast %jit3A_298 : f32 to vector<16xf32>
      %select_n3A_300 = arith.select %eq3A_297, %broadcast_in_dim3A_299, %select_n3A_294 : vector<16xi1>, vector<16xf32>
      %swap3A_301 = arith.index_cast %scan3A_197 : i32 to index
      %swap3A_302 = arith.constant 32 : index
      %swap3A_303 = tpu.vector_load %arg11[%swap3A_301, %swap3A_302] {strides = array<i32>} : memref<40x128xf32, #tpu.memory_space<vmem>>, vector<16xf32>,
      tpu.vector_store %arg11[%swap3A_301, %swap3A_302], %select_n3A_300 {strides = array<i32>} : memref<40x128xf32, #tpu.memory_space<vmem>>, vector<16xf32>,
      %swap3A_304 = arith.index_cast %scan3A_197 : i32 to index
      %swap3A_305 = arith.constant 32 : index
      %swap3A_306 = tpu.vector_load %arg12[%swap3A_304, %swap3A_305] {strides = array<i32>} : memref<40x128xf32, #tpu.memory_space<vmem>>, vector<16xf32>,
      tpu.vector_store %arg12[%swap3A_304, %swap3A_305], %convert_element_type3A_279 {strides = array<i32>} : memref<40x128xf32, #tpu.memory_space<vmem>>, vector<16xf32>,
      %get3A_307 = arith.index_cast %scan3A_197 : i32 to index
      %get3A_308 = arith.constant 48 : index
      %get3A_309 = tpu.vector_load %arg9[%get3A_307, %get3A_308] {strides = array<i32>} : memref<40x128xi32, #tpu.memory_space<vmem>>, vector<16xi32>,
      %eq3A_310 = arith.constant 1 : i32
      %eq3A_311 = vector.broadcast %eq3A_310 : i32 to vector<16xi32>
      %eq3A_312 = arith.cmpi eq, %get3A_309, %eq3A_311 : vector<16xi32>
      %jit3A_313 = arith.constant 0 : i32
      %broadcast_in_dim3A_314 = vector.broadcast %jit3A_313 : i32 to vector<16xi32>
      %select_n3A_315 = arith.select %eq3A_312, %broadcast_in_dim3A_314, %scan3A_201 : vector<16xi1>, vector<16xi32>
      %convert_element_type3A_316 = arith.sitofp %select_n3A_315 : vector<16xi32> to vector<16xf32>
      %min3A_317 = arith.constant 100000 : i32
      %min3A_318 = vector.broadcast %min3A_317 : i32 to vector<16xi32>
      %min3A_319 = arith.minsi %get3A_309, %min3A_318 : vector<16xi32>
      %gather3A_320 = tpu.vector_load_idx %arg7[%min3A_319] : memref<100001xf32, #tpu.memory_space<vmem>>[vector<16xi32>], vector<16xf32>,
      %gt3A_321 = arith.constant 100000 : i32
      %gt3A_322 = vector.broadcast %gt3A_321 : i32 to vector<16xi32>
      %gt3A_323 = arith.cmpi sgt, %get3A_309, %gt3A_322 : vector<16xi32>
      %sub3A_324 = arith.constant 100000 : i32
      %sub3A_325 = vector.broadcast %sub3A_324 : i32 to vector<16xi32>
      %sub3A_326 = arith.subi %get3A_309, %sub3A_325 : vector<16xi32>
      %jit3A_327 = arith.constant 0 : i32
      %broadcast_in_dim3A_328 = vector.broadcast %jit3A_327 : i32 to vector<16xi32>
      %select_n3A_329 = arith.select %gt3A_323, %sub3A_326, %broadcast_in_dim3A_328 : vector<16xi1>, vector<16xi32>
      %gather3A_330 = tpu.vector_load_idx %arg10[%select_n3A_329, %add3A_21] : memref<51x128xf32, #tpu.memory_space<vmem>>[vector<16xi32>, vector<16xi32>], vector<16xf32>,
      %select_n3A_331 = arith.select %gt3A_323, %gather3A_330, %gather3A_320 : vector<16xi1>, vector<16xf32>
      %eq3A_332 = arith.constant 0 : i32
      %eq3A_333 = vector.broadcast %eq3A_332 : i32 to vector<16xi32>
      %eq3A_334 = arith.cmpi eq, %select_n3A_315, %eq3A_333 : vector<16xi32>
      %jit3A_335 = arith.constant 0.000000e+00 : f32
      %broadcast_in_dim3A_336 = vector.broadcast %jit3A_335 : f32 to vector<16xf32>
      %select_n3A_337 = arith.select %eq3A_334, %broadcast_in_dim3A_336, %select_n3A_331 : vector<16xi1>, vector<16xf32>
      %swap3A_338 = arith.index_cast %scan3A_197 : i32 to index
      %swap3A_339 = arith.constant 48 : index
      %swap3A_340 = tpu.vector_load %arg11[%swap3A_338, %swap3A_339] {strides = array<i32>} : memref<40x128xf32, #tpu.memory_space<vmem>>, vector<16xf32>,
      tpu.vector_store %arg11[%swap3A_338, %swap3A_339], %select_n3A_337 {strides = array<i32>} : memref<40x128xf32, #tpu.memory_space<vmem>>, vector<16xf32>,
      %swap3A_341 = arith.index_cast %scan3A_197 : i32 to index
      %swap3A_342 = arith.constant 48 : index
      %swap3A_343 = tpu.vector_load %arg12[%swap3A_341, %swap3A_342] {strides = array<i32>} : memref<40x128xf32, #tpu.memory_space<vmem>>, vector<16xf32>,
      tpu.vector_store %arg12[%swap3A_341, %swap3A_342], %convert_element_type3A_316 {strides = array<i32>} : memref<40x128xf32, #tpu.memory_space<vmem>>, vector<16xf32>,
      %get3A_344 = arith.index_cast %scan3A_197 : i32 to index
      %get3A_345 = arith.constant 64 : index
      %get3A_346 = tpu.vector_load %arg9[%get3A_344, %get3A_345] {strides = array<i32>} : memref<40x128xi32, #tpu.memory_space<vmem>>, vector<16xi32>,
      %eq3A_347 = arith.constant 1 : i32
      %eq3A_348 = vector.broadcast %eq3A_347 : i32 to vector<16xi32>
      %eq3A_349 = arith.cmpi eq, %get3A_346, %eq3A_348 : vector<16xi32>
      %jit3A_350 = arith.constant 0 : i32
      %broadcast_in_dim3A_351 = vector.broadcast %jit3A_350 : i32 to vector<16xi32>
      %select_n3A_352 = arith.select %eq3A_349, %broadcast_in_dim3A_351, %scan3A_202 : vector<16xi1>, vector<16xi32>
      %convert_element_type3A_353 = arith.sitofp %select_n3A_352 : vector<16xi32> to vector<16xf32>
      %min3A_354 = arith.constant 100000 : i32
      %min3A_355 = vector.broadcast %min3A_354 : i32 to vector<16xi32>
      %min3A_356 = arith.minsi %get3A_346, %min3A_355 : vector<16xi32>
      %gather3A_357 = tpu.vector_load_idx %arg7[%min3A_356] : memref<100001xf32, #tpu.memory_space<vmem>>[vector<16xi32>], vector<16xf32>,
      %gt3A_358 = arith.constant 100000 : i32
      %gt3A_359 = vector.broadcast %gt3A_358 : i32 to vector<16xi32>
      %gt3A_360 = arith.cmpi sgt, %get3A_346, %gt3A_359 : vector<16xi32>
      %sub3A_361 = arith.constant 100000 : i32
      %sub3A_362 = vector.broadcast %sub3A_361 : i32 to vector<16xi32>
      %sub3A_363 = arith.subi %get3A_346, %sub3A_362 : vector<16xi32>
      %jit3A_364 = arith.constant 0 : i32
      %broadcast_in_dim3A_365 = vector.broadcast %jit3A_364 : i32 to vector<16xi32>
      %select_n3A_366 = arith.select %gt3A_360, %sub3A_363, %broadcast_in_dim3A_365 : vector<16xi1>, vector<16xi32>
      %gather3A_367 = tpu.vector_load_idx %arg10[%select_n3A_366, %add3A_24] : memref<51x128xf32, #tpu.memory_space<vmem>>[vector<16xi32>, vector<16xi32>], vector<16xf32>,
      %select_n3A_368 = arith.select %gt3A_360, %gather3A_367, %gather3A_357 : vector<16xi1>, vector<16xf32>
      %eq3A_369 = arith.constant 0 : i32
      %eq3A_370 = vector.broadcast %eq3A_369 : i32 to vector<16xi32>
      %eq3A_371 = arith.cmpi eq, %select_n3A_352, %eq3A_370 : vector<16xi32>
      %jit3A_372 = arith.constant 0.000000e+00 : f32
      %broadcast_in_dim3A_373 = vector.broadcast %jit3A_372 : f32 to vector<16xf32>
      %select_n3A_374 = arith.select %eq3A_371, %broadcast_in_dim3A_373, %select_n3A_368 : vector<16xi1>, vector<16xf32>
      %swap3A_375 = arith.index_cast %scan3A_197 : i32 to index
      %swap3A_376 = arith.constant 64 : index
      %swap3A_377 = tpu.vector_load %arg11[%swap3A_375, %swap3A_376] {strides = array<i32>} : memref<40x128xf32, #tpu.memory_space<vmem>>, vector<16xf32>,
      tpu.vector_store %arg11[%swap3A_375, %swap3A_376], %select_n3A_374 {strides = array<i32>} : memref<40x128xf32, #tpu.memory_space<vmem>>, vector<16xf32>,
      %swap3A_378 = arith.index_cast %scan3A_197 : i32 to index
      %swap3A_379 = arith.constant 64 : index
      %swap3A_380 = tpu.vector_load %arg12[%swap3A_378, %swap3A_379] {strides = array<i32>} : memref<40x128xf32, #tpu.memory_space<vmem>>, vector<16xf32>,
      tpu.vector_store %arg12[%swap3A_378, %swap3A_379], %convert_element_type3A_353 {strides = array<i32>} : memref<40x128xf32, #tpu.memory_space<vmem>>, vector<16xf32>,
      %get3A_381 = arith.index_cast %scan3A_197 : i32 to index
      %get3A_382 = arith.constant 80 : index
      %get3A_383 = tpu.vector_load %arg9[%get3A_381, %get3A_382] {strides = array<i32>} : memref<40x128xi32, #tpu.memory_space<vmem>>, vector<16xi32>,
      %eq3A_384 = arith.constant 1 : i32
      %eq3A_385 = vector.broadcast %eq3A_384 : i32 to vector<16xi32>
      %eq3A_386 = arith.cmpi eq, %get3A_383, %eq3A_385 : vector<16xi32>
      %jit3A_387 = arith.constant 0 : i32
      %broadcast_in_dim3A_388 = vector.broadcast %jit3A_387 : i32 to vector<16xi32>
      %select_n3A_389 = arith.select %eq3A_386, %broadcast_in_dim3A_388, %scan3A_203 : vector<16xi1>, vector<16xi32>
      %convert_element_type3A_390 = arith.sitofp %select_n3A_389 : vector<16xi32> to vector<16xf32>
      %min3A_391 = arith.constant 100000 : i32
      %min3A_392 = vector.broadcast %min3A_391 : i32 to vector<16xi32>
      %min3A_393 = arith.minsi %get3A_383, %min3A_392 : vector<16xi32>
      %gather3A_394 = tpu.vector_load_idx %arg7[%min3A_393] : memref<100001xf32, #tpu.memory_space<vmem>>[vector<16xi32>], vector<16xf32>,
      %gt3A_395 = arith.constant 100000 : i32
      %gt3A_396 = vector.broadcast %gt3A_395 : i32 to vector<16xi32>
      %gt3A_397 = arith.cmpi sgt, %get3A_383, %gt3A_396 : vector<16xi32>
      %sub3A_398 = arith.constant 100000 : i32
      %sub3A_399 = vector.broadcast %sub3A_398 : i32 to vector<16xi32>
      %sub3A_400 = arith.subi %get3A_383, %sub3A_399 : vector<16xi32>
      %jit3A_401 = arith.constant 0 : i32
      %broadcast_in_dim3A_402 = vector.broadcast %jit3A_401 : i32 to vector<16xi32>
      %select_n3A_403 = arith.select %gt3A_397, %sub3A_400, %broadcast_in_dim3A_402 : vector<16xi1>, vector<16xi32>
      %gather3A_404 = tpu.vector_load_idx %arg10[%select_n3A_403, %add3A_27] : memref<51x128xf32, #tpu.memory_space<vmem>>[vector<16xi32>, vector<16xi32>], vector<16xf32>,
      %select_n3A_405 = arith.select %gt3A_397, %gather3A_404, %gather3A_394 : vector<16xi1>, vector<16xf32>
      %eq3A_406 = arith.constant 0 : i32
      %eq3A_407 = vector.broadcast %eq3A_406 : i32 to vector<16xi32>
      %eq3A_408 = arith.cmpi eq, %select_n3A_389, %eq3A_407 : vector<16xi32>
      %jit3A_409 = arith.constant 0.000000e+00 : f32
      %broadcast_in_dim3A_410 = vector.broadcast %jit3A_409 : f32 to vector<16xf32>
      %select_n3A_411 = arith.select %eq3A_408, %broadcast_in_dim3A_410, %select_n3A_405 : vector<16xi1>, vector<16xf32>
      %swap3A_412 = arith.index_cast %scan3A_197 : i32 to index
      %swap3A_413 = arith.constant 80 : index
      %swap3A_414 = tpu.vector_load %arg11[%swap3A_412, %swap3A_413] {strides = array<i32>} : memref<40x128xf32, #tpu.memory_space<vmem>>, vector<16xf32>,
      tpu.vector_store %arg11[%swap3A_412, %swap3A_413], %select_n3A_411 {strides = array<i32>} : memref<40x128xf32, #tpu.memory_space<vmem>>, vector<16xf32>,
      %swap3A_415 = arith.index_cast %scan3A_197 : i32 to index
      %swap3A_416 = arith.constant 80 : index
      %swap3A_417 = tpu.vector_load %arg12[%swap3A_415, %swap3A_416] {strides = array<i32>} : memref<40x128xf32, #tpu.memory_space<vmem>>, vector<16xf32>,
      tpu.vector_store %arg12[%swap3A_415, %swap3A_416], %convert_element_type3A_390 {strides = array<i32>} : memref<40x128xf32, #tpu.memory_space<vmem>>, vector<16xf32>,
      %get3A_418 = arith.index_cast %scan3A_197 : i32 to index
      %get3A_419 = arith.constant 96 : index
      %get3A_420 = tpu.vector_load %arg9[%get3A_418, %get3A_419] {strides = array<i32>} : memref<40x128xi32, #tpu.memory_space<vmem>>, vector<16xi32>,
      %eq3A_421 = arith.constant 1 : i32
      %eq3A_422 = vector.broadcast %eq3A_421 : i32 to vector<16xi32>
      %eq3A_423 = arith.cmpi eq, %get3A_420, %eq3A_422 : vector<16xi32>
      %jit3A_424 = arith.constant 0 : i32
      %broadcast_in_dim3A_425 = vector.broadcast %jit3A_424 : i32 to vector<16xi32>
      %select_n3A_426 = arith.select %eq3A_423, %broadcast_in_dim3A_425, %scan3A_204 : vector<16xi1>, vector<16xi32>
      %convert_element_type3A_427 = arith.sitofp %select_n3A_426 : vector<16xi32> to vector<16xf32>
      %min3A_428 = arith.constant 100000 : i32
      %min3A_429 = vector.broadcast %min3A_428 : i32 to vector<16xi32>
      %min3A_430 = arith.minsi %get3A_420, %min3A_429 : vector<16xi32>
      %gather3A_431 = tpu.vector_load_idx %arg7[%min3A_430] : memref<100001xf32, #tpu.memory_space<vmem>>[vector<16xi32>], vector<16xf32>,
      %gt3A_432 = arith.constant 100000 : i32
      %gt3A_433 = vector.broadcast %gt3A_432 : i32 to vector<16xi32>
      %gt3A_434 = arith.cmpi sgt, %get3A_420, %gt3A_433 : vector<16xi32>
      %sub3A_435 = arith.constant 100000 : i32
      %sub3A_436 = vector.broadcast %sub3A_435 : i32 to vector<16xi32>
      %sub3A_437 = arith.subi %get3A_420, %sub3A_436 : vector<16xi32>
      %jit3A_438 = arith.constant 0 : i32
      %broadcast_in_dim3A_439 = vector.broadcast %jit3A_438 : i32 to vector<16xi32>
      %select_n3A_440 = arith.select %gt3A_434, %sub3A_437, %broadcast_in_dim3A_439 : vector<16xi1>, vector<16xi32>
      %gather3A_441 = tpu.vector_load_idx %arg10[%select_n3A_440, %add3A_30] : memref<51x128xf32, #tpu.memory_space<vmem>>[vector<16xi32>, vector<16xi32>], vector<16xf32>,
      %select_n3A_442 = arith.select %gt3A_434, %gather3A_441, %gather3A_431 : vector<16xi1>, vector<16xf32>
      %eq3A_443 = arith.constant 0 : i32
      %eq3A_444 = vector.broadcast %eq3A_443 : i32 to vector<16xi32>
      %eq3A_445 = arith.cmpi eq, %select_n3A_426, %eq3A_444 : vector<16xi32>
      %jit3A_446 = arith.constant 0.000000e+00 : f32
      %broadcast_in_dim3A_447 = vector.broadcast %jit3A_446 : f32 to vector<16xf32>
      %select_n3A_448 = arith.select %eq3A_445, %broadcast_in_dim3A_447, %select_n3A_442 : vector<16xi1>, vector<16xf32>
      %swap3A_449 = arith.index_cast %scan3A_197 : i32 to index
      %swap3A_450 = arith.constant 96 : index
      %swap3A_451 = tpu.vector_load %arg11[%swap3A_449, %swap3A_450] {strides = array<i32>} : memref<40x128xf32, #tpu.memory_space<vmem>>, vector<16xf32>,
      tpu.vector_store %arg11[%swap3A_449, %swap3A_450], %select_n3A_448 {strides = array<i32>} : memref<40x128xf32, #tpu.memory_space<vmem>>, vector<16xf32>,
      %swap3A_452 = arith.index_cast %scan3A_197 : i32 to index
      %swap3A_453 = arith.constant 96 : index
      %swap3A_454 = tpu.vector_load %arg12[%swap3A_452, %swap3A_453] {strides = array<i32>} : memref<40x128xf32, #tpu.memory_space<vmem>>, vector<16xf32>,
      tpu.vector_store %arg12[%swap3A_452, %swap3A_453], %convert_element_type3A_427 {strides = array<i32>} : memref<40x128xf32, #tpu.memory_space<vmem>>, vector<16xf32>,
      %get3A_455 = arith.index_cast %scan3A_197 : i32 to index
      %get3A_456 = arith.constant 112 : index
      %get3A_457 = tpu.vector_load %arg9[%get3A_455, %get3A_456] {strides = array<i32>} : memref<40x128xi32, #tpu.memory_space<vmem>>, vector<16xi32>,
      %eq3A_458 = arith.constant 1 : i32
      %eq3A_459 = vector.broadcast %eq3A_458 : i32 to vector<16xi32>
      %eq3A_460 = arith.cmpi eq, %get3A_457, %eq3A_459 : vector<16xi32>
      %jit3A_461 = arith.constant 0 : i32
      %broadcast_in_dim3A_462 = vector.broadcast %jit3A_461 : i32 to vector<16xi32>
      %select_n3A_463 = arith.select %eq3A_460, %broadcast_in_dim3A_462, %scan3A_205 : vector<16xi1>, vector<16xi32>
      %convert_element_type3A_464 = arith.sitofp %select_n3A_463 : vector<16xi32> to vector<16xf32>
      %min3A_465 = arith.constant 100000 : i32
      %min3A_466 = vector.broadcast %min3A_465 : i32 to vector<16xi32>
      %min3A_467 = arith.minsi %get3A_457, %min3A_466 : vector<16xi32>
      %gather3A_468 = tpu.vector_load_idx %arg7[%min3A_467] : memref<100001xf32, #tpu.memory_space<vmem>>[vector<16xi32>], vector<16xf32>,
      %gt3A_469 = arith.constant 100000 : i32
      %gt3A_470 = vector.broadcast %gt3A_469 : i32 to vector<16xi32>
      %gt3A_471 = arith.cmpi sgt, %get3A_457, %gt3A_470 : vector<16xi32>
      %sub3A_472 = arith.constant 100000 : i32
      %sub3A_473 = vector.broadcast %sub3A_472 : i32 to vector<16xi32>
      %sub3A_474 = arith.subi %get3A_457, %sub3A_473 : vector<16xi32>
      %jit3A_475 = arith.constant 0 : i32
      %broadcast_in_dim3A_476 = vector.broadcast %jit3A_475 : i32 to vector<16xi32>
      %select_n3A_477 = arith.select %gt3A_471, %sub3A_474, %broadcast_in_dim3A_476 : vector<16xi1>, vector<16xi32>
      %gather3A_478 = tpu.vector_load_idx %arg10[%select_n3A_477, %add3A_33] : memref<51x128xf32, #tpu.memory_space<vmem>>[vector<16xi32>, vector<16xi32>], vector<16xf32>,
      %select_n3A_479 = arith.select %gt3A_471, %gather3A_478, %gather3A_468 : vector<16xi1>, vector<16xf32>
      %eq3A_480 = arith.constant 0 : i32
      %eq3A_481 = vector.broadcast %eq3A_480 : i32 to vector<16xi32>
      %eq3A_482 = arith.cmpi eq, %select_n3A_463, %eq3A_481 : vector<16xi32>
      %jit3A_483 = arith.constant 0.000000e+00 : f32
      %broadcast_in_dim3A_484 = vector.broadcast %jit3A_483 : f32 to vector<16xf32>
      %select_n3A_485 = arith.select %eq3A_482, %broadcast_in_dim3A_484, %select_n3A_479 : vector<16xi1>, vector<16xf32>
      %swap3A_486 = arith.index_cast %scan3A_197 : i32 to index
      %swap3A_487 = arith.constant 112 : index
      %swap3A_488 = tpu.vector_load %arg11[%swap3A_486, %swap3A_487] {strides = array<i32>} : memref<40x128xf32, #tpu.memory_space<vmem>>, vector<16xf32>,
      tpu.vector_store %arg11[%swap3A_486, %swap3A_487], %select_n3A_485 {strides = array<i32>} : memref<40x128xf32, #tpu.memory_space<vmem>>, vector<16xf32>,
      %swap3A_489 = arith.index_cast %scan3A_197 : i32 to index
      %swap3A_490 = arith.constant 112 : index
      %swap3A_491 = tpu.vector_load %arg12[%swap3A_489, %swap3A_490] {strides = array<i32>} : memref<40x128xf32, #tpu.memory_space<vmem>>, vector<16xf32>,
      tpu.vector_store %arg12[%swap3A_489, %swap3A_490], %convert_element_type3A_464 {strides = array<i32>} : memref<40x128xf32, #tpu.memory_space<vmem>>, vector<16xf32>,
      scf.yield %select_n3A, %select_n3A_241, %select_n3A_278, %select_n3A_315, %select_n3A_352, %select_n3A_389, %select_n3A_426, %select_n3A_463 : vector<16xi32>, vector<16xi32>, vector<16xi32>, vector<16xi32>, vector<16xi32>, vector<16xi32>, vector<16xi32>, vector<16xi32>
    }
    %scan3A_154 = arith.constant 40 : i32
    %dma_start3A_155 = arith.constant 120 : i32
    %dma_start3A_156 = tpu.memref_slice %arg5[%dma_start3A_155, %mul3A_2] : memref<200x4096xf32, #tpu.memory_space<hbm>> -> memref<40x128xf32, #tpu.memory_space<hbm>>
    %dma_start3A_157 = arith.constant 120 : i32
    %dma_start3A_158 = tpu.memref_slice %arg5[%dma_start3A_157, %mul3A_2] : memref<200x4096xf32, #tpu.memory_space<hbm>> -> memref<40x128xf32, #tpu.memory_space<hbm>>
    tpu.enqueue_dma source(%arg11 : memref<40x128xf32, #tpu.memory_space<vmem>>) target(%dma_start3A_158 : memref<40x128xf32, #tpu.memory_space<hbm>>) target_semaphore(%arg17 : memref<!tpu.dma_semaphore, #tpu.memory_space<semaphore_mem>>)
    %dma_start3A_159 = arith.constant 120 : i32
    %dma_start3A_160 = tpu.memref_slice %arg6[%dma_start3A_159, %mul3A_2] : memref<200x4096xf32, #tpu.memory_space<hbm>> -> memref<40x128xf32, #tpu.memory_space<hbm>>
    %dma_start3A_161 = arith.constant 120 : i32
    %dma_start3A_162 = tpu.memref_slice %arg6[%dma_start3A_161, %mul3A_2] : memref<200x4096xf32, #tpu.memory_space<hbm>> -> memref<40x128xf32, #tpu.memory_space<hbm>>
    tpu.enqueue_dma source(%arg12 : memref<40x128xf32, #tpu.memory_space<vmem>>) target(%dma_start3A_162 : memref<40x128xf32, #tpu.memory_space<hbm>>) target_semaphore(%arg18 : memref<!tpu.dma_semaphore, #tpu.memory_space<semaphore_mem>>)
    %dma_wait3A_163 = arith.constant 160 : i32
    %dma_wait3A_164 = tpu.memref_slice %arg2[%dma_wait3A_163, %mul3A_2] : memref<200x4096xi32, #tpu.memory_space<hbm>> -> memref<40x128xi32, #tpu.memory_space<hbm>>
    %dma_wait3A_165 = arith.constant 160 : i32
    %dma_wait3A_166 = tpu.memref_slice %arg2[%dma_wait3A_165, %mul3A_2] : memref<200x4096xi32, #tpu.memory_space<hbm>> -> memref<40x128xi32, #tpu.memory_space<hbm>>
    tpu.wait_dma2 semaphore(%arg15 : memref<!tpu.dma_semaphore, #tpu.memory_space<semaphore_mem>>) src(%dma_wait3A_166 : memref<40x128xi32, #tpu.memory_space<hbm>>) dst(%arg8 : memref<40x128xi32, #tpu.memory_space<vmem>>)
    %dma_wait3A_167 = arith.constant 120 : i32
    %dma_wait3A_168 = tpu.memref_slice %arg5[%dma_wait3A_167, %mul3A_2] : memref<200x4096xf32, #tpu.memory_space<hbm>> -> memref<40x128xf32, #tpu.memory_space<hbm>>
    %dma_wait3A_169 = arith.constant 120 : i32
    %dma_wait3A_170 = tpu.memref_slice %arg5[%dma_wait3A_169, %mul3A_2] : memref<200x4096xf32, #tpu.memory_space<hbm>> -> memref<40x128xf32, #tpu.memory_space<hbm>>
    tpu.wait_dma2 semaphore(%arg17 : memref<!tpu.dma_semaphore, #tpu.memory_space<semaphore_mem>>) src(%arg11 : memref<40x128xf32, #tpu.memory_space<vmem>>) dst(%dma_wait3A_170 : memref<40x128xf32, #tpu.memory_space<hbm>>)
    %dma_wait3A_171 = arith.constant 120 : i32
    %dma_wait3A_172 = tpu.memref_slice %arg6[%dma_wait3A_171, %mul3A_2] : memref<200x4096xf32, #tpu.memory_space<hbm>> -> memref<40x128xf32, #tpu.memory_space<hbm>>
    %dma_wait3A_173 = arith.constant 120 : i32
    %dma_wait3A_174 = tpu.memref_slice %arg6[%dma_wait3A_173, %mul3A_2] : memref<200x4096xf32, #tpu.memory_space<hbm>> -> memref<40x128xf32, #tpu.memory_space<hbm>>
    tpu.wait_dma2 semaphore(%arg18 : memref<!tpu.dma_semaphore, #tpu.memory_space<semaphore_mem>>) src(%arg12 : memref<40x128xf32, #tpu.memory_space<vmem>>) dst(%dma_wait3A_174 : memref<40x128xf32, #tpu.memory_space<hbm>>)
    %scan3A_175 = arith.constant 0 : i32
    %scan3A_176 = arith.constant 40 : i32
    %scan3A_177 = arith.addi %scan3A_175, %scan3A_176 : i32
    %scan3A_178 = arith.constant 1 : i32
    %scan3A_179:8 = scf.for %scan3A_197 = %scan3A_175 to %scan3A_177 step %scan3A_178 iter_args(%scan3A_198 = %scan3A_153#0, %scan3A_199 = %scan3A_153#1, %scan3A_200 = %scan3A_153#2, %scan3A_201 = %scan3A_153#3, %scan3A_202 = %scan3A_153#4, %scan3A_203 = %scan3A_153#5, %scan3A_204 = %scan3A_153#6, %scan3A_205 = %scan3A_153#7) -> (vector<16xi32>, vector<16xi32>, vector<16xi32>, vector<16xi32>, vector<16xi32>, vector<16xi32>, vector<16xi32>, vector<16xi32>)  : i32 {
      %get3A = arith.index_cast %scan3A_197 : i32 to index
      %get3A_206 = arith.constant 0 : index
      %get3A_207 = tpu.vector_load %arg8[%get3A, %get3A_206] {strides = array<i32>} : memref<40x128xi32, #tpu.memory_space<vmem>>, vector<16xi32>,
      %eq3A = arith.constant 1 : i32
      %eq3A_208 = vector.broadcast %eq3A : i32 to vector<16xi32>
      %eq3A_209 = arith.cmpi eq, %get3A_207, %eq3A_208 : vector<16xi32>
      %jit3A = arith.constant 0 : i32
      %broadcast_in_dim3A_210 = vector.broadcast %jit3A : i32 to vector<16xi32>
      %select_n3A = arith.select %eq3A_209, %broadcast_in_dim3A_210, %scan3A_198 : vector<16xi1>, vector<16xi32>
      %convert_element_type3A = arith.sitofp %select_n3A : vector<16xi32> to vector<16xf32>
      %min3A = arith.constant 100000 : i32
      %min3A_211 = vector.broadcast %min3A : i32 to vector<16xi32>
      %min3A_212 = arith.minsi %get3A_207, %min3A_211 : vector<16xi32>
      %gather3A = tpu.vector_load_idx %arg7[%min3A_212] : memref<100001xf32, #tpu.memory_space<vmem>>[vector<16xi32>], vector<16xf32>,
      %gt3A = arith.constant 100000 : i32
      %gt3A_213 = vector.broadcast %gt3A : i32 to vector<16xi32>
      %gt3A_214 = arith.cmpi sgt, %get3A_207, %gt3A_213 : vector<16xi32>
      %sub3A = arith.constant 100000 : i32
      %sub3A_215 = vector.broadcast %sub3A : i32 to vector<16xi32>
      %sub3A_216 = arith.subi %get3A_207, %sub3A_215 : vector<16xi32>
      %jit3A_217 = arith.constant 0 : i32
      %broadcast_in_dim3A_218 = vector.broadcast %jit3A_217 : i32 to vector<16xi32>
      %select_n3A_219 = arith.select %gt3A_214, %sub3A_216, %broadcast_in_dim3A_218 : vector<16xi1>, vector<16xi32>
      %gather3A_220 = tpu.vector_load_idx %arg10[%select_n3A_219, %add3A_12] : memref<51x128xf32, #tpu.memory_space<vmem>>[vector<16xi32>, vector<16xi32>], vector<16xf32>,
      %select_n3A_221 = arith.select %gt3A_214, %gather3A_220, %gather3A : vector<16xi1>, vector<16xf32>
      %eq3A_222 = arith.constant 0 : i32
      %eq3A_223 = vector.broadcast %eq3A_222 : i32 to vector<16xi32>
      %eq3A_224 = arith.cmpi eq, %select_n3A, %eq3A_223 : vector<16xi32>
      %jit3A_225 = arith.constant 0.000000e+00 : f32
      %broadcast_in_dim3A_226 = vector.broadcast %jit3A_225 : f32 to vector<16xf32>
      %select_n3A_227 = arith.select %eq3A_224, %broadcast_in_dim3A_226, %select_n3A_221 : vector<16xi1>, vector<16xf32>
      %swap3A = arith.index_cast %scan3A_197 : i32 to index
      %swap3A_228 = arith.constant 0 : index
      %swap3A_229 = tpu.vector_load %arg11[%swap3A, %swap3A_228] {strides = array<i32>} : memref<40x128xf32, #tpu.memory_space<vmem>>, vector<16xf32>,
      tpu.vector_store %arg11[%swap3A, %swap3A_228], %select_n3A_227 {strides = array<i32>} : memref<40x128xf32, #tpu.memory_space<vmem>>, vector<16xf32>,
      %swap3A_230 = arith.index_cast %scan3A_197 : i32 to index
      %swap3A_231 = arith.constant 0 : index
      %swap3A_232 = tpu.vector_load %arg12[%swap3A_230, %swap3A_231] {strides = array<i32>} : memref<40x128xf32, #tpu.memory_space<vmem>>, vector<16xf32>,
      tpu.vector_store %arg12[%swap3A_230, %swap3A_231], %convert_element_type3A {strides = array<i32>} : memref<40x128xf32, #tpu.memory_space<vmem>>, vector<16xf32>,
      %get3A_233 = arith.index_cast %scan3A_197 : i32 to index
      %get3A_234 = arith.constant 16 : index
      %get3A_235 = tpu.vector_load %arg8[%get3A_233, %get3A_234] {strides = array<i32>} : memref<40x128xi32, #tpu.memory_space<vmem>>, vector<16xi32>,
      %eq3A_236 = arith.constant 1 : i32
      %eq3A_237 = vector.broadcast %eq3A_236 : i32 to vector<16xi32>
      %eq3A_238 = arith.cmpi eq, %get3A_235, %eq3A_237 : vector<16xi32>
      %jit3A_239 = arith.constant 0 : i32
      %broadcast_in_dim3A_240 = vector.broadcast %jit3A_239 : i32 to vector<16xi32>
      %select_n3A_241 = arith.select %eq3A_238, %broadcast_in_dim3A_240, %scan3A_199 : vector<16xi1>, vector<16xi32>
      %convert_element_type3A_242 = arith.sitofp %select_n3A_241 : vector<16xi32> to vector<16xf32>
      %min3A_243 = arith.constant 100000 : i32
      %min3A_244 = vector.broadcast %min3A_243 : i32 to vector<16xi32>
      %min3A_245 = arith.minsi %get3A_235, %min3A_244 : vector<16xi32>
      %gather3A_246 = tpu.vector_load_idx %arg7[%min3A_245] : memref<100001xf32, #tpu.memory_space<vmem>>[vector<16xi32>], vector<16xf32>,
      %gt3A_247 = arith.constant 100000 : i32
      %gt3A_248 = vector.broadcast %gt3A_247 : i32 to vector<16xi32>
      %gt3A_249 = arith.cmpi sgt, %get3A_235, %gt3A_248 : vector<16xi32>
      %sub3A_250 = arith.constant 100000 : i32
      %sub3A_251 = vector.broadcast %sub3A_250 : i32 to vector<16xi32>
      %sub3A_252 = arith.subi %get3A_235, %sub3A_251 : vector<16xi32>
      %jit3A_253 = arith.constant 0 : i32
      %broadcast_in_dim3A_254 = vector.broadcast %jit3A_253 : i32 to vector<16xi32>
      %select_n3A_255 = arith.select %gt3A_249, %sub3A_252, %broadcast_in_dim3A_254 : vector<16xi1>, vector<16xi32>
      %gather3A_256 = tpu.vector_load_idx %arg10[%select_n3A_255, %add3A_15] : memref<51x128xf32, #tpu.memory_space<vmem>>[vector<16xi32>, vector<16xi32>], vector<16xf32>,
      %select_n3A_257 = arith.select %gt3A_249, %gather3A_256, %gather3A_246 : vector<16xi1>, vector<16xf32>
      %eq3A_258 = arith.constant 0 : i32
      %eq3A_259 = vector.broadcast %eq3A_258 : i32 to vector<16xi32>
      %eq3A_260 = arith.cmpi eq, %select_n3A_241, %eq3A_259 : vector<16xi32>
      %jit3A_261 = arith.constant 0.000000e+00 : f32
      %broadcast_in_dim3A_262 = vector.broadcast %jit3A_261 : f32 to vector<16xf32>
      %select_n3A_263 = arith.select %eq3A_260, %broadcast_in_dim3A_262, %select_n3A_257 : vector<16xi1>, vector<16xf32>
      %swap3A_264 = arith.index_cast %scan3A_197 : i32 to index
      %swap3A_265 = arith.constant 16 : index
      %swap3A_266 = tpu.vector_load %arg11[%swap3A_264, %swap3A_265] {strides = array<i32>} : memref<40x128xf32, #tpu.memory_space<vmem>>, vector<16xf32>,
      tpu.vector_store %arg11[%swap3A_264, %swap3A_265], %select_n3A_263 {strides = array<i32>} : memref<40x128xf32, #tpu.memory_space<vmem>>, vector<16xf32>,
      %swap3A_267 = arith.index_cast %scan3A_197 : i32 to index
      %swap3A_268 = arith.constant 16 : index
      %swap3A_269 = tpu.vector_load %arg12[%swap3A_267, %swap3A_268] {strides = array<i32>} : memref<40x128xf32, #tpu.memory_space<vmem>>, vector<16xf32>,
      tpu.vector_store %arg12[%swap3A_267, %swap3A_268], %convert_element_type3A_242 {strides = array<i32>} : memref<40x128xf32, #tpu.memory_space<vmem>>, vector<16xf32>,
      %get3A_270 = arith.index_cast %scan3A_197 : i32 to index
      %get3A_271 = arith.constant 32 : index
      %get3A_272 = tpu.vector_load %arg8[%get3A_270, %get3A_271] {strides = array<i32>} : memref<40x128xi32, #tpu.memory_space<vmem>>, vector<16xi32>,
      %eq3A_273 = arith.constant 1 : i32
      %eq3A_274 = vector.broadcast %eq3A_273 : i32 to vector<16xi32>
      %eq3A_275 = arith.cmpi eq, %get3A_272, %eq3A_274 : vector<16xi32>
      %jit3A_276 = arith.constant 0 : i32
      %broadcast_in_dim3A_277 = vector.broadcast %jit3A_276 : i32 to vector<16xi32>
      %select_n3A_278 = arith.select %eq3A_275, %broadcast_in_dim3A_277, %scan3A_200 : vector<16xi1>, vector<16xi32>
      %convert_element_type3A_279 = arith.sitofp %select_n3A_278 : vector<16xi32> to vector<16xf32>
      %min3A_280 = arith.constant 100000 : i32
      %min3A_281 = vector.broadcast %min3A_280 : i32 to vector<16xi32>
      %min3A_282 = arith.minsi %get3A_272, %min3A_281 : vector<16xi32>
      %gather3A_283 = tpu.vector_load_idx %arg7[%min3A_282] : memref<100001xf32, #tpu.memory_space<vmem>>[vector<16xi32>], vector<16xf32>,
      %gt3A_284 = arith.constant 100000 : i32
      %gt3A_285 = vector.broadcast %gt3A_284 : i32 to vector<16xi32>
      %gt3A_286 = arith.cmpi sgt, %get3A_272, %gt3A_285 : vector<16xi32>
      %sub3A_287 = arith.constant 100000 : i32
      %sub3A_288 = vector.broadcast %sub3A_287 : i32 to vector<16xi32>
      %sub3A_289 = arith.subi %get3A_272, %sub3A_288 : vector<16xi32>
      %jit3A_290 = arith.constant 0 : i32
      %broadcast_in_dim3A_291 = vector.broadcast %jit3A_290 : i32 to vector<16xi32>
      %select_n3A_292 = arith.select %gt3A_286, %sub3A_289, %broadcast_in_dim3A_291 : vector<16xi1>, vector<16xi32>
      %gather3A_293 = tpu.vector_load_idx %arg10[%select_n3A_292, %add3A_18] : memref<51x128xf32, #tpu.memory_space<vmem>>[vector<16xi32>, vector<16xi32>], vector<16xf32>,
      %select_n3A_294 = arith.select %gt3A_286, %gather3A_293, %gather3A_283 : vector<16xi1>, vector<16xf32>
      %eq3A_295 = arith.constant 0 : i32
      %eq3A_296 = vector.broadcast %eq3A_295 : i32 to vector<16xi32>
      %eq3A_297 = arith.cmpi eq, %select_n3A_278, %eq3A_296 : vector<16xi32>
      %jit3A_298 = arith.constant 0.000000e+00 : f32
      %broadcast_in_dim3A_299 = vector.broadcast %jit3A_298 : f32 to vector<16xf32>
      %select_n3A_300 = arith.select %eq3A_297, %broadcast_in_dim3A_299, %select_n3A_294 : vector<16xi1>, vector<16xf32>
      %swap3A_301 = arith.index_cast %scan3A_197 : i32 to index
      %swap3A_302 = arith.constant 32 : index
      %swap3A_303 = tpu.vector_load %arg11[%swap3A_301, %swap3A_302] {strides = array<i32>} : memref<40x128xf32, #tpu.memory_space<vmem>>, vector<16xf32>,
      tpu.vector_store %arg11[%swap3A_301, %swap3A_302], %select_n3A_300 {strides = array<i32>} : memref<40x128xf32, #tpu.memory_space<vmem>>, vector<16xf32>,
      %swap3A_304 = arith.index_cast %scan3A_197 : i32 to index
      %swap3A_305 = arith.constant 32 : index
      %swap3A_306 = tpu.vector_load %arg12[%swap3A_304, %swap3A_305] {strides = array<i32>} : memref<40x128xf32, #tpu.memory_space<vmem>>, vector<16xf32>,
      tpu.vector_store %arg12[%swap3A_304, %swap3A_305], %convert_element_type3A_279 {strides = array<i32>} : memref<40x128xf32, #tpu.memory_space<vmem>>, vector<16xf32>,
      %get3A_307 = arith.index_cast %scan3A_197 : i32 to index
      %get3A_308 = arith.constant 48 : index
      %get3A_309 = tpu.vector_load %arg8[%get3A_307, %get3A_308] {strides = array<i32>} : memref<40x128xi32, #tpu.memory_space<vmem>>, vector<16xi32>,
      %eq3A_310 = arith.constant 1 : i32
      %eq3A_311 = vector.broadcast %eq3A_310 : i32 to vector<16xi32>
      %eq3A_312 = arith.cmpi eq, %get3A_309, %eq3A_311 : vector<16xi32>
      %jit3A_313 = arith.constant 0 : i32
      %broadcast_in_dim3A_314 = vector.broadcast %jit3A_313 : i32 to vector<16xi32>
      %select_n3A_315 = arith.select %eq3A_312, %broadcast_in_dim3A_314, %scan3A_201 : vector<16xi1>, vector<16xi32>
      %convert_element_type3A_316 = arith.sitofp %select_n3A_315 : vector<16xi32> to vector<16xf32>
      %min3A_317 = arith.constant 100000 : i32
      %min3A_318 = vector.broadcast %min3A_317 : i32 to vector<16xi32>
      %min3A_319 = arith.minsi %get3A_309, %min3A_318 : vector<16xi32>
      %gather3A_320 = tpu.vector_load_idx %arg7[%min3A_319] : memref<100001xf32, #tpu.memory_space<vmem>>[vector<16xi32>], vector<16xf32>,
      %gt3A_321 = arith.constant 100000 : i32
      %gt3A_322 = vector.broadcast %gt3A_321 : i32 to vector<16xi32>
      %gt3A_323 = arith.cmpi sgt, %get3A_309, %gt3A_322 : vector<16xi32>
      %sub3A_324 = arith.constant 100000 : i32
      %sub3A_325 = vector.broadcast %sub3A_324 : i32 to vector<16xi32>
      %sub3A_326 = arith.subi %get3A_309, %sub3A_325 : vector<16xi32>
      %jit3A_327 = arith.constant 0 : i32
      %broadcast_in_dim3A_328 = vector.broadcast %jit3A_327 : i32 to vector<16xi32>
      %select_n3A_329 = arith.select %gt3A_323, %sub3A_326, %broadcast_in_dim3A_328 : vector<16xi1>, vector<16xi32>
      %gather3A_330 = tpu.vector_load_idx %arg10[%select_n3A_329, %add3A_21] : memref<51x128xf32, #tpu.memory_space<vmem>>[vector<16xi32>, vector<16xi32>], vector<16xf32>,
      %select_n3A_331 = arith.select %gt3A_323, %gather3A_330, %gather3A_320 : vector<16xi1>, vector<16xf32>
      %eq3A_332 = arith.constant 0 : i32
      %eq3A_333 = vector.broadcast %eq3A_332 : i32 to vector<16xi32>
      %eq3A_334 = arith.cmpi eq, %select_n3A_315, %eq3A_333 : vector<16xi32>
      %jit3A_335 = arith.constant 0.000000e+00 : f32
      %broadcast_in_dim3A_336 = vector.broadcast %jit3A_335 : f32 to vector<16xf32>
      %select_n3A_337 = arith.select %eq3A_334, %broadcast_in_dim3A_336, %select_n3A_331 : vector<16xi1>, vector<16xf32>
      %swap3A_338 = arith.index_cast %scan3A_197 : i32 to index
      %swap3A_339 = arith.constant 48 : index
      %swap3A_340 = tpu.vector_load %arg11[%swap3A_338, %swap3A_339] {strides = array<i32>} : memref<40x128xf32, #tpu.memory_space<vmem>>, vector<16xf32>,
      tpu.vector_store %arg11[%swap3A_338, %swap3A_339], %select_n3A_337 {strides = array<i32>} : memref<40x128xf32, #tpu.memory_space<vmem>>, vector<16xf32>,
      %swap3A_341 = arith.index_cast %scan3A_197 : i32 to index
      %swap3A_342 = arith.constant 48 : index
      %swap3A_343 = tpu.vector_load %arg12[%swap3A_341, %swap3A_342] {strides = array<i32>} : memref<40x128xf32, #tpu.memory_space<vmem>>, vector<16xf32>,
      tpu.vector_store %arg12[%swap3A_341, %swap3A_342], %convert_element_type3A_316 {strides = array<i32>} : memref<40x128xf32, #tpu.memory_space<vmem>>, vector<16xf32>,
      %get3A_344 = arith.index_cast %scan3A_197 : i32 to index
      %get3A_345 = arith.constant 64 : index
      %get3A_346 = tpu.vector_load %arg8[%get3A_344, %get3A_345] {strides = array<i32>} : memref<40x128xi32, #tpu.memory_space<vmem>>, vector<16xi32>,
      %eq3A_347 = arith.constant 1 : i32
      %eq3A_348 = vector.broadcast %eq3A_347 : i32 to vector<16xi32>
      %eq3A_349 = arith.cmpi eq, %get3A_346, %eq3A_348 : vector<16xi32>
      %jit3A_350 = arith.constant 0 : i32
      %broadcast_in_dim3A_351 = vector.broadcast %jit3A_350 : i32 to vector<16xi32>
      %select_n3A_352 = arith.select %eq3A_349, %broadcast_in_dim3A_351, %scan3A_202 : vector<16xi1>, vector<16xi32>
      %convert_element_type3A_353 = arith.sitofp %select_n3A_352 : vector<16xi32> to vector<16xf32>
      %min3A_354 = arith.constant 100000 : i32
      %min3A_355 = vector.broadcast %min3A_354 : i32 to vector<16xi32>
      %min3A_356 = arith.minsi %get3A_346, %min3A_355 : vector<16xi32>
      %gather3A_357 = tpu.vector_load_idx %arg7[%min3A_356] : memref<100001xf32, #tpu.memory_space<vmem>>[vector<16xi32>], vector<16xf32>,
      %gt3A_358 = arith.constant 100000 : i32
      %gt3A_359 = vector.broadcast %gt3A_358 : i32 to vector<16xi32>
      %gt3A_360 = arith.cmpi sgt, %get3A_346, %gt3A_359 : vector<16xi32>
      %sub3A_361 = arith.constant 100000 : i32
      %sub3A_362 = vector.broadcast %sub3A_361 : i32 to vector<16xi32>
      %sub3A_363 = arith.subi %get3A_346, %sub3A_362 : vector<16xi32>
      %jit3A_364 = arith.constant 0 : i32
      %broadcast_in_dim3A_365 = vector.broadcast %jit3A_364 : i32 to vector<16xi32>
      %select_n3A_366 = arith.select %gt3A_360, %sub3A_363, %broadcast_in_dim3A_365 : vector<16xi1>, vector<16xi32>
      %gather3A_367 = tpu.vector_load_idx %arg10[%select_n3A_366, %add3A_24] : memref<51x128xf32, #tpu.memory_space<vmem>>[vector<16xi32>, vector<16xi32>], vector<16xf32>,
      %select_n3A_368 = arith.select %gt3A_360, %gather3A_367, %gather3A_357 : vector<16xi1>, vector<16xf32>
      %eq3A_369 = arith.constant 0 : i32
      %eq3A_370 = vector.broadcast %eq3A_369 : i32 to vector<16xi32>
      %eq3A_371 = arith.cmpi eq, %select_n3A_352, %eq3A_370 : vector<16xi32>
      %jit3A_372 = arith.constant 0.000000e+00 : f32
      %broadcast_in_dim3A_373 = vector.broadcast %jit3A_372 : f32 to vector<16xf32>
      %select_n3A_374 = arith.select %eq3A_371, %broadcast_in_dim3A_373, %select_n3A_368 : vector<16xi1>, vector<16xf32>
      %swap3A_375 = arith.index_cast %scan3A_197 : i32 to index
      %swap3A_376 = arith.constant 64 : index
      %swap3A_377 = tpu.vector_load %arg11[%swap3A_375, %swap3A_376] {strides = array<i32>} : memref<40x128xf32, #tpu.memory_space<vmem>>, vector<16xf32>,
      tpu.vector_store %arg11[%swap3A_375, %swap3A_376], %select_n3A_374 {strides = array<i32>} : memref<40x128xf32, #tpu.memory_space<vmem>>, vector<16xf32>,
      %swap3A_378 = arith.index_cast %scan3A_197 : i32 to index
      %swap3A_379 = arith.constant 64 : index
      %swap3A_380 = tpu.vector_load %arg12[%swap3A_378, %swap3A_379] {strides = array<i32>} : memref<40x128xf32, #tpu.memory_space<vmem>>, vector<16xf32>,
      tpu.vector_store %arg12[%swap3A_378, %swap3A_379], %convert_element_type3A_353 {strides = array<i32>} : memref<40x128xf32, #tpu.memory_space<vmem>>, vector<16xf32>,
      %get3A_381 = arith.index_cast %scan3A_197 : i32 to index
      %get3A_382 = arith.constant 80 : index
      %get3A_383 = tpu.vector_load %arg8[%get3A_381, %get3A_382] {strides = array<i32>} : memref<40x128xi32, #tpu.memory_space<vmem>>, vector<16xi32>,
      %eq3A_384 = arith.constant 1 : i32
      %eq3A_385 = vector.broadcast %eq3A_384 : i32 to vector<16xi32>
      %eq3A_386 = arith.cmpi eq, %get3A_383, %eq3A_385 : vector<16xi32>
      %jit3A_387 = arith.constant 0 : i32
      %broadcast_in_dim3A_388 = vector.broadcast %jit3A_387 : i32 to vector<16xi32>
      %select_n3A_389 = arith.select %eq3A_386, %broadcast_in_dim3A_388, %scan3A_203 : vector<16xi1>, vector<16xi32>
      %convert_element_type3A_390 = arith.sitofp %select_n3A_389 : vector<16xi32> to vector<16xf32>
      %min3A_391 = arith.constant 100000 : i32
      %min3A_392 = vector.broadcast %min3A_391 : i32 to vector<16xi32>
      %min3A_393 = arith.minsi %get3A_383, %min3A_392 : vector<16xi32>
      %gather3A_394 = tpu.vector_load_idx %arg7[%min3A_393] : memref<100001xf32, #tpu.memory_space<vmem>>[vector<16xi32>], vector<16xf32>,
      %gt3A_395 = arith.constant 100000 : i32
      %gt3A_396 = vector.broadcast %gt3A_395 : i32 to vector<16xi32>
      %gt3A_397 = arith.cmpi sgt, %get3A_383, %gt3A_396 : vector<16xi32>
      %sub3A_398 = arith.constant 100000 : i32
      %sub3A_399 = vector.broadcast %sub3A_398 : i32 to vector<16xi32>
      %sub3A_400 = arith.subi %get3A_383, %sub3A_399 : vector<16xi32>
      %jit3A_401 = arith.constant 0 : i32
      %broadcast_in_dim3A_402 = vector.broadcast %jit3A_401 : i32 to vector<16xi32>
      %select_n3A_403 = arith.select %gt3A_397, %sub3A_400, %broadcast_in_dim3A_402 : vector<16xi1>, vector<16xi32>
      %gather3A_404 = tpu.vector_load_idx %arg10[%select_n3A_403, %add3A_27] : memref<51x128xf32, #tpu.memory_space<vmem>>[vector<16xi32>, vector<16xi32>], vector<16xf32>,
      %select_n3A_405 = arith.select %gt3A_397, %gather3A_404, %gather3A_394 : vector<16xi1>, vector<16xf32>
      %eq3A_406 = arith.constant 0 : i32
      %eq3A_407 = vector.broadcast %eq3A_406 : i32 to vector<16xi32>
      %eq3A_408 = arith.cmpi eq, %select_n3A_389, %eq3A_407 : vector<16xi32>
      %jit3A_409 = arith.constant 0.000000e+00 : f32
      %broadcast_in_dim3A_410 = vector.broadcast %jit3A_409 : f32 to vector<16xf32>
      %select_n3A_411 = arith.select %eq3A_408, %broadcast_in_dim3A_410, %select_n3A_405 : vector<16xi1>, vector<16xf32>
      %swap3A_412 = arith.index_cast %scan3A_197 : i32 to index
      %swap3A_413 = arith.constant 80 : index
      %swap3A_414 = tpu.vector_load %arg11[%swap3A_412, %swap3A_413] {strides = array<i32>} : memref<40x128xf32, #tpu.memory_space<vmem>>, vector<16xf32>,
      tpu.vector_store %arg11[%swap3A_412, %swap3A_413], %select_n3A_411 {strides = array<i32>} : memref<40x128xf32, #tpu.memory_space<vmem>>, vector<16xf32>,
      %swap3A_415 = arith.index_cast %scan3A_197 : i32 to index
      %swap3A_416 = arith.constant 80 : index
      %swap3A_417 = tpu.vector_load %arg12[%swap3A_415, %swap3A_416] {strides = array<i32>} : memref<40x128xf32, #tpu.memory_space<vmem>>, vector<16xf32>,
      tpu.vector_store %arg12[%swap3A_415, %swap3A_416], %convert_element_type3A_390 {strides = array<i32>} : memref<40x128xf32, #tpu.memory_space<vmem>>, vector<16xf32>,
      %get3A_418 = arith.index_cast %scan3A_197 : i32 to index
      %get3A_419 = arith.constant 96 : index
      %get3A_420 = tpu.vector_load %arg8[%get3A_418, %get3A_419] {strides = array<i32>} : memref<40x128xi32, #tpu.memory_space<vmem>>, vector<16xi32>,
      %eq3A_421 = arith.constant 1 : i32
      %eq3A_422 = vector.broadcast %eq3A_421 : i32 to vector<16xi32>
      %eq3A_423 = arith.cmpi eq, %get3A_420, %eq3A_422 : vector<16xi32>
      %jit3A_424 = arith.constant 0 : i32
      %broadcast_in_dim3A_425 = vector.broadcast %jit3A_424 : i32 to vector<16xi32>
      %select_n3A_426 = arith.select %eq3A_423, %broadcast_in_dim3A_425, %scan3A_204 : vector<16xi1>, vector<16xi32>
      %convert_element_type3A_427 = arith.sitofp %select_n3A_426 : vector<16xi32> to vector<16xf32>
      %min3A_428 = arith.constant 100000 : i32
      %min3A_429 = vector.broadcast %min3A_428 : i32 to vector<16xi32>
      %min3A_430 = arith.minsi %get3A_420, %min3A_429 : vector<16xi32>
      %gather3A_431 = tpu.vector_load_idx %arg7[%min3A_430] : memref<100001xf32, #tpu.memory_space<vmem>>[vector<16xi32>], vector<16xf32>,
      %gt3A_432 = arith.constant 100000 : i32
      %gt3A_433 = vector.broadcast %gt3A_432 : i32 to vector<16xi32>
      %gt3A_434 = arith.cmpi sgt, %get3A_420, %gt3A_433 : vector<16xi32>
      %sub3A_435 = arith.constant 100000 : i32
      %sub3A_436 = vector.broadcast %sub3A_435 : i32 to vector<16xi32>
      %sub3A_437 = arith.subi %get3A_420, %sub3A_436 : vector<16xi32>
      %jit3A_438 = arith.constant 0 : i32
      %broadcast_in_dim3A_439 = vector.broadcast %jit3A_438 : i32 to vector<16xi32>
      %select_n3A_440 = arith.select %gt3A_434, %sub3A_437, %broadcast_in_dim3A_439 : vector<16xi1>, vector<16xi32>
      %gather3A_441 = tpu.vector_load_idx %arg10[%select_n3A_440, %add3A_30] : memref<51x128xf32, #tpu.memory_space<vmem>>[vector<16xi32>, vector<16xi32>], vector<16xf32>,
      %select_n3A_442 = arith.select %gt3A_434, %gather3A_441, %gather3A_431 : vector<16xi1>, vector<16xf32>
      %eq3A_443 = arith.constant 0 : i32
      %eq3A_444 = vector.broadcast %eq3A_443 : i32 to vector<16xi32>
      %eq3A_445 = arith.cmpi eq, %select_n3A_426, %eq3A_444 : vector<16xi32>
      %jit3A_446 = arith.constant 0.000000e+00 : f32
      %broadcast_in_dim3A_447 = vector.broadcast %jit3A_446 : f32 to vector<16xf32>
      %select_n3A_448 = arith.select %eq3A_445, %broadcast_in_dim3A_447, %select_n3A_442 : vector<16xi1>, vector<16xf32>
      %swap3A_449 = arith.index_cast %scan3A_197 : i32 to index
      %swap3A_450 = arith.constant 96 : index
      %swap3A_451 = tpu.vector_load %arg11[%swap3A_449, %swap3A_450] {strides = array<i32>} : memref<40x128xf32, #tpu.memory_space<vmem>>, vector<16xf32>,
      tpu.vector_store %arg11[%swap3A_449, %swap3A_450], %select_n3A_448 {strides = array<i32>} : memref<40x128xf32, #tpu.memory_space<vmem>>, vector<16xf32>,
      %swap3A_452 = arith.index_cast %scan3A_197 : i32 to index
      %swap3A_453 = arith.constant 96 : index
      %swap3A_454 = tpu.vector_load %arg12[%swap3A_452, %swap3A_453] {strides = array<i32>} : memref<40x128xf32, #tpu.memory_space<vmem>>, vector<16xf32>,
      tpu.vector_store %arg12[%swap3A_452, %swap3A_453], %convert_element_type3A_427 {strides = array<i32>} : memref<40x128xf32, #tpu.memory_space<vmem>>, vector<16xf32>,
      %get3A_455 = arith.index_cast %scan3A_197 : i32 to index
      %get3A_456 = arith.constant 112 : index
      %get3A_457 = tpu.vector_load %arg8[%get3A_455, %get3A_456] {strides = array<i32>} : memref<40x128xi32, #tpu.memory_space<vmem>>, vector<16xi32>,
      %eq3A_458 = arith.constant 1 : i32
      %eq3A_459 = vector.broadcast %eq3A_458 : i32 to vector<16xi32>
      %eq3A_460 = arith.cmpi eq, %get3A_457, %eq3A_459 : vector<16xi32>
      %jit3A_461 = arith.constant 0 : i32
      %broadcast_in_dim3A_462 = vector.broadcast %jit3A_461 : i32 to vector<16xi32>
      %select_n3A_463 = arith.select %eq3A_460, %broadcast_in_dim3A_462, %scan3A_205 : vector<16xi1>, vector<16xi32>
      %convert_element_type3A_464 = arith.sitofp %select_n3A_463 : vector<16xi32> to vector<16xf32>
      %min3A_465 = arith.constant 100000 : i32
      %min3A_466 = vector.broadcast %min3A_465 : i32 to vector<16xi32>
      %min3A_467 = arith.minsi %get3A_457, %min3A_466 : vector<16xi32>
      %gather3A_468 = tpu.vector_load_idx %arg7[%min3A_467] : memref<100001xf32, #tpu.memory_space<vmem>>[vector<16xi32>], vector<16xf32>,
      %gt3A_469 = arith.constant 100000 : i32
      %gt3A_470 = vector.broadcast %gt3A_469 : i32 to vector<16xi32>
      %gt3A_471 = arith.cmpi sgt, %get3A_457, %gt3A_470 : vector<16xi32>
      %sub3A_472 = arith.constant 100000 : i32
      %sub3A_473 = vector.broadcast %sub3A_472 : i32 to vector<16xi32>
      %sub3A_474 = arith.subi %get3A_457, %sub3A_473 : vector<16xi32>
      %jit3A_475 = arith.constant 0 : i32
      %broadcast_in_dim3A_476 = vector.broadcast %jit3A_475 : i32 to vector<16xi32>
      %select_n3A_477 = arith.select %gt3A_471, %sub3A_474, %broadcast_in_dim3A_476 : vector<16xi1>, vector<16xi32>
      %gather3A_478 = tpu.vector_load_idx %arg10[%select_n3A_477, %add3A_33] : memref<51x128xf32, #tpu.memory_space<vmem>>[vector<16xi32>, vector<16xi32>], vector<16xf32>,
      %select_n3A_479 = arith.select %gt3A_471, %gather3A_478, %gather3A_468 : vector<16xi1>, vector<16xf32>
      %eq3A_480 = arith.constant 0 : i32
      %eq3A_481 = vector.broadcast %eq3A_480 : i32 to vector<16xi32>
      %eq3A_482 = arith.cmpi eq, %select_n3A_463, %eq3A_481 : vector<16xi32>
      %jit3A_483 = arith.constant 0.000000e+00 : f32
      %broadcast_in_dim3A_484 = vector.broadcast %jit3A_483 : f32 to vector<16xf32>
      %select_n3A_485 = arith.select %eq3A_482, %broadcast_in_dim3A_484, %select_n3A_479 : vector<16xi1>, vector<16xf32>
      %swap3A_486 = arith.index_cast %scan3A_197 : i32 to index
      %swap3A_487 = arith.constant 112 : index
      %swap3A_488 = tpu.vector_load %arg11[%swap3A_486, %swap3A_487] {strides = array<i32>} : memref<40x128xf32, #tpu.memory_space<vmem>>, vector<16xf32>,
      tpu.vector_store %arg11[%swap3A_486, %swap3A_487], %select_n3A_485 {strides = array<i32>} : memref<40x128xf32, #tpu.memory_space<vmem>>, vector<16xf32>,
      %swap3A_489 = arith.index_cast %scan3A_197 : i32 to index
      %swap3A_490 = arith.constant 112 : index
      %swap3A_491 = tpu.vector_load %arg12[%swap3A_489, %swap3A_490] {strides = array<i32>} : memref<40x128xf32, #tpu.memory_space<vmem>>, vector<16xf32>,
      tpu.vector_store %arg12[%swap3A_489, %swap3A_490], %convert_element_type3A_464 {strides = array<i32>} : memref<40x128xf32, #tpu.memory_space<vmem>>, vector<16xf32>,
      scf.yield %select_n3A, %select_n3A_241, %select_n3A_278, %select_n3A_315, %select_n3A_352, %select_n3A_389, %select_n3A_426, %select_n3A_463 : vector<16xi32>, vector<16xi32>, vector<16xi32>, vector<16xi32>, vector<16xi32>, vector<16xi32>, vector<16xi32>, vector<16xi32>
    }
    %scan3A_180 = arith.constant 40 : i32
    %dma_start3A_181 = arith.constant 160 : i32
    %dma_start3A_182 = tpu.memref_slice %arg5[%dma_start3A_181, %mul3A_2] : memref<200x4096xf32, #tpu.memory_space<hbm>> -> memref<40x128xf32, #tpu.memory_space<hbm>>
    %dma_start3A_183 = arith.constant 160 : i32
    %dma_start3A_184 = tpu.memref_slice %arg5[%dma_start3A_183, %mul3A_2] : memref<200x4096xf32, #tpu.memory_space<hbm>> -> memref<40x128xf32, #tpu.memory_space<hbm>>
    tpu.enqueue_dma source(%arg11 : memref<40x128xf32, #tpu.memory_space<vmem>>) target(%dma_start3A_184 : memref<40x128xf32, #tpu.memory_space<hbm>>) target_semaphore(%arg17 : memref<!tpu.dma_semaphore, #tpu.memory_space<semaphore_mem>>)
    %dma_start3A_185 = arith.constant 160 : i32
    %dma_start3A_186 = tpu.memref_slice %arg6[%dma_start3A_185, %mul3A_2] : memref<200x4096xf32, #tpu.memory_space<hbm>> -> memref<40x128xf32, #tpu.memory_space<hbm>>
    %dma_start3A_187 = arith.constant 160 : i32
    %dma_start3A_188 = tpu.memref_slice %arg6[%dma_start3A_187, %mul3A_2] : memref<200x4096xf32, #tpu.memory_space<hbm>> -> memref<40x128xf32, #tpu.memory_space<hbm>>
    tpu.enqueue_dma source(%arg12 : memref<40x128xf32, #tpu.memory_space<vmem>>) target(%dma_start3A_188 : memref<40x128xf32, #tpu.memory_space<hbm>>) target_semaphore(%arg18 : memref<!tpu.dma_semaphore, #tpu.memory_space<semaphore_mem>>)
    %dma_wait3A_189 = arith.constant 160 : i32
    %dma_wait3A_190 = tpu.memref_slice %arg5[%dma_wait3A_189, %mul3A_2] : memref<200x4096xf32, #tpu.memory_space<hbm>> -> memref<40x128xf32, #tpu.memory_space<hbm>>
    %dma_wait3A_191 = arith.constant 160 : i32
    %dma_wait3A_192 = tpu.memref_slice %arg5[%dma_wait3A_191, %mul3A_2] : memref<200x4096xf32, #tpu.memory_space<hbm>> -> memref<40x128xf32, #tpu.memory_space<hbm>>
    tpu.wait_dma2 semaphore(%arg17 : memref<!tpu.dma_semaphore, #tpu.memory_space<semaphore_mem>>) src(%arg11 : memref<40x128xf32, #tpu.memory_space<vmem>>) dst(%dma_wait3A_192 : memref<40x128xf32, #tpu.memory_space<hbm>>)
    %dma_wait3A_193 = arith.constant 160 : i32
    %dma_wait3A_194 = tpu.memref_slice %arg6[%dma_wait3A_193, %mul3A_2] : memref<200x4096xf32, #tpu.memory_space<hbm>> -> memref<40x128xf32, #tpu.memory_space<hbm>>
    %dma_wait3A_195 = arith.constant 160 : i32
    %dma_wait3A_196 = tpu.memref_slice %arg6[%dma_wait3A_195, %mul3A_2] : memref<200x4096xf32, #tpu.memory_space<hbm>> -> memref<40x128xf32, #tpu.memory_space<hbm>>
    tpu.wait_dma2 semaphore(%arg18 : memref<!tpu.dma_semaphore, #tpu.memory_space<semaphore_mem>>) src(%arg12 : memref<40x128xf32, #tpu.memory_space<vmem>>) dst(%dma_wait3A_196 : memref<40x128xf32, #tpu.memory_space<hbm>>)
    return
  }
}

</mosaic_0001>

<sc_bundles>
// kernel: kernel.3.cloned.1.call-start
scs
__scs_entry_jumppad:
0x0: {  	(pc) =	sbr.rel $0x88, $3  }
0x1: {  	(tag) =	ssettag $0x0;
	lr =	simm.s32 $0x1  }
0x2: {  	[smem:$0x3F9E] =	sst lr;
	_ =	strace $0xD0000000  }
0x3: {  	_ = 	snop  }
0x4: {  	_ = 	snop  }
0x5: {  	_ = 	snop  }
0x6: {  	_ = 	snop  }
0x7: {  	_ = 	snop  }
__scs_overlays_trampoline_lowered:
0x8: {  	[smem:$0x3FAD] =	sst s0  }
0x9: {  	[smem:$0x3FAE] =	sst s1  }
0xa: {  	[smem:$0x3FAF] =	sst s2  }
0xb: {  	[smem:$0x3FB0] =	sst s3  }
0xc: {  	[smem:$0x3FB1] =	sst s4  }
0xd: {  	[smem:$0x3FB2] =	sst s5  }
0xe: {  	[smem:$0x3FB3] =	sst s6  }
0xf: {  	[smem:$0x3FB4] =	sst s7  }
0x10: {  	[smem:$0x3FB5] =	sst s8  }
0x11: {  	[smem:$0x3FB6] =	sst s9;
	s0 =	simm.s32 @!p0 $0x0  }
0x12: {  	s1 =	sld [smem:$0x3F9C];
	s0 =	simm.s32 @p0 $0x1  }
0x13: {  	[smem:$0x3FB7] =	sst s0;
	s0 =	simm.s32 @!p1 $0x0  }
0x14: {  	s2 =	sld [smem:$0x3F9B];
	s0 =	simm.s32 @p1 $0x1  }
0x15: {  	[smem:$0x3FB8] =	sst s0;
	s0 =	simm.s32 @!p2 $0x0  }
0x16: {  	s3 =	sld [smem:$0x3FDB];
	s0 =	simm.s32 @p2 $0x1  }
0x17: {  	s4 =	simm.s32 $0x1BF5;
	[smem:$0x3FBA] =	sst s0  }
0x18: {  	s0 =	sld [smem:$0x3F9D];
	_ =	swait.ge [sflag:s4], $0x0  }
0x19: {  	s7 =	sld [smem:$0x3F9E]  }
0x1a: {  	s8 =	sadd.s32 $0xFFFFE003, lr  }
0x1b: {  	s9 =	sadd.s32 $0xFFFFFEF7, lr;
	s5 =	simm.s32 $0xFFFFFFFF;
	p2 =	slt.u32 s8, $0xFFFFF086  }
0x1c: {  	p1 =	slt.u32 s9, $0xF7A;
	s5 =	simm.s32 @!p2 $0x0  }
0x1d: {  	s5 =	simm.s32 @p1 $0x1;
	p0 =	seq.s32 s7, s2  }
0x1e: {  	s7 =	smul.u32 @!p0 $0xF7A, s2;
	p2 =	seq.s32 @!p0 s5, $0x0  }
0x1f: {  	s9 =	smul.u32 $0xF7A, s1;
	s8 =	simm.s32 @!p0 $0x1BF5;
	p2 =	por !p2, p0  }
0x20: {  	[sflag:s8] =	ssyncset.s32 @!p0 $0xFFFFF086;
	s6 =	sadd.s32 @!p0 s3, s7;
	s7 =	simm.s32 @!p0 $0x108  }
0x21: {  	s3 =	sadd.s32 s3, s9;
	s6 =	sadd.s32 @!p0 $0x88, s6;
	s7 =	simm.s32 @p2 $0x1082  }
0x22: {  	[simem:s7], [sflag:s8] =	dma.local @!p0 [hbm:s6], $0xF7A  }
0x23: {  	s9 =	sor.u32 $0xD0000000, s2;
	s6 =	simm.s32 $0x108;
	_ =	swait.ge @!p0 [sflag:s8], $0x0  }
0x24: {  	s3 =	sadd.s32 $0x88, s3;
	s6 =	simm.s32 @!p1 $0x1082;
	[sflag:s4] =	ssyncset.s32 $0xFFFFF086  }
0x25: {  	[simem:s6], [sflag:s4] =	dma.local [hbm:s3], $0xF7A  }
0x26: {  	[smem:$0x3F9E] =	sst s1;
	(tag) =	ssettag s2;
	_ =	strace s9  }
0x27: {  	s1 =	sld [smem:$0x3FAE]  }
0x28: {  	s2 =	sld [smem:$0x3FAF]  }
0x29: {  	s4 =	sld [smem:$0x3FB1]  }
0x2a: {  	p0 =	seq.s32 s5, $0x0;
	s5 =	sld [smem:$0x3FB2]  }
0x2b: {  	s6 =	sld [smem:$0x3FB3]  }
0x2c: {  	s7 =	sld [smem:$0x3FB4]  }
0x2d: {  	s3 =	simm.s32 $0x108;
	s8 =	sld [smem:$0x3FB5]  }
0x2e: {  	s3 =	simm.s32 @!p0 $0x1082;
	s9 =	sld [smem:$0x3FB6]  }
0x2f: {  	lr =	sadd.s32 s0, s3;
	s0 =	sld [smem:$0x3FAD]  }
0x30: {  	s3 =	sld [smem:$0x3FB0]  }
0x31: {  	[smem:$0x3FB9] =	sst s10  }
0x32: {  	s10 =	sld [smem:$0x3FB7];
	_ =	sdelay $0x3  }
0x33: {  	p0 =	seq.s32 s10, $0x1;
	s10 =	sld [smem:$0x3FB9];
	_ =	sdelay $0x3  }
0x34: {  	[smem:$0x3FB9] =	sst s10  }
0x35: {  	s10 =	sld [smem:$0x3FB8];
	_ =	sdelay $0x3  }
0x36: {  	p1 =	seq.s32 s10, $0x1;
	s10 =	sld [smem:$0x3FB9];
	_ =	sdelay $0x3  }
0x37: {  	[smem:$0x3FB9] =	sst s10  }
0x38: {  	s10 =	sld [smem:$0x3FBA]  }
0x39: {  	_ = 	snop;
	(pc) =	sbr.ind lr, $3  }
0x3a: {  	_ = 	snop  }
0x3b: {  	_ = 	snop  }
0x3c: {  	p2 =	seq.s32 s10, $0x1;
	s10 =	sld [smem:$0x3FB9]  }
0x3d: {  	_ =	shalt  }
0x3e: {  	_ =	shalt  }
0x3f: {  	_ =	shalt  }
0x40: {  	_ =	shalt  }
0x41: {  	_ =	shalt  }
0x42: {  	_ =	shalt  }
0x43: {  	_ =	shalt  }
0x44: {  	_ =	shalt  }
0x45: {  	_ =	shalt  }
0x46: {  	_ =	shalt  }
0x47: {  	_ =	shalt  }
0x48: {  	_ =	shalt  }
0x49: {  	_ =	shalt  }
0x4a: {  	_ =	shalt  }
0x4b: {  	_ =	shalt  }
0x4c: {  	_ =	shalt  }
0x4d: {  	_ =	shalt  }
0x4e: {  	_ =	shalt  }
0x4f: {  	_ =	shalt  }
0x50: {  	_ =	shalt  }
0x51: {  	_ =	shalt  }
0x52: {  	_ =	shalt  }
0x53: {  	_ =	shalt  }
0x54: {  	_ =	shalt  }
0x55: {  	_ =	shalt  }
0x56: {  	_ =	shalt  }
0x57: {  	_ =	shalt  }
0x58: {  	_ =	shalt  }
0x59: {  	_ =	shalt  }
0x5a: {  	_ =	shalt  }
0x5b: {  	_ =	shalt  }
0x5c: {  	_ =	shalt  }
0x5d: {  	_ =	shalt  }
0x5e: {  	_ =	shalt  }
0x5f: {  	_ =	shalt  }
0x60: {  	_ =	shalt  }
0x61: {  	_ =	shalt  }
0x62: {  	_ =	shalt  }
0x63: {  	_ =	shalt  }
0x64: {  	_ =	shalt  }
0x65: {  	_ =	shalt  }
0x66: {  	_ =	shalt  }
0x67: {  	_ =	shalt  }
0x68: {  	_ =	shalt  }
0x69: {  	_ =	shalt  }
0x6a: {  	_ =	shalt  }
0x6b: {  	_ =	shalt  }
0x6c: {  	_ =	shalt  }
0x6d: {  	_ =	shalt  }
0x6e: {  	_ =	shalt  }
0x6f: {  	_ =	shalt  }
0x70: {  	_ =	shalt  }
0x71: {  	_ =	shalt  }
0x72: {  	_ =	shalt  }
0x73: {  	_ =	shalt  }
0x74: {  	_ =	shalt  }
0x75: {  	_ =	shalt  }
0x76: {  	_ =	shalt  }
0x77: {  	_ =	shalt  }
0x78: {  	_ =	shalt  }
0x79: {  	_ =	shalt  }
0x7a: {  	_ =	shalt  }
0x7b: {  	_ =	shalt  }
0x7c: {  	_ =	shalt  }
0x7d: {  	_ =	shalt  }
0x7e: {  	_ =	shalt  }
0x7f: {  	_ =	shalt  }
0x80: {  	_ =	shalt  }
0x81: {  	_ =	shalt  }
0x82: {  	_ =	shalt  }
0x83: {  	_ =	shalt  }
0x84: {  	_ =	shalt  }
0x85: {  	_ =	shalt  }
0x86: {  	_ =	shalt  }
0x87: {  	_ =	shalt  }
.Lfunc_end0:
.L_simem_size_0:
called_computation_lowered:
.L_overlay_start_0:
0x88: {  	s2 =	sld [smem:$0x3FD9]  }
0x89: {  	s3 =	sld [smem:$0x3FFE];
	_ =	sdelay $0x1  }
0x8a: {  	s1 =	srdreg.scid  }
0x8b: {  	s0 =	sand.u32 $0x1, s1  }
0x8c: {  	s15 =	sshll.u32 s0, $0xA;
	s2 =	sadd.s32 s3, s2  }
0x8d: {  	s2 =	sadd.s32 s2, s15  }
0x8e: {  	[smem:$0x3FC5] =	sst s2  }
0x8f: {  	_ = 	snop  }
0x90: {  	s2 =	sld [smem:$0x3FD0]  }
0x91: {  	s16 =	sld [smem:$0x3FC9]  }
0x92: {  	s4 =	sld [smem:$0x3FC8]  }
0x93: {  	s6 =	simm.s32 $0xA;
	s7 =	simm.s32 $0x10;
	s5 =	sld [smem:$0x3FC7]  }
0x94: {  	[smem:s7], [sflag:s6] =	dma.local [hbm:s2], $0x1  }
0x95: {  	_ =	swait.eq [sflag:s6], $0x1  }
0x96: {  	[sflag:s6] =	ssyncset.done $0x0  }
0x97: {  	s17 =	sld [smem:$0x10];
	[sflag:s6] =	ssyncadd.s32 $0xFFFFFFFF  }
0x98: {  	s18 =	sld [smem:$0x11];
	(tm) =	ssettm $0x1  }
0x99: {  	s19 =	sld [smem:$0x3FFB];
	_ =	sdelay $0x3  }
0x9a: {  	_ =	strace s19  }
0x9b: {  	s7 =	sld [smem:$0x3FFC];
	_ =	sdelay $0x3  }
0x9c: {  	_ =	strace s7  }
0x9d: {  	s7 =	sld [smem:$0x3FFD];
	_ =	sdelay $0x3  }
0x9e: {  	_ =	strace s7  }
0x9f: {  	_ =	strace $0x8FFFFFFF  }
0xa0: {  	s20 =	sld [smem:$0x3FDB];
	_ =	sdelay $0x1  }
0xa1: {  	s8 =	simm.s32 $_scs_section_size  }
0xa2: {  	s9 =	simm.s32 $_size__tile_overlayer_lowered;
	s10 =	simm.s32 $_tile_overlayer_lowered  }
0xa3: {  	s23 =	simm.s32 $0x1BFF;
	s22 =	sshll.u32 s10, $0x1;
	s7 =	sadd.s32 s8, s20  }
0xa4: {  	s11 =	simm.s32 $0x0;
	s21 =	sshll.u32 s9, $0x1;
	s9 =	sadd.s32 s22, s7  }
0xa5: {  	[timem:s11], [sflag:s23] =	dma.local [hbm:s9], s21  }
0xa6: {  	_ =	swait.ge [sflag:s23], s21  }
0xa7: {  	s8 =	ssub.s32 $0x0, s21;
	[sflag:s23] =	ssyncset.done $0x0  }
0xa8: {  	[sflag:s23] =	ssyncadd.s32 s8;
	_ =	sdelay $0x1  }
0xa9: {  	s24 =	simm.s32 $0x1B8B  }
0xaa: {  	_ =	swait.ge [sflag:s24], $0x1  }
0xab: {  	[sflag:s24] =	ssyncset.done $0x0  }
0xac: {  	s25 =	simm.s32 $0x1B8E;
	[sflag:s24] =	ssyncadd.s32 $0xFFFFFFFF  }
0xad: {  	s26 =	simm.s32 $execute0_lowered;
	[smem:$0x3FD2] =	sst s25  }
0xae: {  	s8 =	sshll.u32 s26, $0x1;
	_ =	strace $0x80000046;
	[dreg:$0x1] =	wrdreg $0xFFFFFFFF  }
0xaf: {  	s28 =	simm.s32 $_size_execute0_lowered;
	s7 =	sadd.s32 s7, s8;
	[dreg:$0x0] =	wrdreg $0x0  }
0xb0: {  	s8 =	sshll.u32 s28, $0x1;
	[dreg:$0x2] =	wrdreg s7  }
0xb1: {  	[dreg:$0x3] =	wrdreg s8  }
0xb2: {  	[dreg:$0x4] =	wrdreg $0xC0  }
0xb3: {  	_ =	task [dreg:s11], $0x5FFFF  }
0xb4: {  	[dreg:$0x1] =	wrdreg $0xFFFFFFFF  }
0xb5: {  	[dreg:$0x0] =	wrdreg $0x60  }
0xb6: {  	[dreg:$0x2] =	wrdreg s16  }
0xb7: {  	[dreg:$0x3] =	wrdreg s4  }
0xb8: {  	[dreg:$0x4] =	wrdreg s5  }
0xb9: {  	[dreg:$0x5] =	wrdreg s17  }
0xba: {  	[dreg:$0x6] =	wrdreg s18  }
0xbb: {  	[dreg:$0x7] =	wrdreg $0x9  }
0xbc: {  	_ =	task.clear_ibuf [dreg:s11], $0x8FFFF;
	_ =	strace $0x90000046  }
0xbd: {  	s29 =	simm.s32 $0x9;
	_ =	strace $0x80000048  }
0xbe: {  	_ =	swait.ge [sflag:s29], $0x1  }
0xbf: {  	[sflag:s29] =	ssyncadd.s32 $0xFFFFFFFF  }
0xc0: {  	_ =	strace $0x90000048  }
0xc1: {  	_ =	sfence  }
0xc2: {  	s30 =	sld [smem:$0x0];
	_ =	sdelay $0x2  }
0xc3: {  	s31 =	sshll.u32 s1, $0xD;
	s1 =	sshrl.u32 s1, $0x2  }
0xc4: {  	s3 =	sand.u32 $0x4000, s31;
	s1 =	sadd.s32 s1, s30  }
0xc5: {  	s0 =	sor.u32 s3, s0;
	s1 =	sshll.u32 s1, $0x11  }
0xc6: {  	s0 =	sor.u32 s1, s0  }
0xc7: {  	s0 =	sadd.s32 $0x8F2B, s0  }
0xc8: {  	[sflag:s0] =	ssyncadd.remote.s32 $0x1  }
0xc9: {  	_ =	sfence.sel $0xFFFF  }
0xca: {  	[dreg:$0x0] =	wrdreg $0xFFFFFFFF;
	(pc) =	sbr.abs _section_cstart, $3  }
0xcb: {  	[dreg:$0x1] =	wrdreg $0xFFFFFFFF  }
0xcc: {  	_ =	task.clear_ibuf [dreg:s11], $0x2FFFF;
	_ =	strace $0x9FFFFFFF  }
0xcd: {  	(tm) =	ssettm $0x7FFFFFFF  }
tec
execute0_lowered:
.L_overlay_start_1:
0x0: {  	(tag) =	ssettag $0x1  }
0x1: {  	s0 =	rddreg [dreg:$0x0]  }
0x2: {  	s1 =	rddreg [dreg:$0x1]  }
0x3: {  	s2 =	rddreg [dreg:$0x3]  }
0x4: {  	s5 =	rddreg [dreg:$0x4];
	s4 =	srdreg.scid  }
0x5: {  	s3 =	simm.s32 $0x0;
	s7 =	stileid.u32;
	s28 =	simm.s32 $0x3  }
0x6: {  	s30 =	simm.s32 $0x1;
	s31 =	simm.s32 $0x2;
	s4 =	sand.u32 $0x1, s4  }
0x7: {  	s29 =	simm.s32 $0x6;
	s7 =	sshll.u32 s7, $0x8;
	s6 =	ssub.s32 $0x2, s4  }
0x8: {  	[smem:$0x7FF] =	sst s3;
	s4 =	sshll.u32 s4, $0x7;
	s8 =	sshrl.u32 s6, $0x1  }
0x9: {  	_ =	strace $0x80000047;
	s7 =	sor.u32 s4, s7;
	s6 =	ssub.s32 s6, s8  }
0xa: {  	s4 =	sadd.s32 s1, s7;
	s19 =	sadd.s32 s0, s7;
	s21 =	sor.u32 $0x5000, s7  }
0xb: {  	s23 =	sadd.s32 s2, s7;
	s24 =	sor.u32 $0xA000, s7;
	s9 =	sadd.s32 s5, s7  }
0xc: {  	s25 =	sor.u32 $0xF000, s7;
	s26 =	sor.u32 $0x14000, s7;
	[dreg:$0x6] =	wrdreg s19  }
0xd: {  	s1 =	simm.s32 $0x4;
	s20 =	sadd.s32 $0x6000, s4;
	[dreg:$0x9] =	wrdreg s23  }
0xe: {  	s22 =	sadd.s32 s0, s21;
	[dreg:$0xa] =	wrdreg s9;
	s10 =	sadd.s32 s0, s24  }
0xf: {  	s11 =	sadd.s32 s2, s21;
	s12 =	sadd.s32 s5, s21;
	s13 =	sadd.s32 s0, s25  }
0x10: {  	s14 =	sadd.s32 s2, s24;
	s15 =	sadd.s32 s5, s24;
	s16 =	sadd.s32 s0, s26  }
0x11: {  	v7 =	vlaneseq.u32;
	s17 =	sadd.s32 s2, s25;
	s18 =	sadd.s32 s5, s25;
	s19 =	sadd.s32 s2, s26  }
0x12: {  	v1 =	vor.u32 $0xFF3CB010, v7;
	s21 =	smax.u32 s6, $0x1;
	s23 =	simm.s32 $0x8000;
	s24 =	simm.s32 $0x18700  }
0x13: {  	v2 =	vor.u32 $0xFF3CB020, v7;
	v3 =	vor.u32 $0xFF3CB030, v7;
	s25 =	simm.s32 $0x1AF00;
	s0 =	simm.s32 $0x1CB00;
	[dreg:$0x7] =	wrdreg s20  }
0x14: {  	v4 =	vor.u32 $0xFF3CB040, v7;
	v5 =	vor.u32 $0xFF3CB050, v7;
	s2 =	simm.s32 $0x1DF00;
	[dreg:$0x8] =	wrdreg s22;
	s20 =	sadd.s32 s5, s26  }
0x15: {  	v0 =	vor.u32 $0xFF3CB000, v7;
	v6 =	vor.u32 $0xFF3CB060, v7;
	v7 =	vor.u32 $0xFF3CB070, v7;
	s22 =	simm.s32 $0x400;
	s26 =	simm.s32 $0x5;
	s5 =	simm.s32 $0x0  }
.LBB2_1:
0x16: {  	s6 =	rddreg [dreg:$0x2]  }
0x17: {  	[tilespmem:s3], [sflag:$0x1] =	stream.linear.gather [hbm4b:s6+s3], $0x18700, $0x38;
	[tilespmem:$0x1F300] =	vst v63  }
0x18: {  	s8 =	rddreg [dreg:$0x6]  }
0x19: {  	[tilespmem:s24], [sflag:$0x3] =	stream.strided.gather [hbm4b:s8+s22], $0x1400, s23, s22, $0x38;
	[tilespmem:$0x1F300] =	vst v63  }
0x1a: {  	_ = 	snop  }
0x1b: {  	[tilespmem:s25], [sflag:$0x2] =	stream.strided.gather [hbm4b:s4+s22], $0x1800, s23, s22, $0x38;
	[tilespmem:$0x1F300] =	vst v63  }
0x1c: {  	s9 =	rddreg [dreg:$0x7];
	s7 =	simm.s32 $0x1C700  }
0x1d: {  	[tilespmem:s7], [sflag:$0x2] =	stream.linear.gather [hbm4b:s9+s3], $0x180, $0x38;
	[tilespmem:$0x1F300] =	vst v63  }
0x1e: {  	_ =	swait.ge [sflag:s28], $0x1400  }
0x1f: {  	[sflag:s28] =	ssyncset.done $0x0  }
0x20: {  	s9 =	simm.s32 $0x19B00;
	s8 =	rddreg [dreg:$0x8];
	[sflag:s28] =	ssyncadd.s32 $0xFFFFEC00  }
0x21: {  	[tilespmem:s9], [sflag:$0x4] =	stream.strided.gather [hbm4b:s8+s22], $0x1400, s23, s22, $0x38;
	[tilespmem:$0x1F300] =	vst v63  }
0x22: {  	_ =	swait.ge [sflag:s30], $0x18700  }
0x23: {  	[sflag:s30] =	ssyncset.done $0x0  }
0x24: {  	[sflag:s30] =	ssyncadd.s32 $0xFFFE7900  }
0x25: {  	_ =	swait.ge [sflag:s31], $0x1980  }
0x26: {  	[sflag:s31] =	ssyncset.done $0x0  }
0x27: {  	s6 =	simm.s32 $0x0;
	[sflag:s31] =	ssyncadd.s32 $0xFFFFE680  }
0x28: {  	v8 =	vld [tilespmem:s6+$0x18700];
	_ =	sdelay $0x4  }
0x29: {  	vm0 =	vgt.s32 v8, $0x186A0  }
0x2a: {  	v9 =	vnsel vm0, $0x186A0, v8  }
0x2b: {  	v10 =	vsel vm0, $0x186A0, v8;
	v9 =	vshll.u32 v9, $0x7  }
0x2c: {  	v9 =	vadd.s32 v0, v9  }
0x2d: {  	v11 =	vld [tilespmem:s6+$0x18710];
	_ =	sdelay $0x2  }
0x2e: {  	v10 =	vld.idx.msk [tilespmem:v10+s3+$0x0], $0xffff  }
0x2f: {  	v12 =	vld.idx.msk [tilespmem:v9+s25+$0x0], $0xffff  }
0x30: {  	vm1 =	vgt.s32 v11, $0x186A0  }
0x31: {  	v15 =	vimm.s32 $0x1;
	vm2 =	veq.s32 v8, $0x1;
	v8 =	vnsel vm1, $0x186A0, v11  }
0x32: {  	v13 =	vsel vm1, $0x186A0, v11;
	v8 =	vshll.u32 v8, $0x7;
	v9 =	vsel vm2, $0x0, v15  }
0x33: {  	v8 =	vadd.s32 v1, v8;
	v14 =	vcvt.s32.f32 v9  }
0x34: {  	v10 =	vsel vm0, v12, v10;
	vm0 =	veq.s32 v9, $0x0;
	v12 =	vld [tilespmem:s6+$0x18720]  }
0x35: {  	[tilespmem:s6+$0x1DF00] =	vst v14;
	v10 =	vsel vm0, $0x0, v10  }
0x36: {  	[tilespmem:s6+$0x1CB00] =	vst v10  }
0x37: {  	v10 =	vld.idx.msk [tilespmem:v13+s3+$0x0], $0xffff  }
0x38: {  	v8 =	vld.idx.msk [tilespmem:v8+s25+$0x0], $0xffff  }
0x39: {  	vm0 =	vgt.s32 v12, $0x186A0  }
0x3a: {  	vm2 =	veq.s32 v11, $0x1;
	v13 =	vnsel vm0, $0x186A0, v12  }
0x3b: {  	v11 =	vsel vm2, $0x0, v15;
	v14 =	vsel vm0, $0x186A0, v12;
	v13 =	vshll.u32 v13, $0x7  }
0x3c: {  	v16 =	vcvt.s32.f32 v11;
	v13 =	vadd.s32 v2, v13  }
0x3d: {  	v17 =	vld [tilespmem:s6+$0x18730];
	vm2 =	veq.s32 v11, $0x0;
	v8 =	vsel vm1, v8, v10  }
0x3e: {  	[tilespmem:s6+$0x1DF10] =	vst v16;
	v8 =	vsel vm2, $0x0, v8  }
0x3f: {  	[tilespmem:s6+$0x1CB10] =	vst v8  }
0x40: {  	v8 =	vld.idx.msk [tilespmem:v14+s3+$0x0], $0xffff  }
0x41: {  	v13 =	vld.idx.msk [tilespmem:v13+s25+$0x0], $0xffff  }
0x42: {  	vm1 =	vgt.s32 v17, $0x186A0  }
0x43: {  	vm2 =	veq.s32 v12, $0x1;
	v12 =	vnsel vm1, $0x186A0, v17  }
0x44: {  	v10 =	vsel vm2, $0x0, v15;
	v12 =	vshll.u32 v12, $0x7;
	v14 =	vsel vm1, $0x186A0, v17  }
0x45: {  	v12 =	vadd.s32 v3, v12;
	v16 =	vcvt.s32.f32 v10  }
0x46: {  	vm2 =	veq.s32 v10, $0x0;
	v8 =	vsel vm0, v13, v8;
	v13 =	vld [tilespmem:s6+$0x18740]  }
0x47: {  	[tilespmem:s6+$0x1DF20] =	vst v16;
	v8 =	vsel vm2, $0x0, v8  }
0x48: {  	[tilespmem:s6+$0x1CB20] =	vst v8  }
0x49: {  	v8 =	vld.idx.msk [tilespmem:v14+s3+$0x0], $0xffff  }
0x4a: {  	vm0 =	veq.s32 v17, $0x1;
	v14 =	vld.idx.msk [tilespmem:v12+s25+$0x0], $0xffff  }
0x4b: {  	v12 =	vsel vm0, $0x0, v15;
	vm0 =	vgt.s32 v13, $0x186A0  }
0x4c: {  	v16 =	vcvt.s32.f32 v12;
	v17 =	vnsel vm0, $0x186A0, v13  }
0x4d: {  	v19 =	vsel vm0, $0x186A0, v13;
	v17 =	vshll.u32 v17, $0x7  }
0x4e: {  	[tilespmem:s6+$0x1DF30] =	vst v16;
	v16 =	vadd.s32 v4, v17  }
0x4f: {  	vm2 =	veq.s32 v12, $0x0;
	v8 =	vsel vm1, v14, v8;
	v14 =	vld [tilespmem:s6+$0x18750]  }
0x50: {  	v8 =	vsel vm2, $0x0, v8  }
0x51: {  	[tilespmem:s6+$0x1CB30] =	vst v8  }
0x52: {  	v8 =	vld.idx.msk [tilespmem:v19+s3+$0x0], $0xffff  }
0x53: {  	vm1 =	veq.s32 v13, $0x1;
	v16 =	vld.idx.msk [tilespmem:v16+s25+$0x0], $0xffff  }
0x54: {  	v13 =	vsel vm1, $0x0, v15;
	vm1 =	vgt.s32 v14, $0x186A0  }
0x55: {  	v17 =	vcvt.s32.f32 v13;
	v19 =	vnsel vm1, $0x186A0, v14  }
0x56: {  	v20 =	vsel vm1, $0x186A0, v14;
	v19 =	vshll.u32 v19, $0x7  }
0x57: {  	[tilespmem:s6+$0x1DF40] =	vst v17;
	v17 =	vadd.s32 v5, v19  }
0x58: {  	vm2 =	veq.s32 v13, $0x0;
	v8 =	vsel vm0, v16, v8;
	v16 =	vld [tilespmem:s6+$0x18760]  }
0x59: {  	v8 =	vsel vm2, $0x0, v8  }
0x5a: {  	[tilespmem:s6+$0x1CB40] =	vst v8  }
0x5b: {  	v8 =	vld.idx.msk [tilespmem:v20+s3+$0x0], $0xffff  }
0x5c: {  	v17 =	vld.idx.msk [tilespmem:v17+s25+$0x0], $0xffff  }
0x5d: {  	vm2 =	vgt.s32 v16, $0x186A0  }
0x5e: {  	vm0 =	veq.s32 v14, $0x1;
	v19 =	vnsel vm2, $0x186A0, v16  }
0x5f: {  	v14 =	vsel vm0, $0x0, v15;
	v20 =	vsel vm2, $0x186A0, v16;
	v19 =	vshll.u32 v19, $0x7  }
0x60: {  	v21 =	vcvt.s32.f32 v14;
	v19 =	vadd.s32 v6, v19  }
0x61: {  	v18 =	vld [tilespmem:s6+$0x18770];
	vm0 =	veq.s32 v14, $0x0;
	v8 =	vsel vm1, v17, v8  }
0x62: {  	[tilespmem:s6+$0x1DF50] =	vst v21;
	v8 =	vsel vm0, $0x0, v8  }
0x63: {  	[tilespmem:s6+$0x1CB50] =	vst v8  }
0x64: {  	v17 =	vld.idx.msk [tilespmem:v20+s3+$0x0], $0xffff  }
0x65: {  	vm0 =	veq.s32 v16, $0x1;
	v16 =	vld.idx.msk [tilespmem:v19+s25+$0x0], $0xffff  }
0x66: {  	v8 =	vsel vm0, $0x0, v15;
	vm0 =	vgt.s32 v18, $0x186A0  }
0x67: {  	v20 =	vnsel vm0, $0x186A0, v18;
	v19 =	vcvt.s32.f32 v8  }
0x68: {  	v21 =	vsel vm0, $0x186A0, v18;
	v20 =	vshll.u32 v20, $0x7  }
0x69: {  	[tilespmem:s6+$0x1DF60] =	vst v19;
	v19 =	vadd.s32 v7, v20  }
0x6a: {  	s9 =	simm.s32 $0x80;
	vm1 =	veq.s32 v8, $0x0;
	v16 =	vsel vm2, v16, v17  }
0x6b: {  	v17 =	vld [tilespmem:s9+$0x18700];
	v20 =	vsel vm1, $0x0, v16;
	vm1 =	veq.s32 v18, $0x1  }
0x6c: {  	v16 =	vld [tilespmem:s9+$0x18770];
	[tilespmem:s6+$0x1CB60] =	vst v20;
	v15 =	vsel vm1, $0x0, v15  }
0x6d: {  	v18 =	vld.idx.msk [tilespmem:v21+s3+$0x0], $0xffff;
	v20 =	vcvt.s32.f32 v15  }
0x6e: {  	s7 =	simm.s32 $0x400;
	vm1 =	veq.s32 v15, $0x0;
	v19 =	vld.idx.msk [tilespmem:v19+s25+$0x0], $0xffff  }
.LBB2_2:
0x6f: {  	p0 =	sne.s32 s7, $0x4E00;
	[tilespmem:s6+$0x1DF70] =	vst v20;
	s8 =	smov.u32 s7;
	s7 =	sadd.s32 $0x200, s7  }
0x70: {  	vm3 =	veq.s32 v17, $0x1;
	vm2 =	vgt.s32 v17, $0x186A0  }
0x71: {  	v9 =	vsel vm3, $0x0, v9;
	v20 =	vsel vm2, $0x186A0, v17;
	v17 =	vnsel vm2, $0x186A0, v17  }
0x72: {  	vm3 =	veq.s32 v16, $0x1;
	v17 =	vshll.u32 v17, $0x7  }
0x73: {  	v15 =	vsel vm3, $0x0, v15;
	v17 =	vadd.s32 v0, v17  }
0x74: {  	v18 =	vsel vm0, v19, v18;
	v21 =	vld [tilespmem:s9+$0x18710]  }
0x75: {  	v18 =	vsel vm1, $0x0, v18  }
0x76: {  	[tilespmem:s6+$0x1CB70] =	vst v18;
	s6 =	smov.u32 s9  }
0x77: {  	v18 =	vld.idx.msk [tilespmem:v20+s3+$0x0], $0xffff  }
0x78: {  	v17 =	vld.idx.msk [tilespmem:v17+s25+$0x0], $0xffff  }
0x79: {  	vm1 =	vgt.s32 v21, $0x186A0  }
0x7a: {  	v19 =	vnsel vm1, $0x186A0, v21  }
0x7b: {  	v19 =	vshll.u32 v19, $0x7  }
0x7c: {  	v20 =	vsel vm1, $0x186A0, v21;
	v19 =	vadd.s32 v1, v19  }
0x7d: {  	v22 =	vcvt.s32.f32 v9  }
0x7e: {  	vm0 =	veq.s32 v9, $0x0;
	v17 =	vsel vm2, v17, v18;
	v18 =	vld [tilespmem:s6+$0x18720]  }
0x7f: {  	v17 =	vsel vm0, $0x0, v17;
	[tilespmem:s6+$0x1DF00] =	vst v22  }
0x80: {  	[tilespmem:s6+$0x1CB00] =	vst v17  }
0x81: {  	v17 =	vld.idx.msk [tilespmem:v20+s3+$0x0], $0xffff  }
0x82: {  	v19 =	vld.idx.msk [tilespmem:v19+s25+$0x0], $0xffff  }
0x83: {  	vm2 =	veq.s32 v18, $0x1;
	vm0 =	vgt.s32 v18, $0x186A0  }
0x84: {  	v10 =	vsel vm2, $0x0, v10;
	v20 =	vnsel vm0, $0x186A0, v18  }
0x85: {  	vm2 =	veq.s32 v21, $0x1;
	v20 =	vshll.u32 v20, $0x7  }
0x86: {  	v18 =	vsel vm0, $0x186A0, v18;
	v11 =	vsel vm2, $0x0, v11;
	v20 =	vadd.s32 v2, v20  }
0x87: {  	v21 =	vcvt.s32.f32 v11;
	vm2 =	veq.s32 v11, $0x0  }
0x88: {  	v17 =	vsel vm1, v19, v17;
	v19 =	vld [tilespmem:s6+$0x18730]  }
0x89: {  	v17 =	vsel vm2, $0x0, v17;
	[tilespmem:s6+$0x1DF10] =	vst v21  }
0x8a: {  	[tilespmem:s6+$0x1CB10] =	vst v17  }
0x8b: {  	v17 =	vld.idx.msk [tilespmem:v18+s3+$0x0], $0xffff  }
0x8c: {  	v18 =	vld.idx.msk [tilespmem:v20+s25+$0x0], $0xffff  }
0x8d: {  	vm2 =	veq.s32 v19, $0x1;
	vm1 =	vgt.s32 v19, $0x186A0  }
0x8e: {  	v12 =	vsel vm2, $0x0, v12;
	v20 =	vnsel vm1, $0x186A0, v19  }
0x8f: {  	v20 =	vshll.u32 v20, $0x7  }
0x90: {  	vm2 =	veq.s32 v10, $0x0;
	v19 =	vsel vm1, $0x186A0, v19;
	v20 =	vadd.s32 v3, v20  }
0x91: {  	v21 =	vcvt.s32.f32 v10  }
0x92: {  	v17 =	vsel vm0, v18, v17;
	v18 =	vld [tilespmem:s6+$0x18740]  }
0x93: {  	v17 =	vsel vm2, $0x0, v17;
	[tilespmem:s6+$0x1DF20] =	vst v21  }
0x94: {  	[tilespmem:s6+$0x1CB20] =	vst v17  }
0x95: {  	v17 =	vcvt.s32.f32 v12;
	v19 =	vld.idx.msk [tilespmem:v19+s3+$0x0], $0xffff  }
0x96: {  	v20 =	vld.idx.msk [tilespmem:v20+s25+$0x0], $0xffff  }
0x97: {  	[tilespmem:s6+$0x1DF30] =	vst v17;
	vm2 =	veq.s32 v18, $0x1;
	vm0 =	vgt.s32 v18, $0x186A0  }
0x98: {  	v13 =	vsel vm2, $0x0, v13;
	v17 =	vsel vm0, $0x186A0, v18;
	v18 =	vnsel vm0, $0x186A0, v18  }
0x99: {  	vm2 =	veq.s32 v12, $0x0;
	v18 =	vshll.u32 v18, $0x7  }
0x9a: {  	v18 =	vadd.s32 v4, v18;
	_ =	sdelay $0x1  }
0x9b: {  	v19 =	vsel vm1, v20, v19;
	v20 =	vld [tilespmem:s6+$0x18750]  }
0x9c: {  	v19 =	vsel vm2, $0x0, v19  }
0x9d: {  	[tilespmem:s6+$0x1CB30] =	vst v19  }
0x9e: {  	v19 =	vcvt.s32.f32 v13;
	v17 =	vld.idx.msk [tilespmem:v17+s3+$0x0], $0xffff  }
0x9f: {  	v18 =	vld.idx.msk [tilespmem:v18+s25+$0x0], $0xffff  }
0xa0: {  	[tilespmem:s6+$0x1DF40] =	vst v19;
	vm2 =	veq.s32 v20, $0x1;
	vm1 =	vgt.s32 v20, $0x186A0  }
0xa1: {  	vm3 =	veq.s32 v13, $0x0;
	v14 =	vsel vm2, $0x0, v14;
	v19 =	vnsel vm1, $0x186A0, v20  }
0xa2: {  	v19 =	vshll.u32 v19, $0x7  }
0xa3: {  	v20 =	vsel vm1, $0x186A0, v20;
	v19 =	vadd.s32 v5, v19;
	_ =	sdelay $0x1  }
0xa4: {  	v17 =	vsel vm0, v18, v17;
	v18 =	vld [tilespmem:s6+$0x18760]  }
0xa5: {  	v17 =	vsel vm3, $0x0, v17  }
0xa6: {  	[tilespmem:s6+$0x1CB40] =	vst v17  }
0xa7: {  	v17 =	vcvt.s32.f32 v14;
	v20 =	vld.idx.msk [tilespmem:v20+s3+$0x0], $0xffff  }
0xa8: {  	v19 =	vld.idx.msk [tilespmem:v19+s25+$0x0], $0xffff  }
0xa9: {  	vm0 =	veq.s32 v14, $0x0;
	[tilespmem:s6+$0x1DF50] =	vst v17;
	vm3 =	veq.s32 v18, $0x1;
	vm2 =	vgt.s32 v18, $0x186A0  }
0xaa: {  	v8 =	vsel vm3, $0x0, v8;
	v17 =	vnsel vm2, $0x186A0, v18  }
0xab: {  	v17 =	vshll.u32 v17, $0x7  }
0xac: {  	v18 =	vsel vm2, $0x186A0, v18;
	v17 =	vadd.s32 v6, v17;
	_ =	sdelay $0x1  }
0xad: {  	v19 =	vsel vm1, v19, v20  }
0xae: {  	v19 =	vsel vm0, $0x0, v19  }
0xaf: {  	[tilespmem:s6+$0x1CB50] =	vst v19  }
0xb0: {  	v19 =	vcvt.s32.f32 v8;
	v18 =	vld.idx.msk [tilespmem:v18+s3+$0x0], $0xffff  }
0xb1: {  	vm1 =	veq.s32 v8, $0x0;
	v17 =	vld.idx.msk [tilespmem:v17+s25+$0x0], $0xffff  }
0xb2: {  	vm0 =	vgt.s32 v16, $0x186A0;
	[tilespmem:s6+$0x1DF60] =	vst v19  }
0xb3: {  	v19 =	vsel vm0, $0x186A0, v16;
	v16 =	vnsel vm0, $0x186A0, v16  }
0xb4: {  	v16 =	vshll.u32 v16, $0x7  }
0xb5: {  	v21 =	vadd.s32 v7, v16;
	_ =	sdelay $0x1  }
.Ltmp0:
0xb6: {  	s9 =	sshra.s32 s8, $0x2;
	v16 =	vsel vm2, v17, v18;
	(pc) =	sbr.rel @p0 .LBB2_2-.Ltmp0, $4  }
0xb7: {  	v18 =	vsel vm1, $0x0, v16;
	v17 =	vld [tilespmem:s9+$0x18700]  }
0xb8: {  	v16 =	vld [tilespmem:s9+$0x18770];
	[tilespmem:s6+$0x1CB60] =	vst v18  }
0xb9: {  	v20 =	vcvt.s32.f32 v15;
	vm1 =	veq.s32 v15, $0x0;
	v18 =	vld.idx.msk [tilespmem:v19+s3+$0x0], $0xffff  }
0xba: {  	v19 =	vld.idx.msk [tilespmem:v21+s25+$0x0], $0xffff  }
0xbb: {  	_ = 	snop  }
0xbc: {  	vm2 =	vgt.s32 v17, $0x186A0  }
0xbd: {  	v21 =	vnsel vm2, $0x186A0, v17  }
0xbe: {  	v22 =	vsel vm2, $0x186A0, v17;
	v21 =	vshll.u32 v21, $0x7  }
0xbf: {  	[tilespmem:s6+$0x1DF70] =	vst v20;
	v20 =	vadd.s32 v0, v21  }
0xc0: {  	v18 =	vsel vm0, v19, v18;
	v19 =	vld [tilespmem:s9+$0x18710]  }
0xc1: {  	v18 =	vsel vm1, $0x0, v18  }
0xc2: {  	[tilespmem:s6+$0x1CB70] =	vst v18  }
0xc3: {  	v18 =	vld.idx.msk [tilespmem:v22+s3+$0x0], $0xffff  }
0xc4: {  	v20 =	vld.idx.msk [tilespmem:v20+s25+$0x0], $0xffff  }
0xc5: {  	vm0 =	vgt.s32 v19, $0x186A0  }
0xc6: {  	vm1 =	veq.s32 v17, $0x1;
	v17 =	vnsel vm0, $0x186A0, v19  }
0xc7: {  	v9 =	vsel vm1, $0x0, v9;
	v21 =	vsel vm0, $0x186A0, v19;
	v17 =	vshll.u32 v17, $0x7  }
0xc8: {  	v22 =	vcvt.s32.f32 v9;
	v17 =	vadd.s32 v1, v17  }
0xc9: {  	vm1 =	veq.s32 v9, $0x0;
	v18 =	vsel vm2, v20, v18;
	v20 =	vld [tilespmem:s9+$0x18720]  }
0xca: {  	[tilespmem:s9+$0x1DF00] =	vst v22;
	v18 =	vsel vm1, $0x0, v18  }
0xcb: {  	[tilespmem:s9+$0x1CB00] =	vst v18  }
0xcc: {  	v18 =	vld.idx.msk [tilespmem:v21+s3+$0x0], $0xffff  }
0xcd: {  	v17 =	vld.idx.msk [tilespmem:v17+s25+$0x0], $0xffff  }
0xce: {  	vm1 =	vgt.s32 v20, $0x186A0  }
0xcf: {  	vm2 =	veq.s32 v19, $0x1;
	v21 =	vnsel vm1, $0x186A0, v20  }
0xd0: {  	v11 =	vsel vm2, $0x0, v11;
	v19 =	vshll.u32 v21, $0x7;
	v21 =	vsel vm1, $0x186A0, v20  }
0xd1: {  	v22 =	vcvt.s32.f32 v11;
	v19 =	vadd.s32 v2, v19  }
0xd2: {  	v17 =	vsel vm0, v17, v18;
	vm0 =	veq.s32 v11, $0x0;
	v18 =	vld [tilespmem:s9+$0x18730]  }
0xd3: {  	[tilespmem:s9+$0x1DF10] =	vst v22;
	v17 =	vsel vm0, $0x0, v17  }
0xd4: {  	[tilespmem:s9+$0x1CB10] =	vst v17  }
0xd5: {  	v17 =	vld.idx.msk [tilespmem:v21+s3+$0x0], $0xffff  }
0xd6: {  	v19 =	vld.idx.msk [tilespmem:v19+s25+$0x0], $0xffff  }
0xd7: {  	vm0 =	vgt.s32 v18, $0x186A0  }
0xd8: {  	vm2 =	veq.s32 v20, $0x1;
	v20 =	vnsel vm0, $0x186A0, v18  }
0xd9: {  	v10 =	vsel vm2, $0x0, v10;
	v21 =	vsel vm0, $0x186A0, v18;
	v20 =	vshll.u32 v20, $0x7  }
0xda: {  	v22 =	vcvt.s32.f32 v10;
	v20 =	vadd.s32 v3, v20  }
0xdb: {  	v17 =	vsel vm1, v19, v17;
	vm1 =	veq.s32 v10, $0x0;
	v19 =	vld [tilespmem:s9+$0x18740]  }
0xdc: {  	[tilespmem:s9+$0x1DF20] =	vst v22;
	v17 =	vsel vm1, $0x0, v17  }
0xdd: {  	[tilespmem:s9+$0x1CB20] =	vst v17  }
0xde: {  	v17 =	vld.idx.msk [tilespmem:v21+s3+$0x0], $0xffff  }
0xdf: {  	vm1 =	veq.s32 v18, $0x1;
	v18 =	vld.idx.msk [tilespmem:v20+s25+$0x0], $0xffff  }
0xe0: {  	v12 =	vsel vm1, $0x0, v12;
	vm1 =	vgt.s32 v19, $0x186A0  }
0xe1: {  	v20 =	vcvt.s32.f32 v12;
	v21 =	vnsel vm1, $0x186A0, v19  }
0xe2: {  	v22 =	vsel vm1, $0x186A0, v19;
	v21 =	vshll.u32 v21, $0x7  }
0xe3: {  	[tilespmem:s9+$0x1DF30] =	vst v20;
	v20 =	vadd.s32 v4, v21  }
0xe4: {  	vm2 =	veq.s32 v12, $0x0;
	v17 =	vsel vm0, v18, v17;
	v18 =	vld [tilespmem:s9+$0x18750]  }
0xe5: {  	v17 =	vsel vm2, $0x0, v17  }
0xe6: {  	[tilespmem:s9+$0x1CB30] =	vst v17  }
0xe7: {  	v17 =	vld.idx.msk [tilespmem:v22+s3+$0x0], $0xffff  }
0xe8: {  	vm0 =	veq.s32 v19, $0x1;
	v19 =	vld.idx.msk [tilespmem:v20+s25+$0x0], $0xffff  }
0xe9: {  	v13 =	vsel vm0, $0x0, v13;
	vm0 =	vgt.s32 v18, $0x186A0  }
0xea: {  	v20 =	vcvt.s32.f32 v13;
	v21 =	vnsel vm0, $0x186A0, v18  }
0xeb: {  	v22 =	vsel vm0, $0x186A0, v18;
	v21 =	vshll.u32 v21, $0x7  }
0xec: {  	[tilespmem:s9+$0x1DF40] =	vst v20;
	v20 =	vadd.s32 v5, v21  }
0xed: {  	vm2 =	veq.s32 v13, $0x0;
	v17 =	vsel vm1, v19, v17;
	v19 =	vld [tilespmem:s9+$0x18760]  }
0xee: {  	v17 =	vsel vm2, $0x0, v17  }
0xef: {  	[tilespmem:s9+$0x1CB40] =	vst v17  }
0xf0: {  	v17 =	vld.idx.msk [tilespmem:v22+s3+$0x0], $0xffff  }
0xf1: {  	v20 =	vld.idx.msk [tilespmem:v20+s25+$0x0], $0xffff  }
0xf2: {  	vm1 =	vgt.s32 v19, $0x186A0  }
0xf3: {  	vm2 =	veq.s32 v18, $0x1;
	v18 =	vnsel vm1, $0x186A0, v19  }
0xf4: {  	v14 =	vsel vm2, $0x0, v14;
	v21 =	vsel vm1, $0x186A0, v19;
	v18 =	vshll.u32 v18, $0x7  }
0xf5: {  	v22 =	vcvt.s32.f32 v14;
	v18 =	vadd.s32 v6, v18  }
0xf6: {  	v17 =	vsel vm0, v20, v17;
	vm0 =	veq.s32 v14, $0x0  }
0xf7: {  	[tilespmem:s9+$0x1DF50] =	vst v22;
	v17 =	vsel vm0, $0x0, v17  }
0xf8: {  	[tilespmem:s9+$0x1CB50] =	vst v17  }
0xf9: {  	v17 =	vld.idx.msk [tilespmem:v21+s3+$0x0], $0xffff  }
0xfa: {  	v18 =	vld.idx.msk [tilespmem:v18+s25+$0x0], $0xffff  }
0xfb: {  	vm0 =	vgt.s32 v16, $0x186A0  }
0xfc: {  	vm2 =	veq.s32 v19, $0x1;
	v19 =	vnsel vm0, $0x186A0, v16  }
0xfd: {  	v8 =	vsel vm2, $0x0, v8;
	v20 =	vsel vm0, $0x186A0, v16;
	v19 =	vshll.u32 v19, $0x7  }
0xfe: {  	v21 =	vcvt.s32.f32 v8;
	v19 =	vadd.s32 v7, v19  }
0xff: {  	vm2 =	veq.s32 v8, $0x0;
	v17 =	vsel vm1, v18, v17  }
0x100: {  	[tilespmem:s9+$0x1DF60] =	vst v21;
	v17 =	vsel vm2, $0x0, v17  }
0x101: {  	[tilespmem:s9+$0x1CB60] =	vst v17  }
0x102: {  	v17 =	vld.idx.msk [tilespmem:v20+s3+$0x0], $0xffff  }
0x103: {  	v18 =	vld.idx.msk [tilespmem:v19+s25+$0x0], $0xffff;
	_ =	sdelay $0x1  }
0x104: {  	vm1 =	veq.s32 v16, $0x1  }
0x105: {  	v15 =	vsel vm1, $0x0, v15  }
0x106: {  	v16 =	vcvt.s32.f32 v15  }
0x107: {  	vm1 =	veq.s32 v15, $0x0;
	v17 =	vsel vm0, v18, v17  }
0x108: {  	[tilespmem:s9+$0x1DF70] =	vst v16;
	v16 =	vsel vm1, $0x0, v17  }
0x109: {  	s8 =	rddreg [dreg:$0x9];
	[tilespmem:s9+$0x1CB70] =	vst v16  }
0x10a: {  	[hbm4b:s8+s22] =	stream.strided.scatter [tilespmem:s0], [sflag:$0x5], $0x1400, s23, s22, $0x38;
	[tilespmem:$0x1F300] =	vst v63  }
0x10b: {  	s9 =	rddreg [dreg:$0xa]  }
0x10c: {  	[hbm4b:s9+s22] =	stream.strided.scatter [tilespmem:s2], [sflag:$0x6], $0x1400, s23, s22, $0x38;
	[tilespmem:$0x1F300] =	vst v63  }
0x10d: {  	_ =	swait.ge [sflag:s1], $0x1400  }
0x10e: {  	[sflag:s1] =	ssyncset.done $0x0  }
0x10f: {  	[sflag:s1] =	ssyncadd.s32 $0xFFFFEC00  }
0x110: {  	[tilespmem:s24], [sflag:$0x3] =	stream.strided.gather [hbm4b:s10+s22], $0x1400, s23, s22, $0x38;
	[tilespmem:$0x1F300] =	vst v63  }
0x111: {  	_ =	swait.ge [sflag:s26], $0x1400  }
0x112: {  	[sflag:s26] =	ssyncset.done $0x0  }
0x113: {  	[sflag:s26] =	ssyncadd.s32 $0xFFFFEC00  }
0x114: {  	_ =	swait.ge [sflag:s29], $0x1400  }
0x115: {  	[sflag:s29] =	ssyncset.done $0x0  }
0x116: {  	s6 =	simm.s32 $0x0;
	[sflag:s29] =	ssyncadd.s32 $0xFFFFEC00  }
0x117: {  	v16 =	vld [tilespmem:s6+$0x19B00];
	_ =	sdelay $0x4  }
0x118: {  	vm0 =	vgt.s32 v16, $0x186A0  }
0x119: {  	v17 =	vnsel vm0, $0x186A0, v16  }
0x11a: {  	v18 =	vsel vm0, $0x186A0, v16;
	v17 =	vshll.u32 v17, $0x7  }
0x11b: {  	v17 =	vadd.s32 v0, v17  }
0x11c: {  	v19 =	vld [tilespmem:s6+$0x19B10];
	_ =	sdelay $0x2  }
0x11d: {  	v18 =	vld.idx.msk [tilespmem:v18+s3+$0x0], $0xffff  }
0x11e: {  	v17 =	vld.idx.msk [tilespmem:v17+s25+$0x0], $0xffff  }
0x11f: {  	vm1 =	vgt.s32 v19, $0x186A0  }
0x120: {  	vm2 =	veq.s32 v16, $0x1;
	v16 =	vnsel vm1, $0x186A0, v19  }
0x121: {  	v9 =	vsel vm2, $0x0, v9;
	v20 =	vsel vm1, $0x186A0, v19;
	v16 =	vshll.u32 v16, $0x7  }
0x122: {  	v22 =	vcvt.s32.f32 v9;
	v16 =	vadd.s32 v1, v16  }
0x123: {  	v17 =	vsel vm0, v17, v18;
	vm0 =	veq.s32 v9, $0x0;
	v18 =	vld [tilespmem:s6+$0x19B20]  }
0x124: {  	[tilespmem:s6+$0x1DF00] =	vst v22;
	v17 =	vsel vm0, $0x0, v17  }
0x125: {  	[tilespmem:s6+$0x1CB00] =	vst v17  }
0x126: {  	v17 =	vld.idx.msk [tilespmem:v20+s3+$0x0], $0xffff  }
0x127: {  	v16 =	vld.idx.msk [tilespmem:v16+s25+$0x0], $0xffff  }
0x128: {  	vm0 =	vgt.s32 v18, $0x186A0  }
0x129: {  	vm2 =	veq.s32 v19, $0x1;
	v20 =	vnsel vm0, $0x186A0, v18  }
0x12a: {  	v11 =	vsel vm2, $0x0, v11;
	v19 =	vshll.u32 v20, $0x7;
	v20 =	vsel vm0, $0x186A0, v18  }
0x12b: {  	v22 =	vcvt.s32.f32 v11;
	v19 =	vadd.s32 v2, v19  }
0x12c: {  	v16 =	vsel vm1, v16, v17;
	vm1 =	veq.s32 v11, $0x0;
	v17 =	vld [tilespmem:s6+$0x19B30]  }
0x12d: {  	[tilespmem:s6+$0x1DF10] =	vst v22;
	v16 =	vsel vm1, $0x0, v16  }
0x12e: {  	[tilespmem:s6+$0x1CB10] =	vst v16  }
0x12f: {  	v16 =	vld.idx.msk [tilespmem:v20+s3+$0x0], $0xffff  }
0x130: {  	v19 =	vld.idx.msk [tilespmem:v19+s25+$0x0], $0xffff  }
0x131: {  	vm1 =	vgt.s32 v17, $0x186A0  }
0x132: {  	vm2 =	veq.s32 v18, $0x1;
	v18 =	vnsel vm1, $0x186A0, v17  }
0x133: {  	v10 =	vsel vm2, $0x0, v10;
	v20 =	vsel vm1, $0x186A0, v17;
	v18 =	vshll.u32 v18, $0x7  }
0x134: {  	v22 =	vcvt.s32.f32 v10;
	v18 =	vadd.s32 v3, v18  }
0x135: {  	v16 =	vsel vm0, v19, v16;
	vm0 =	veq.s32 v10, $0x0;
	v19 =	vld [tilespmem:s6+$0x19B40]  }
0x136: {  	[tilespmem:s6+$0x1DF20] =	vst v22;
	v16 =	vsel vm0, $0x0, v16  }
0x137: {  	[tilespmem:s6+$0x1CB20] =	vst v16  }
0x138: {  	v16 =	vld.idx.msk [tilespmem:v20+s3+$0x0], $0xffff  }
0x139: {  	vm0 =	veq.s32 v17, $0x1;
	v17 =	vld.idx.msk [tilespmem:v18+s25+$0x0], $0xffff  }
0x13a: {  	v12 =	vsel vm0, $0x0, v12;
	vm0 =	vgt.s32 v19, $0x186A0  }
0x13b: {  	v18 =	vcvt.s32.f32 v12;
	v20 =	vnsel vm0, $0x186A0, v19  }
0x13c: {  	v22 =	vsel vm0, $0x186A0, v19;
	v20 =	vshll.u32 v20, $0x7  }
0x13d: {  	[tilespmem:s6+$0x1DF30] =	vst v18;
	v18 =	vadd.s32 v4, v20  }
0x13e: {  	vm2 =	veq.s32 v12, $0x0;
	v16 =	vsel vm1, v17, v16;
	v17 =	vld [tilespmem:s6+$0x19B50]  }
0x13f: {  	v16 =	vsel vm2, $0x0, v16  }
0x140: {  	[tilespmem:s6+$0x1CB30] =	vst v16  }
0x141: {  	v16 =	vld.idx.msk [tilespmem:v22+s3+$0x0], $0xffff  }
0x142: {  	vm1 =	veq.s32 v19, $0x1;
	v18 =	vld.idx.msk [tilespmem:v18+s25+$0x0], $0xffff  }
0x143: {  	v13 =	vsel vm1, $0x0, v13;
	vm1 =	vgt.s32 v17, $0x186A0  }
0x144: {  	v19 =	vcvt.s32.f32 v13;
	v20 =	vnsel vm1, $0x186A0, v17  }
0x145: {  	v22 =	vsel vm1, $0x186A0, v17;
	v20 =	vshll.u32 v20, $0x7  }
0x146: {  	[tilespmem:s6+$0x1DF40] =	vst v19;
	v19 =	vadd.s32 v5, v20  }
0x147: {  	vm2 =	veq.s32 v13, $0x0;
	v16 =	vsel vm0, v18, v16;
	v18 =	vld [tilespmem:s6+$0x19B60]  }
0x148: {  	v16 =	vsel vm2, $0x0, v16  }
0x149: {  	[tilespmem:s6+$0x1CB40] =	vst v16  }
0x14a: {  	v16 =	vld.idx.msk [tilespmem:v22+s3+$0x0], $0xffff  }
0x14b: {  	v19 =	vld.idx.msk [tilespmem:v19+s25+$0x0], $0xffff  }
0x14c: {  	vm2 =	vgt.s32 v18, $0x186A0  }
0x14d: {  	vm0 =	veq.s32 v17, $0x1;
	v17 =	vnsel vm2, $0x186A0, v18  }
0x14e: {  	v14 =	vsel vm0, $0x0, v14;
	v20 =	vsel vm2, $0x186A0, v18;
	v17 =	vshll.u32 v17, $0x7  }
0x14f: {  	v22 =	vcvt.s32.f32 v14;
	v17 =	vadd.s32 v6, v17  }
0x150: {  	v21 =	vld [tilespmem:s6+$0x19B70];
	vm0 =	veq.s32 v14, $0x0;
	v16 =	vsel vm1, v19, v16  }
0x151: {  	[tilespmem:s6+$0x1DF50] =	vst v22;
	v16 =	vsel vm0, $0x0, v16  }
0x152: {  	[tilespmem:s6+$0x1CB50] =	vst v16  }
0x153: {  	v16 =	vld.idx.msk [tilespmem:v20+s3+$0x0], $0xffff  }
0x154: {  	vm0 =	veq.s32 v18, $0x1;
	v17 =	vld.idx.msk [tilespmem:v17+s25+$0x0], $0xffff  }
0x155: {  	v8 =	vsel vm0, $0x0, v8;
	vm0 =	vgt.s32 v21, $0x186A0  }
0x156: {  	v19 =	vnsel vm0, $0x186A0, v21  }
0x157: {  	v18 =	vcvt.s32.f32 v8;
	v20 =	vsel vm0, $0x186A0, v21;
	v19 =	vshll.u32 v19, $0x7  }
0x158: {  	v19 =	vadd.s32 v7, v19  }
0x159: {  	s9 =	simm.s32 $0x80;
	vm1 =	veq.s32 v8, $0x0;
	[tilespmem:s6+$0x1DF60] =	vst v18;
	v16 =	vsel vm2, v17, v16  }
0x15a: {  	v17 =	vld [tilespmem:s9+$0x19B00];
	v18 =	vsel vm1, $0x0, v16;
	vm1 =	veq.s32 v21, $0x1  }
0x15b: {  	v16 =	vld [tilespmem:s9+$0x19B70];
	[tilespmem:s6+$0x1CB60] =	vst v18;
	v15 =	vsel vm1, $0x0, v15  }
0x15c: {  	v18 =	vld.idx.msk [tilespmem:v20+s3+$0x0], $0xffff;
	v20 =	vcvt.s32.f32 v15  }
0x15d: {  	s7 =	simm.s32 $0x400;
	vm1 =	veq.s32 v15, $0x0;
	v19 =	vld.idx.msk [tilespmem:v19+s25+$0x0], $0xffff  }
.LBB2_4:
0x15e: {  	p0 =	sne.s32 s7, $0x4E00;
	[tilespmem:s6+$0x1DF70] =	vst v20;
	s8 =	smov.u32 s7;
	s7 =	sadd.s32 $0x200, s7  }
0x15f: {  	vm3 =	veq.s32 v17, $0x1;
	vm2 =	vgt.s32 v17, $0x186A0  }
0x160: {  	v9 =	vsel vm3, $0x0, v9;
	v20 =	vsel vm2, $0x186A0, v17;
	v17 =	vnsel vm2, $0x186A0, v17  }
0x161: {  	vm3 =	veq.s32 v16, $0x1;
	v17 =	vshll.u32 v17, $0x7  }
0x162: {  	v15 =	vsel vm3, $0x0, v15;
	v17 =	vadd.s32 v0, v17  }
0x163: {  	v18 =	vsel vm0, v19, v18;
	v21 =	vld [tilespmem:s9+$0x19B10]  }
0x164: {  	v18 =	vsel vm1, $0x0, v18  }
0x165: {  	[tilespmem:s6+$0x1CB70] =	vst v18;
	s6 =	smov.u32 s9  }
0x166: {  	v18 =	vld.idx.msk [tilespmem:v20+s3+$0x0], $0xffff  }
0x167: {  	v17 =	vld.idx.msk [tilespmem:v17+s25+$0x0], $0xffff  }
0x168: {  	vm1 =	vgt.s32 v21, $0x186A0  }
0x169: {  	v19 =	vnsel vm1, $0x186A0, v21  }
0x16a: {  	v19 =	vshll.u32 v19, $0x7  }
0x16b: {  	v20 =	vsel vm1, $0x186A0, v21;
	v19 =	vadd.s32 v1, v19  }
0x16c: {  	v22 =	vcvt.s32.f32 v9  }
0x16d: {  	vm0 =	veq.s32 v9, $0x0;
	v17 =	vsel vm2, v17, v18;
	v18 =	vld [tilespmem:s6+$0x19B20]  }
0x16e: {  	v17 =	vsel vm0, $0x0, v17;
	[tilespmem:s6+$0x1DF00] =	vst v22  }
0x16f: {  	[tilespmem:s6+$0x1CB00] =	vst v17  }
0x170: {  	v17 =	vld.idx.msk [tilespmem:v20+s3+$0x0], $0xffff  }
0x171: {  	v19 =	vld.idx.msk [tilespmem:v19+s25+$0x0], $0xffff  }
0x172: {  	vm2 =	veq.s32 v18, $0x1;
	vm0 =	vgt.s32 v18, $0x186A0  }
0x173: {  	v10 =	vsel vm2, $0x0, v10;
	v20 =	vnsel vm0, $0x186A0, v18  }
0x174: {  	vm2 =	veq.s32 v21, $0x1;
	v20 =	vshll.u32 v20, $0x7  }
0x175: {  	v18 =	vsel vm0, $0x186A0, v18;
	v11 =	vsel vm2, $0x0, v11;
	v20 =	vadd.s32 v2, v20  }
0x176: {  	v21 =	vcvt.s32.f32 v11;
	vm2 =	veq.s32 v11, $0x0  }
0x177: {  	v17 =	vsel vm1, v19, v17;
	v19 =	vld [tilespmem:s6+$0x19B30]  }
0x178: {  	v17 =	vsel vm2, $0x0, v17;
	[tilespmem:s6+$0x1DF10] =	vst v21  }
0x179: {  	[tilespmem:s6+$0x1CB10] =	vst v17  }
0x17a: {  	v17 =	vld.idx.msk [tilespmem:v18+s3+$0x0], $0xffff  }
0x17b: {  	v18 =	vld.idx.msk [tilespmem:v20+s25+$0x0], $0xffff  }
0x17c: {  	vm2 =	veq.s32 v19, $0x1;
	vm1 =	vgt.s32 v19, $0x186A0  }
0x17d: {  	v12 =	vsel vm2, $0x0, v12;
	v20 =	vnsel vm1, $0x186A0, v19  }
0x17e: {  	v20 =	vshll.u32 v20, $0x7  }
0x17f: {  	vm2 =	veq.s32 v10, $0x0;
	v19 =	vsel vm1, $0x186A0, v19;
	v20 =	vadd.s32 v3, v20  }
0x180: {  	v21 =	vcvt.s32.f32 v10  }
0x181: {  	v17 =	vsel vm0, v18, v17;
	v18 =	vld [tilespmem:s6+$0x19B40]  }
0x182: {  	v17 =	vsel vm2, $0x0, v17;
	[tilespmem:s6+$0x1DF20] =	vst v21  }
0x183: {  	[tilespmem:s6+$0x1CB20] =	vst v17  }
0x184: {  	v17 =	vcvt.s32.f32 v12;
	v19 =	vld.idx.msk [tilespmem:v19+s3+$0x0], $0xffff  }
0x185: {  	v20 =	vld.idx.msk [tilespmem:v20+s25+$0x0], $0xffff  }
0x186: {  	[tilespmem:s6+$0x1DF30] =	vst v17;
	vm2 =	veq.s32 v18, $0x1;
	vm0 =	vgt.s32 v18, $0x186A0  }
0x187: {  	v13 =	vsel vm2, $0x0, v13;
	v17 =	vsel vm0, $0x186A0, v18;
	v18 =	vnsel vm0, $0x186A0, v18  }
0x188: {  	vm2 =	veq.s32 v12, $0x0;
	v18 =	vshll.u32 v18, $0x7  }
0x189: {  	v18 =	vadd.s32 v4, v18;
	_ =	sdelay $0x1  }
0x18a: {  	v19 =	vsel vm1, v20, v19;
	v20 =	vld [tilespmem:s6+$0x19B50]  }
0x18b: {  	v19 =	vsel vm2, $0x0, v19  }
0x18c: {  	[tilespmem:s6+$0x1CB30] =	vst v19  }
0x18d: {  	v19 =	vcvt.s32.f32 v13;
	v17 =	vld.idx.msk [tilespmem:v17+s3+$0x0], $0xffff  }
0x18e: {  	v18 =	vld.idx.msk [tilespmem:v18+s25+$0x0], $0xffff  }
0x18f: {  	[tilespmem:s6+$0x1DF40] =	vst v19;
	vm2 =	veq.s32 v20, $0x1;
	vm1 =	vgt.s32 v20, $0x186A0  }
0x190: {  	vm3 =	veq.s32 v13, $0x0;
	v14 =	vsel vm2, $0x0, v14;
	v19 =	vnsel vm1, $0x186A0, v20  }
0x191: {  	v19 =	vshll.u32 v19, $0x7  }
0x192: {  	v20 =	vsel vm1, $0x186A0, v20;
	v19 =	vadd.s32 v5, v19;
	_ =	sdelay $0x1  }
0x193: {  	v17 =	vsel vm0, v18, v17;
	v18 =	vld [tilespmem:s6+$0x19B60]  }
0x194: {  	v17 =	vsel vm3, $0x0, v17  }
0x195: {  	[tilespmem:s6+$0x1CB40] =	vst v17  }
0x196: {  	v17 =	vcvt.s32.f32 v14;
	v20 =	vld.idx.msk [tilespmem:v20+s3+$0x0], $0xffff  }
0x197: {  	v19 =	vld.idx.msk [tilespmem:v19+s25+$0x0], $0xffff  }
0x198: {  	vm0 =	veq.s32 v14, $0x0;
	[tilespmem:s6+$0x1DF50] =	vst v17;
	vm3 =	veq.s32 v18, $0x1;
	vm2 =	vgt.s32 v18, $0x186A0  }
0x199: {  	v8 =	vsel vm3, $0x0, v8;
	v17 =	vnsel vm2, $0x186A0, v18  }
0x19a: {  	v17 =	vshll.u32 v17, $0x7  }
0x19b: {  	v18 =	vsel vm2, $0x186A0, v18;
	v17 =	vadd.s32 v6, v17;
	_ =	sdelay $0x1  }
0x19c: {  	v19 =	vsel vm1, v19, v20  }
0x19d: {  	v19 =	vsel vm0, $0x0, v19  }
0x19e: {  	[tilespmem:s6+$0x1CB50] =	vst v19  }
0x19f: {  	v19 =	vcvt.s32.f32 v8;
	v18 =	vld.idx.msk [tilespmem:v18+s3+$0x0], $0xffff  }
0x1a0: {  	vm1 =	veq.s32 v8, $0x0;
	v17 =	vld.idx.msk [tilespmem:v17+s25+$0x0], $0xffff  }
0x1a1: {  	vm0 =	vgt.s32 v16, $0x186A0;
	[tilespmem:s6+$0x1DF60] =	vst v19  }
0x1a2: {  	v19 =	vsel vm0, $0x186A0, v16;
	v16 =	vnsel vm0, $0x186A0, v16  }
0x1a3: {  	v16 =	vshll.u32 v16, $0x7  }
0x1a4: {  	v21 =	vadd.s32 v7, v16;
	_ =	sdelay $0x1  }
.Ltmp1:
0x1a5: {  	s9 =	sshra.s32 s8, $0x2;
	v16 =	vsel vm2, v17, v18;
	(pc) =	sbr.rel @p0 .LBB2_4-.Ltmp1, $4  }
0x1a6: {  	v18 =	vsel vm1, $0x0, v16;
	v17 =	vld [tilespmem:s9+$0x19B00]  }
0x1a7: {  	v16 =	vld [tilespmem:s9+$0x19B70];
	[tilespmem:s6+$0x1CB60] =	vst v18  }
0x1a8: {  	v20 =	vcvt.s32.f32 v15;
	vm1 =	veq.s32 v15, $0x0;
	v18 =	vld.idx.msk [tilespmem:v19+s3+$0x0], $0xffff  }
0x1a9: {  	v19 =	vld.idx.msk [tilespmem:v21+s25+$0x0], $0xffff  }
0x1aa: {  	_ = 	snop  }
0x1ab: {  	vm2 =	vgt.s32 v17, $0x186A0  }
0x1ac: {  	v21 =	vnsel vm2, $0x186A0, v17  }
0x1ad: {  	v22 =	vsel vm2, $0x186A0, v17;
	v21 =	vshll.u32 v21, $0x7  }
0x1ae: {  	[tilespmem:s6+$0x1DF70] =	vst v20;
	v20 =	vadd.s32 v0, v21  }
0x1af: {  	v18 =	vsel vm0, v19, v18;
	v19 =	vld [tilespmem:s9+$0x19B10]  }
0x1b0: {  	v18 =	vsel vm1, $0x0, v18  }
0x1b1: {  	[tilespmem:s6+$0x1CB70] =	vst v18  }
0x1b2: {  	v18 =	vld.idx.msk [tilespmem:v22+s3+$0x0], $0xffff  }
0x1b3: {  	v20 =	vld.idx.msk [tilespmem:v20+s25+$0x0], $0xffff  }
0x1b4: {  	vm0 =	vgt.s32 v19, $0x186A0  }
0x1b5: {  	vm1 =	veq.s32 v17, $0x1;
	v17 =	vnsel vm0, $0x186A0, v19  }
0x1b6: {  	v9 =	vsel vm1, $0x0, v9;
	v21 =	vsel vm0, $0x186A0, v19;
	v17 =	vshll.u32 v17, $0x7  }
0x1b7: {  	v22 =	vcvt.s32.f32 v9;
	v17 =	vadd.s32 v1, v17  }
0x1b8: {  	vm1 =	veq.s32 v9, $0x0;
	v18 =	vsel vm2, v20, v18;
	v20 =	vld [tilespmem:s9+$0x19B20]  }
0x1b9: {  	[tilespmem:s9+$0x1DF00] =	vst v22;
	v18 =	vsel vm1, $0x0, v18  }
0x1ba: {  	[tilespmem:s9+$0x1CB00] =	vst v18  }
0x1bb: {  	v18 =	vld.idx.msk [tilespmem:v21+s3+$0x0], $0xffff  }
0x1bc: {  	v17 =	vld.idx.msk [tilespmem:v17+s25+$0x0], $0xffff  }
0x1bd: {  	vm1 =	vgt.s32 v20, $0x186A0  }
0x1be: {  	vm2 =	veq.s32 v19, $0x1;
	v21 =	vnsel vm1, $0x186A0, v20  }
0x1bf: {  	v11 =	vsel vm2, $0x0, v11;
	v19 =	vshll.u32 v21, $0x7;
	v21 =	vsel vm1, $0x186A0, v20  }
0x1c0: {  	v22 =	vcvt.s32.f32 v11;
	v19 =	vadd.s32 v2, v19  }
0x1c1: {  	v17 =	vsel vm0, v17, v18;
	vm0 =	veq.s32 v11, $0x0;
	v18 =	vld [tilespmem:s9+$0x19B30]  }
0x1c2: {  	[tilespmem:s9+$0x1DF10] =	vst v22;
	v17 =	vsel vm0, $0x0, v17  }
0x1c3: {  	[tilespmem:s9+$0x1CB10] =	vst v17  }
0x1c4: {  	v17 =	vld.idx.msk [tilespmem:v21+s3+$0x0], $0xffff  }
0x1c5: {  	v19 =	vld.idx.msk [tilespmem:v19+s25+$0x0], $0xffff  }
0x1c6: {  	vm0 =	vgt.s32 v18, $0x186A0  }
0x1c7: {  	vm2 =	veq.s32 v20, $0x1;
	v20 =	vnsel vm0, $0x186A0, v18  }
0x1c8: {  	v10 =	vsel vm2, $0x0, v10;
	v21 =	vsel vm0, $0x186A0, v18;
	v20 =	vshll.u32 v20, $0x7  }
0x1c9: {  	v22 =	vcvt.s32.f32 v10;
	v20 =	vadd.s32 v3, v20  }
0x1ca: {  	v17 =	vsel vm1, v19, v17;
	vm1 =	veq.s32 v10, $0x0;
	v19 =	vld [tilespmem:s9+$0x19B40]  }
0x1cb: {  	[tilespmem:s9+$0x1DF20] =	vst v22;
	v17 =	vsel vm1, $0x0, v17  }
0x1cc: {  	[tilespmem:s9+$0x1CB20] =	vst v17  }
0x1cd: {  	v17 =	vld.idx.msk [tilespmem:v21+s3+$0x0], $0xffff  }
0x1ce: {  	vm1 =	veq.s32 v18, $0x1;
	v18 =	vld.idx.msk [tilespmem:v20+s25+$0x0], $0xffff  }
0x1cf: {  	v12 =	vsel vm1, $0x0, v12;
	vm1 =	vgt.s32 v19, $0x186A0  }
0x1d0: {  	v20 =	vcvt.s32.f32 v12;
	v21 =	vnsel vm1, $0x186A0, v19  }
0x1d1: {  	v22 =	vsel vm1, $0x186A0, v19;
	v21 =	vshll.u32 v21, $0x7  }
0x1d2: {  	[tilespmem:s9+$0x1DF30] =	vst v20;
	v20 =	vadd.s32 v4, v21  }
0x1d3: {  	vm2 =	veq.s32 v12, $0x0;
	v17 =	vsel vm0, v18, v17;
	v18 =	vld [tilespmem:s9+$0x19B50]  }
0x1d4: {  	v17 =	vsel vm2, $0x0, v17  }
0x1d5: {  	[tilespmem:s9+$0x1CB30] =	vst v17  }
0x1d6: {  	v17 =	vld.idx.msk [tilespmem:v22+s3+$0x0], $0xffff  }
0x1d7: {  	vm0 =	veq.s32 v19, $0x1;
	v19 =	vld.idx.msk [tilespmem:v20+s25+$0x0], $0xffff  }
0x1d8: {  	v13 =	vsel vm0, $0x0, v13;
	vm0 =	vgt.s32 v18, $0x186A0  }
0x1d9: {  	v20 =	vcvt.s32.f32 v13;
	v21 =	vnsel vm0, $0x186A0, v18  }
0x1da: {  	v22 =	vsel vm0, $0x186A0, v18;
	v21 =	vshll.u32 v21, $0x7  }
0x1db: {  	[tilespmem:s9+$0x1DF40] =	vst v20;
	v20 =	vadd.s32 v5, v21  }
0x1dc: {  	vm2 =	veq.s32 v13, $0x0;
	v17 =	vsel vm1, v19, v17;
	v19 =	vld [tilespmem:s9+$0x19B60]  }
0x1dd: {  	v17 =	vsel vm2, $0x0, v17  }
0x1de: {  	[tilespmem:s9+$0x1CB40] =	vst v17  }
0x1df: {  	v17 =	vld.idx.msk [tilespmem:v22+s3+$0x0], $0xffff  }
0x1e0: {  	v20 =	vld.idx.msk [tilespmem:v20+s25+$0x0], $0xffff  }
0x1e1: {  	vm1 =	vgt.s32 v19, $0x186A0  }
0x1e2: {  	vm2 =	veq.s32 v18, $0x1;
	v18 =	vnsel vm1, $0x186A0, v19  }
0x1e3: {  	v14 =	vsel vm2, $0x0, v14;
	v21 =	vsel vm1, $0x186A0, v19;
	v18 =	vshll.u32 v18, $0x7  }
0x1e4: {  	v22 =	vcvt.s32.f32 v14;
	v18 =	vadd.s32 v6, v18  }
0x1e5: {  	v17 =	vsel vm0, v20, v17;
	vm0 =	veq.s32 v14, $0x0  }
0x1e6: {  	[tilespmem:s9+$0x1DF50] =	vst v22;
	v17 =	vsel vm0, $0x0, v17  }
0x1e7: {  	[tilespmem:s9+$0x1CB50] =	vst v17  }
0x1e8: {  	v17 =	vld.idx.msk [tilespmem:v21+s3+$0x0], $0xffff  }
0x1e9: {  	v18 =	vld.idx.msk [tilespmem:v18+s25+$0x0], $0xffff  }
0x1ea: {  	vm0 =	vgt.s32 v16, $0x186A0  }
0x1eb: {  	vm2 =	veq.s32 v19, $0x1;
	v19 =	vnsel vm0, $0x186A0, v16  }
0x1ec: {  	v8 =	vsel vm2, $0x0, v8;
	v20 =	vsel vm0, $0x186A0, v16;
	v19 =	vshll.u32 v19, $0x7  }
0x1ed: {  	v21 =	vcvt.s32.f32 v8;
	v19 =	vadd.s32 v7, v19  }
0x1ee: {  	vm2 =	veq.s32 v8, $0x0;
	v17 =	vsel vm1, v18, v17  }
0x1ef: {  	[tilespmem:s9+$0x1DF60] =	vst v21;
	v17 =	vsel vm2, $0x0, v17  }
0x1f0: {  	[tilespmem:s9+$0x1CB60] =	vst v17  }
0x1f1: {  	v17 =	vld.idx.msk [tilespmem:v20+s3+$0x0], $0xffff  }
0x1f2: {  	v18 =	vld.idx.msk [tilespmem:v19+s25+$0x0], $0xffff;
	_ =	sdelay $0x1  }
0x1f3: {  	vm1 =	veq.s32 v16, $0x1  }
0x1f4: {  	v15 =	vsel vm1, $0x0, v15  }
0x1f5: {  	v16 =	vcvt.s32.f32 v15  }
0x1f6: {  	vm1 =	veq.s32 v15, $0x0;
	v17 =	vsel vm0, v18, v17  }
0x1f7: {  	[tilespmem:s9+$0x1DF70] =	vst v16;
	v16 =	vsel vm1, $0x0, v17  }
0x1f8: {  	[tilespmem:s9+$0x1CB70] =	vst v16  }
0x1f9: {  	[hbm4b:s11+s22] =	stream.strided.scatter [tilespmem:s0], [sflag:$0x5], $0x1400, s23, s22, $0x38;
	[tilespmem:$0x1F300] =	vst v63  }
0x1fa: {  	_ = 	snop  }
0x1fb: {  	[hbm4b:s12+s22] =	stream.strided.scatter [tilespmem:s2], [sflag:$0x6], $0x1400, s23, s22, $0x38;
	[tilespmem:$0x1F300] =	vst v63  }
0x1fc: {  	_ =	swait.ge [sflag:s28], $0x1400  }
0x1fd: {  	[sflag:s28] =	ssyncset.done $0x0  }
0x1fe: {  	s9 =	simm.s32 $0x19B00;
	[sflag:s28] =	ssyncadd.s32 $0xFFFFEC00  }
0x1ff: {  	[tilespmem:s9], [sflag:$0x4] =	stream.strided.gather [hbm4b:s13+s22], $0x1400, s23, s22, $0x38;
	[tilespmem:$0x1F300] =	vst v63  }
0x200: {  	_ =	swait.ge [sflag:s26], $0x1400  }
0x201: {  	[sflag:s26] =	ssyncset.done $0x0  }
0x202: {  	[sflag:s26] =	ssyncadd.s32 $0xFFFFEC00  }
0x203: {  	_ =	swait.ge [sflag:s29], $0x1400  }
0x204: {  	[sflag:s29] =	ssyncset.done $0x0  }
0x205: {  	s6 =	simm.s32 $0x0;
	[sflag:s29] =	ssyncadd.s32 $0xFFFFEC00  }
0x206: {  	v16 =	vld [tilespmem:s6+$0x18700];
	_ =	sdelay $0x4  }
0x207: {  	vm0 =	vgt.s32 v16, $0x186A0  }
0x208: {  	v17 =	vnsel vm0, $0x186A0, v16  }
0x209: {  	v18 =	vsel vm0, $0x186A0, v16;
	v17 =	vshll.u32 v17, $0x7  }
0x20a: {  	v17 =	vadd.s32 v0, v17  }
0x20b: {  	v19 =	vld [tilespmem:s6+$0x18710];
	_ =	sdelay $0x2  }
0x20c: {  	v18 =	vld.idx.msk [tilespmem:v18+s3+$0x0], $0xffff  }
0x20d: {  	v17 =	vld.idx.msk [tilespmem:v17+s25+$0x0], $0xffff  }
0x20e: {  	vm1 =	vgt.s32 v19, $0x186A0  }
0x20f: {  	vm2 =	veq.s32 v16, $0x1;
	v16 =	vnsel vm1, $0x186A0, v19  }
0x210: {  	v9 =	vsel vm2, $0x0, v9;
	v20 =	vsel vm1, $0x186A0, v19;
	v16 =	vshll.u32 v16, $0x7  }
0x211: {  	v22 =	vcvt.s32.f32 v9;
	v16 =	vadd.s32 v1, v16  }
0x212: {  	v17 =	vsel vm0, v17, v18;
	vm0 =	veq.s32 v9, $0x0;
	v18 =	vld [tilespmem:s6+$0x18720]  }
0x213: {  	[tilespmem:s6+$0x1DF00] =	vst v22;
	v17 =	vsel vm0, $0x0, v17  }
0x214: {  	[tilespmem:s6+$0x1CB00] =	vst v17  }
0x215: {  	v17 =	vld.idx.msk [tilespmem:v20+s3+$0x0], $0xffff  }
0x216: {  	v16 =	vld.idx.msk [tilespmem:v16+s25+$0x0], $0xffff  }
0x217: {  	vm0 =	vgt.s32 v18, $0x186A0  }
0x218: {  	vm2 =	veq.s32 v19, $0x1;
	v20 =	vnsel vm0, $0x186A0, v18  }
0x219: {  	v11 =	vsel vm2, $0x0, v11;
	v19 =	vshll.u32 v20, $0x7;
	v20 =	vsel vm0, $0x186A0, v18  }
0x21a: {  	v22 =	vcvt.s32.f32 v11;
	v19 =	vadd.s32 v2, v19  }
0x21b: {  	v16 =	vsel vm1, v16, v17;
	vm1 =	veq.s32 v11, $0x0;
	v17 =	vld [tilespmem:s6+$0x18730]  }
0x21c: {  	[tilespmem:s6+$0x1DF10] =	vst v22;
	v16 =	vsel vm1, $0x0, v16  }
0x21d: {  	[tilespmem:s6+$0x1CB10] =	vst v16  }
0x21e: {  	v16 =	vld.idx.msk [tilespmem:v20+s3+$0x0], $0xffff  }
0x21f: {  	v19 =	vld.idx.msk [tilespmem:v19+s25+$0x0], $0xffff  }
0x220: {  	vm1 =	vgt.s32 v17, $0x186A0  }
0x221: {  	vm2 =	veq.s32 v18, $0x1;
	v18 =	vnsel vm1, $0x186A0, v17  }
0x222: {  	v10 =	vsel vm2, $0x0, v10;
	v20 =	vsel vm1, $0x186A0, v17;
	v18 =	vshll.u32 v18, $0x7  }
0x223: {  	v22 =	vcvt.s32.f32 v10;
	v18 =	vadd.s32 v3, v18  }
0x224: {  	v16 =	vsel vm0, v19, v16;
	vm0 =	veq.s32 v10, $0x0;
	v19 =	vld [tilespmem:s6+$0x18740]  }
0x225: {  	[tilespmem:s6+$0x1DF20] =	vst v22;
	v16 =	vsel vm0, $0x0, v16  }
0x226: {  	[tilespmem:s6+$0x1CB20] =	vst v16  }
0x227: {  	v16 =	vld.idx.msk [tilespmem:v20+s3+$0x0], $0xffff  }
0x228: {  	vm0 =	veq.s32 v17, $0x1;
	v17 =	vld.idx.msk [tilespmem:v18+s25+$0x0], $0xffff  }
0x229: {  	v12 =	vsel vm0, $0x0, v12;
	vm0 =	vgt.s32 v19, $0x186A0  }
0x22a: {  	v18 =	vcvt.s32.f32 v12;
	v20 =	vnsel vm0, $0x186A0, v19  }
0x22b: {  	v22 =	vsel vm0, $0x186A0, v19;
	v20 =	vshll.u32 v20, $0x7  }
0x22c: {  	[tilespmem:s6+$0x1DF30] =	vst v18;
	v18 =	vadd.s32 v4, v20  }
0x22d: {  	vm2 =	veq.s32 v12, $0x0;
	v16 =	vsel vm1, v17, v16;
	v17 =	vld [tilespmem:s6+$0x18750]  }
0x22e: {  	v16 =	vsel vm2, $0x0, v16  }
0x22f: {  	[tilespmem:s6+$0x1CB30] =	vst v16  }
0x230: {  	v16 =	vld.idx.msk [tilespmem:v22+s3+$0x0], $0xffff  }
0x231: {  	vm1 =	veq.s32 v19, $0x1;
	v18 =	vld.idx.msk [tilespmem:v18+s25+$0x0], $0xffff  }
0x232: {  	v13 =	vsel vm1, $0x0, v13;
	vm1 =	vgt.s32 v17, $0x186A0  }
0x233: {  	v19 =	vcvt.s32.f32 v13;
	v20 =	vnsel vm1, $0x186A0, v17  }
0x234: {  	v22 =	vsel vm1, $0x186A0, v17;
	v20 =	vshll.u32 v20, $0x7  }
0x235: {  	[tilespmem:s6+$0x1DF40] =	vst v19;
	v19 =	vadd.s32 v5, v20  }
0x236: {  	vm2 =	veq.s32 v13, $0x0;
	v16 =	vsel vm0, v18, v16;
	v18 =	vld [tilespmem:s6+$0x18760]  }
0x237: {  	v16 =	vsel vm2, $0x0, v16  }
0x238: {  	[tilespmem:s6+$0x1CB40] =	vst v16  }
0x239: {  	v16 =	vld.idx.msk [tilespmem:v22+s3+$0x0], $0xffff  }
0x23a: {  	v19 =	vld.idx.msk [tilespmem:v19+s25+$0x0], $0xffff  }
0x23b: {  	vm2 =	vgt.s32 v18, $0x186A0  }
0x23c: {  	vm0 =	veq.s32 v17, $0x1;
	v17 =	vnsel vm2, $0x186A0, v18  }
0x23d: {  	v14 =	vsel vm0, $0x0, v14;
	v20 =	vsel vm2, $0x186A0, v18;
	v17 =	vshll.u32 v17, $0x7  }
0x23e: {  	v22 =	vcvt.s32.f32 v14;
	v17 =	vadd.s32 v6, v17  }
0x23f: {  	v21 =	vld [tilespmem:s6+$0x18770];
	vm0 =	veq.s32 v14, $0x0;
	v16 =	vsel vm1, v19, v16  }
0x240: {  	[tilespmem:s6+$0x1DF50] =	vst v22;
	v16 =	vsel vm0, $0x0, v16  }
0x241: {  	[tilespmem:s6+$0x1CB50] =	vst v16  }
0x242: {  	v16 =	vld.idx.msk [tilespmem:v20+s3+$0x0], $0xffff  }
0x243: {  	vm0 =	veq.s32 v18, $0x1;
	v17 =	vld.idx.msk [tilespmem:v17+s25+$0x0], $0xffff  }
0x244: {  	v8 =	vsel vm0, $0x0, v8;
	vm0 =	vgt.s32 v21, $0x186A0  }
0x245: {  	v19 =	vnsel vm0, $0x186A0, v21  }
0x246: {  	v18 =	vcvt.s32.f32 v8;
	v20 =	vsel vm0, $0x186A0, v21;
	v19 =	vshll.u32 v19, $0x7  }
0x247: {  	v19 =	vadd.s32 v7, v19  }
0x248: {  	s9 =	simm.s32 $0x80;
	vm1 =	veq.s32 v8, $0x0;
	[tilespmem:s6+$0x1DF60] =	vst v18;
	v16 =	vsel vm2, v17, v16  }
0x249: {  	v17 =	vld [tilespmem:s9+$0x18700];
	v18 =	vsel vm1, $0x0, v16;
	vm1 =	veq.s32 v21, $0x1  }
0x24a: {  	v16 =	vld [tilespmem:s9+$0x18770];
	[tilespmem:s6+$0x1CB60] =	vst v18;
	v15 =	vsel vm1, $0x0, v15  }
0x24b: {  	v18 =	vld.idx.msk [tilespmem:v20+s3+$0x0], $0xffff;
	v20 =	vcvt.s32.f32 v15  }
0x24c: {  	s7 =	simm.s32 $0x400;
	vm1 =	veq.s32 v15, $0x0;
	v19 =	vld.idx.msk [tilespmem:v19+s25+$0x0], $0xffff  }
.LBB2_6:
0x24d: {  	p0 =	sne.s32 s7, $0x4E00;
	[tilespmem:s6+$0x1DF70] =	vst v20;
	s8 =	smov.u32 s7;
	s7 =	sadd.s32 $0x200, s7  }
0x24e: {  	vm3 =	veq.s32 v17, $0x1;
	vm2 =	vgt.s32 v17, $0x186A0  }
0x24f: {  	v9 =	vsel vm3, $0x0, v9;
	v20 =	vsel vm2, $0x186A0, v17;
	v17 =	vnsel vm2, $0x186A0, v17  }
0x250: {  	vm3 =	veq.s32 v16, $0x1;
	v17 =	vshll.u32 v17, $0x7  }
0x251: {  	v15 =	vsel vm3, $0x0, v15;
	v17 =	vadd.s32 v0, v17  }
0x252: {  	v18 =	vsel vm0, v19, v18;
	v21 =	vld [tilespmem:s9+$0x18710]  }
0x253: {  	v18 =	vsel vm1, $0x0, v18  }
0x254: {  	[tilespmem:s6+$0x1CB70] =	vst v18;
	s6 =	smov.u32 s9  }
0x255: {  	v18 =	vld.idx.msk [tilespmem:v20+s3+$0x0], $0xffff  }
0x256: {  	v17 =	vld.idx.msk [tilespmem:v17+s25+$0x0], $0xffff  }
0x257: {  	vm1 =	vgt.s32 v21, $0x186A0  }
0x258: {  	v19 =	vnsel vm1, $0x186A0, v21  }
0x259: {  	v19 =	vshll.u32 v19, $0x7  }
0x25a: {  	v20 =	vsel vm1, $0x186A0, v21;
	v19 =	vadd.s32 v1, v19  }
0x25b: {  	v22 =	vcvt.s32.f32 v9  }
0x25c: {  	vm0 =	veq.s32 v9, $0x0;
	v17 =	vsel vm2, v17, v18;
	v18 =	vld [tilespmem:s6+$0x18720]  }
0x25d: {  	v17 =	vsel vm0, $0x0, v17;
	[tilespmem:s6+$0x1DF00] =	vst v22  }
0x25e: {  	[tilespmem:s6+$0x1CB00] =	vst v17  }
0x25f: {  	v17 =	vld.idx.msk [tilespmem:v20+s3+$0x0], $0xffff  }
0x260: {  	v19 =	vld.idx.msk [tilespmem:v19+s25+$0x0], $0xffff  }
0x261: {  	vm2 =	veq.s32 v18, $0x1;
	vm0 =	vgt.s32 v18, $0x186A0  }
0x262: {  	v10 =	vsel vm2, $0x0, v10;
	v20 =	vnsel vm0, $0x186A0, v18  }
0x263: {  	vm2 =	veq.s32 v21, $0x1;
	v20 =	vshll.u32 v20, $0x7  }
0x264: {  	v18 =	vsel vm0, $0x186A0, v18;
	v11 =	vsel vm2, $0x0, v11;
	v20 =	vadd.s32 v2, v20  }
0x265: {  	v21 =	vcvt.s32.f32 v11;
	vm2 =	veq.s32 v11, $0x0  }
0x266: {  	v17 =	vsel vm1, v19, v17;
	v19 =	vld [tilespmem:s6+$0x18730]  }
0x267: {  	v17 =	vsel vm2, $0x0, v17;
	[tilespmem:s6+$0x1DF10] =	vst v21  }
0x268: {  	[tilespmem:s6+$0x1CB10] =	vst v17  }
0x269: {  	v17 =	vld.idx.msk [tilespmem:v18+s3+$0x0], $0xffff  }
0x26a: {  	v18 =	vld.idx.msk [tilespmem:v20+s25+$0x0], $0xffff  }
0x26b: {  	vm2 =	veq.s32 v19, $0x1;
	vm1 =	vgt.s32 v19, $0x186A0  }
0x26c: {  	v12 =	vsel vm2, $0x0, v12;
	v20 =	vnsel vm1, $0x186A0, v19  }
0x26d: {  	v20 =	vshll.u32 v20, $0x7  }
0x26e: {  	vm2 =	veq.s32 v10, $0x0;
	v19 =	vsel vm1, $0x186A0, v19;
	v20 =	vadd.s32 v3, v20  }
0x26f: {  	v21 =	vcvt.s32.f32 v10  }
0x270: {  	v17 =	vsel vm0, v18, v17;
	v18 =	vld [tilespmem:s6+$0x18740]  }
0x271: {  	v17 =	vsel vm2, $0x0, v17;
	[tilespmem:s6+$0x1DF20] =	vst v21  }
0x272: {  	[tilespmem:s6+$0x1CB20] =	vst v17  }
0x273: {  	v17 =	vcvt.s32.f32 v12;
	v19 =	vld.idx.msk [tilespmem:v19+s3+$0x0], $0xffff  }
0x274: {  	v20 =	vld.idx.msk [tilespmem:v20+s25+$0x0], $0xffff  }
0x275: {  	[tilespmem:s6+$0x1DF30] =	vst v17;
	vm2 =	veq.s32 v18, $0x1;
	vm0 =	vgt.s32 v18, $0x186A0  }
0x276: {  	v13 =	vsel vm2, $0x0, v13;
	v17 =	vsel vm0, $0x186A0, v18;
	v18 =	vnsel vm0, $0x186A0, v18  }
0x277: {  	vm2 =	veq.s32 v12, $0x0;
	v18 =	vshll.u32 v18, $0x7  }
0x278: {  	v18 =	vadd.s32 v4, v18;
	_ =	sdelay $0x1  }
0x279: {  	v19 =	vsel vm1, v20, v19;
	v20 =	vld [tilespmem:s6+$0x18750]  }
0x27a: {  	v19 =	vsel vm2, $0x0, v19  }
0x27b: {  	[tilespmem:s6+$0x1CB30] =	vst v19  }
0x27c: {  	v19 =	vcvt.s32.f32 v13;
	v17 =	vld.idx.msk [tilespmem:v17+s3+$0x0], $0xffff  }
0x27d: {  	v18 =	vld.idx.msk [tilespmem:v18+s25+$0x0], $0xffff  }
0x27e: {  	[tilespmem:s6+$0x1DF40] =	vst v19;
	vm2 =	veq.s32 v20, $0x1;
	vm1 =	vgt.s32 v20, $0x186A0  }
0x27f: {  	vm3 =	veq.s32 v13, $0x0;
	v14 =	vsel vm2, $0x0, v14;
	v19 =	vnsel vm1, $0x186A0, v20  }
0x280: {  	v19 =	vshll.u32 v19, $0x7  }
0x281: {  	v20 =	vsel vm1, $0x186A0, v20;
	v19 =	vadd.s32 v5, v19;
	_ =	sdelay $0x1  }
0x282: {  	v17 =	vsel vm0, v18, v17;
	v18 =	vld [tilespmem:s6+$0x18760]  }
0x283: {  	v17 =	vsel vm3, $0x0, v17  }
0x284: {  	[tilespmem:s6+$0x1CB40] =	vst v17  }
0x285: {  	v17 =	vcvt.s32.f32 v14;
	v20 =	vld.idx.msk [tilespmem:v20+s3+$0x0], $0xffff  }
0x286: {  	v19 =	vld.idx.msk [tilespmem:v19+s25+$0x0], $0xffff  }
0x287: {  	vm0 =	veq.s32 v14, $0x0;
	[tilespmem:s6+$0x1DF50] =	vst v17;
	vm3 =	veq.s32 v18, $0x1;
	vm2 =	vgt.s32 v18, $0x186A0  }
0x288: {  	v8 =	vsel vm3, $0x0, v8;
	v17 =	vnsel vm2, $0x186A0, v18  }
0x289: {  	v17 =	vshll.u32 v17, $0x7  }
0x28a: {  	v18 =	vsel vm2, $0x186A0, v18;
	v17 =	vadd.s32 v6, v17;
	_ =	sdelay $0x1  }
0x28b: {  	v19 =	vsel vm1, v19, v20  }
0x28c: {  	v19 =	vsel vm0, $0x0, v19  }
0x28d: {  	[tilespmem:s6+$0x1CB50] =	vst v19  }
0x28e: {  	v19 =	vcvt.s32.f32 v8;
	v18 =	vld.idx.msk [tilespmem:v18+s3+$0x0], $0xffff  }
0x28f: {  	vm1 =	veq.s32 v8, $0x0;
	v17 =	vld.idx.msk [tilespmem:v17+s25+$0x0], $0xffff  }
0x290: {  	vm0 =	vgt.s32 v16, $0x186A0;
	[tilespmem:s6+$0x1DF60] =	vst v19  }
0x291: {  	v19 =	vsel vm0, $0x186A0, v16;
	v16 =	vnsel vm0, $0x186A0, v16  }
0x292: {  	v16 =	vshll.u32 v16, $0x7  }
0x293: {  	v21 =	vadd.s32 v7, v16;
	_ =	sdelay $0x1  }
.Ltmp2:
0x294: {  	s9 =	sshra.s32 s8, $0x2;
	v16 =	vsel vm2, v17, v18;
	(pc) =	sbr.rel @p0 .LBB2_6-.Ltmp2, $4  }
0x295: {  	v18 =	vsel vm1, $0x0, v16;
	v17 =	vld [tilespmem:s9+$0x18700]  }
0x296: {  	v16 =	vld [tilespmem:s9+$0x18770];
	[tilespmem:s6+$0x1CB60] =	vst v18  }
0x297: {  	v20 =	vcvt.s32.f32 v15;
	vm1 =	veq.s32 v15, $0x0;
	v18 =	vld.idx.msk [tilespmem:v19+s3+$0x0], $0xffff  }
0x298: {  	v19 =	vld.idx.msk [tilespmem:v21+s25+$0x0], $0xffff  }
0x299: {  	_ = 	snop  }
0x29a: {  	vm2 =	vgt.s32 v17, $0x186A0  }
0x29b: {  	v21 =	vnsel vm2, $0x186A0, v17  }
0x29c: {  	v22 =	vsel vm2, $0x186A0, v17;
	v21 =	vshll.u32 v21, $0x7  }
0x29d: {  	[tilespmem:s6+$0x1DF70] =	vst v20;
	v20 =	vadd.s32 v0, v21  }
0x29e: {  	v18 =	vsel vm0, v19, v18;
	v19 =	vld [tilespmem:s9+$0x18710]  }
0x29f: {  	v18 =	vsel vm1, $0x0, v18  }
0x2a0: {  	[tilespmem:s6+$0x1CB70] =	vst v18  }
0x2a1: {  	v18 =	vld.idx.msk [tilespmem:v22+s3+$0x0], $0xffff  }
0x2a2: {  	v20 =	vld.idx.msk [tilespmem:v20+s25+$0x0], $0xffff  }
0x2a3: {  	vm0 =	vgt.s32 v19, $0x186A0  }
0x2a4: {  	vm1 =	veq.s32 v17, $0x1;
	v17 =	vnsel vm0, $0x186A0, v19  }
0x2a5: {  	v9 =	vsel vm1, $0x0, v9;
	v21 =	vsel vm0, $0x186A0, v19;
	v17 =	vshll.u32 v17, $0x7  }
0x2a6: {  	v22 =	vcvt.s32.f32 v9;
	v17 =	vadd.s32 v1, v17  }
0x2a7: {  	vm1 =	veq.s32 v9, $0x0;
	v18 =	vsel vm2, v20, v18;
	v20 =	vld [tilespmem:s9+$0x18720]  }
0x2a8: {  	[tilespmem:s9+$0x1DF00] =	vst v22;
	v18 =	vsel vm1, $0x0, v18  }
0x2a9: {  	[tilespmem:s9+$0x1CB00] =	vst v18  }
0x2aa: {  	v18 =	vld.idx.msk [tilespmem:v21+s3+$0x0], $0xffff  }
0x2ab: {  	v17 =	vld.idx.msk [tilespmem:v17+s25+$0x0], $0xffff  }
0x2ac: {  	vm1 =	vgt.s32 v20, $0x186A0  }
0x2ad: {  	vm2 =	veq.s32 v19, $0x1;
	v21 =	vnsel vm1, $0x186A0, v20  }
0x2ae: {  	v11 =	vsel vm2, $0x0, v11;
	v19 =	vshll.u32 v21, $0x7;
	v21 =	vsel vm1, $0x186A0, v20  }
0x2af: {  	v22 =	vcvt.s32.f32 v11;
	v19 =	vadd.s32 v2, v19  }
0x2b0: {  	v17 =	vsel vm0, v17, v18;
	vm0 =	veq.s32 v11, $0x0;
	v18 =	vld [tilespmem:s9+$0x18730]  }
0x2b1: {  	[tilespmem:s9+$0x1DF10] =	vst v22;
	v17 =	vsel vm0, $0x0, v17  }
0x2b2: {  	[tilespmem:s9+$0x1CB10] =	vst v17  }
0x2b3: {  	v17 =	vld.idx.msk [tilespmem:v21+s3+$0x0], $0xffff  }
0x2b4: {  	v19 =	vld.idx.msk [tilespmem:v19+s25+$0x0], $0xffff  }
0x2b5: {  	vm0 =	vgt.s32 v18, $0x186A0  }
0x2b6: {  	vm2 =	veq.s32 v20, $0x1;
	v20 =	vnsel vm0, $0x186A0, v18  }
0x2b7: {  	v10 =	vsel vm2, $0x0, v10;
	v21 =	vsel vm0, $0x186A0, v18;
	v20 =	vshll.u32 v20, $0x7  }
0x2b8: {  	v22 =	vcvt.s32.f32 v10;
	v20 =	vadd.s32 v3, v20  }
0x2b9: {  	v17 =	vsel vm1, v19, v17;
	vm1 =	veq.s32 v10, $0x0;
	v19 =	vld [tilespmem:s9+$0x18740]  }
0x2ba: {  	[tilespmem:s9+$0x1DF20] =	vst v22;
	v17 =	vsel vm1, $0x0, v17  }
0x2bb: {  	[tilespmem:s9+$0x1CB20] =	vst v17  }
0x2bc: {  	v17 =	vld.idx.msk [tilespmem:v21+s3+$0x0], $0xffff  }
0x2bd: {  	vm1 =	veq.s32 v18, $0x1;
	v18 =	vld.idx.msk [tilespmem:v20+s25+$0x0], $0xffff  }
0x2be: {  	v12 =	vsel vm1, $0x0, v12;
	vm1 =	vgt.s32 v19, $0x186A0  }
0x2bf: {  	v20 =	vcvt.s32.f32 v12;
	v21 =	vnsel vm1, $0x186A0, v19  }
0x2c0: {  	v22 =	vsel vm1, $0x186A0, v19;
	v21 =	vshll.u32 v21, $0x7  }
0x2c1: {  	[tilespmem:s9+$0x1DF30] =	vst v20;
	v20 =	vadd.s32 v4, v21  }
0x2c2: {  	vm2 =	veq.s32 v12, $0x0;
	v17 =	vsel vm0, v18, v17;
	v18 =	vld [tilespmem:s9+$0x18750]  }
0x2c3: {  	v17 =	vsel vm2, $0x0, v17  }
0x2c4: {  	[tilespmem:s9+$0x1CB30] =	vst v17  }
0x2c5: {  	v17 =	vld.idx.msk [tilespmem:v22+s3+$0x0], $0xffff  }
0x2c6: {  	vm0 =	veq.s32 v19, $0x1;
	v19 =	vld.idx.msk [tilespmem:v20+s25+$0x0], $0xffff  }
0x2c7: {  	v13 =	vsel vm0, $0x0, v13;
	vm0 =	vgt.s32 v18, $0x186A0  }
0x2c8: {  	v20 =	vcvt.s32.f32 v13;
	v21 =	vnsel vm0, $0x186A0, v18  }
0x2c9: {  	v22 =	vsel vm0, $0x186A0, v18;
	v21 =	vshll.u32 v21, $0x7  }
0x2ca: {  	[tilespmem:s9+$0x1DF40] =	vst v20;
	v20 =	vadd.s32 v5, v21  }
0x2cb: {  	vm2 =	veq.s32 v13, $0x0;
	v17 =	vsel vm1, v19, v17;
	v19 =	vld [tilespmem:s9+$0x18760]  }
0x2cc: {  	v17 =	vsel vm2, $0x0, v17  }
0x2cd: {  	[tilespmem:s9+$0x1CB40] =	vst v17  }
0x2ce: {  	v17 =	vld.idx.msk [tilespmem:v22+s3+$0x0], $0xffff  }
0x2cf: {  	v20 =	vld.idx.msk [tilespmem:v20+s25+$0x0], $0xffff  }
0x2d0: {  	vm1 =	vgt.s32 v19, $0x186A0  }
0x2d1: {  	vm2 =	veq.s32 v18, $0x1;
	v18 =	vnsel vm1, $0x186A0, v19  }
0x2d2: {  	v14 =	vsel vm2, $0x0, v14;
	v21 =	vsel vm1, $0x186A0, v19;
	v18 =	vshll.u32 v18, $0x7  }
0x2d3: {  	v22 =	vcvt.s32.f32 v14;
	v18 =	vadd.s32 v6, v18  }
0x2d4: {  	v17 =	vsel vm0, v20, v17;
	vm0 =	veq.s32 v14, $0x0  }
0x2d5: {  	[tilespmem:s9+$0x1DF50] =	vst v22;
	v17 =	vsel vm0, $0x0, v17  }
0x2d6: {  	[tilespmem:s9+$0x1CB50] =	vst v17  }
0x2d7: {  	v17 =	vld.idx.msk [tilespmem:v21+s3+$0x0], $0xffff  }
0x2d8: {  	v18 =	vld.idx.msk [tilespmem:v18+s25+$0x0], $0xffff  }
0x2d9: {  	vm0 =	vgt.s32 v16, $0x186A0  }
0x2da: {  	vm2 =	veq.s32 v19, $0x1;
	v19 =	vnsel vm0, $0x186A0, v16  }
0x2db: {  	v8 =	vsel vm2, $0x0, v8;
	v20 =	vsel vm0, $0x186A0, v16;
	v19 =	vshll.u32 v19, $0x7  }
0x2dc: {  	v21 =	vcvt.s32.f32 v8;
	v19 =	vadd.s32 v7, v19  }
0x2dd: {  	vm2 =	veq.s32 v8, $0x0;
	v17 =	vsel vm1, v18, v17  }
0x2de: {  	[tilespmem:s9+$0x1DF60] =	vst v21;
	v17 =	vsel vm2, $0x0, v17  }
0x2df: {  	[tilespmem:s9+$0x1CB60] =	vst v17  }
0x2e0: {  	v17 =	vld.idx.msk [tilespmem:v20+s3+$0x0], $0xffff  }
0x2e1: {  	v18 =	vld.idx.msk [tilespmem:v19+s25+$0x0], $0xffff;
	_ =	sdelay $0x1  }
0x2e2: {  	vm1 =	veq.s32 v16, $0x1  }
0x2e3: {  	v15 =	vsel vm1, $0x0, v15  }
0x2e4: {  	v16 =	vcvt.s32.f32 v15  }
0x2e5: {  	vm1 =	veq.s32 v15, $0x0;
	v17 =	vsel vm0, v18, v17  }
0x2e6: {  	[tilespmem:s9+$0x1DF70] =	vst v16;
	v16 =	vsel vm1, $0x0, v17  }
0x2e7: {  	[tilespmem:s9+$0x1CB70] =	vst v16  }
0x2e8: {  	[hbm4b:s14+s22] =	stream.strided.scatter [tilespmem:s0], [sflag:$0x5], $0x1400, s23, s22, $0x38;
	[tilespmem:$0x1F300] =	vst v63  }
0x2e9: {  	_ = 	snop  }
0x2ea: {  	[hbm4b:s15+s22] =	stream.strided.scatter [tilespmem:s2], [sflag:$0x6], $0x1400, s23, s22, $0x38;
	[tilespmem:$0x1F300] =	vst v63  }
0x2eb: {  	_ =	swait.ge [sflag:s1], $0x1400  }
0x2ec: {  	[sflag:s1] =	ssyncset.done $0x0  }
0x2ed: {  	[sflag:s1] =	ssyncadd.s32 $0xFFFFEC00  }
0x2ee: {  	[tilespmem:s24], [sflag:$0x3] =	stream.strided.gather [hbm4b:s16+s22], $0x1400, s23, s22, $0x38;
	[tilespmem:$0x1F300] =	vst v63  }
0x2ef: {  	_ =	swait.ge [sflag:s26], $0x1400  }
0x2f0: {  	[sflag:s26] =	ssyncset.done $0x0  }
0x2f1: {  	[sflag:s26] =	ssyncadd.s32 $0xFFFFEC00  }
0x2f2: {  	_ =	swait.ge [sflag:s29], $0x1400  }
0x2f3: {  	[sflag:s29] =	ssyncset.done $0x0  }
0x2f4: {  	s6 =	simm.s32 $0x0;
	[sflag:s29] =	ssyncadd.s32 $0xFFFFEC00  }
0x2f5: {  	v16 =	vld [tilespmem:s6+$0x19B00];
	_ =	sdelay $0x4  }
0x2f6: {  	vm0 =	vgt.s32 v16, $0x186A0  }
0x2f7: {  	v17 =	vnsel vm0, $0x186A0, v16  }
0x2f8: {  	v18 =	vsel vm0, $0x186A0, v16;
	v17 =	vshll.u32 v17, $0x7  }
0x2f9: {  	v17 =	vadd.s32 v0, v17  }
0x2fa: {  	v19 =	vld [tilespmem:s6+$0x19B10];
	_ =	sdelay $0x2  }
0x2fb: {  	v18 =	vld.idx.msk [tilespmem:v18+s3+$0x0], $0xffff  }
0x2fc: {  	v17 =	vld.idx.msk [tilespmem:v17+s25+$0x0], $0xffff  }
0x2fd: {  	vm1 =	vgt.s32 v19, $0x186A0  }
0x2fe: {  	vm2 =	veq.s32 v16, $0x1;
	v16 =	vnsel vm1, $0x186A0, v19  }
0x2ff: {  	v9 =	vsel vm2, $0x0, v9;
	v20 =	vsel vm1, $0x186A0, v19;
	v16 =	vshll.u32 v16, $0x7  }
0x300: {  	v22 =	vcvt.s32.f32 v9;
	v16 =	vadd.s32 v1, v16  }
0x301: {  	v17 =	vsel vm0, v17, v18;
	vm0 =	veq.s32 v9, $0x0;
	v18 =	vld [tilespmem:s6+$0x19B20]  }
0x302: {  	[tilespmem:s6+$0x1DF00] =	vst v22;
	v17 =	vsel vm0, $0x0, v17  }
0x303: {  	[tilespmem:s6+$0x1CB00] =	vst v17  }
0x304: {  	v17 =	vld.idx.msk [tilespmem:v20+s3+$0x0], $0xffff  }
0x305: {  	v16 =	vld.idx.msk [tilespmem:v16+s25+$0x0], $0xffff  }
0x306: {  	vm0 =	vgt.s32 v18, $0x186A0  }
0x307: {  	vm2 =	veq.s32 v19, $0x1;
	v20 =	vnsel vm0, $0x186A0, v18  }
0x308: {  	v11 =	vsel vm2, $0x0, v11;
	v19 =	vshll.u32 v20, $0x7;
	v20 =	vsel vm0, $0x186A0, v18  }
0x309: {  	v22 =	vcvt.s32.f32 v11;
	v19 =	vadd.s32 v2, v19  }
0x30a: {  	v16 =	vsel vm1, v16, v17;
	vm1 =	veq.s32 v11, $0x0;
	v17 =	vld [tilespmem:s6+$0x19B30]  }
0x30b: {  	[tilespmem:s6+$0x1DF10] =	vst v22;
	v16 =	vsel vm1, $0x0, v16  }
0x30c: {  	[tilespmem:s6+$0x1CB10] =	vst v16  }
0x30d: {  	v16 =	vld.idx.msk [tilespmem:v20+s3+$0x0], $0xffff  }
0x30e: {  	v19 =	vld.idx.msk [tilespmem:v19+s25+$0x0], $0xffff  }
0x30f: {  	vm1 =	vgt.s32 v17, $0x186A0  }
0x310: {  	vm2 =	veq.s32 v18, $0x1;
	v18 =	vnsel vm1, $0x186A0, v17  }
0x311: {  	v10 =	vsel vm2, $0x0, v10;
	v20 =	vsel vm1, $0x186A0, v17;
	v18 =	vshll.u32 v18, $0x7  }
0x312: {  	v22 =	vcvt.s32.f32 v10;
	v18 =	vadd.s32 v3, v18  }
0x313: {  	v16 =	vsel vm0, v19, v16;
	vm0 =	veq.s32 v10, $0x0;
	v19 =	vld [tilespmem:s6+$0x19B40]  }
0x314: {  	[tilespmem:s6+$0x1DF20] =	vst v22;
	v16 =	vsel vm0, $0x0, v16  }
0x315: {  	[tilespmem:s6+$0x1CB20] =	vst v16  }
0x316: {  	v16 =	vld.idx.msk [tilespmem:v20+s3+$0x0], $0xffff  }
0x317: {  	vm0 =	veq.s32 v17, $0x1;
	v17 =	vld.idx.msk [tilespmem:v18+s25+$0x0], $0xffff  }
0x318: {  	v12 =	vsel vm0, $0x0, v12;
	vm0 =	vgt.s32 v19, $0x186A0  }
0x319: {  	v18 =	vcvt.s32.f32 v12;
	v20 =	vnsel vm0, $0x186A0, v19  }
0x31a: {  	v22 =	vsel vm0, $0x186A0, v19;
	v20 =	vshll.u32 v20, $0x7  }
0x31b: {  	[tilespmem:s6+$0x1DF30] =	vst v18;
	v18 =	vadd.s32 v4, v20  }
0x31c: {  	vm2 =	veq.s32 v12, $0x0;
	v16 =	vsel vm1, v17, v16;
	v17 =	vld [tilespmem:s6+$0x19B50]  }
0x31d: {  	v16 =	vsel vm2, $0x0, v16  }
0x31e: {  	[tilespmem:s6+$0x1CB30] =	vst v16  }
0x31f: {  	v16 =	vld.idx.msk [tilespmem:v22+s3+$0x0], $0xffff  }
0x320: {  	vm1 =	veq.s32 v19, $0x1;
	v18 =	vld.idx.msk [tilespmem:v18+s25+$0x0], $0xffff  }
0x321: {  	v13 =	vsel vm1, $0x0, v13;
	vm1 =	vgt.s32 v17, $0x186A0  }
0x322: {  	v19 =	vcvt.s32.f32 v13;
	v20 =	vnsel vm1, $0x186A0, v17  }
0x323: {  	v22 =	vsel vm1, $0x186A0, v17;
	v20 =	vshll.u32 v20, $0x7  }
0x324: {  	[tilespmem:s6+$0x1DF40] =	vst v19;
	v19 =	vadd.s32 v5, v20  }
0x325: {  	vm2 =	veq.s32 v13, $0x0;
	v16 =	vsel vm0, v18, v16;
	v18 =	vld [tilespmem:s6+$0x19B60]  }
0x326: {  	v16 =	vsel vm2, $0x0, v16  }
0x327: {  	[tilespmem:s6+$0x1CB40] =	vst v16  }
0x328: {  	v16 =	vld.idx.msk [tilespmem:v22+s3+$0x0], $0xffff  }
0x329: {  	v19 =	vld.idx.msk [tilespmem:v19+s25+$0x0], $0xffff  }
0x32a: {  	vm2 =	vgt.s32 v18, $0x186A0  }
0x32b: {  	vm0 =	veq.s32 v17, $0x1;
	v17 =	vnsel vm2, $0x186A0, v18  }
0x32c: {  	v14 =	vsel vm0, $0x0, v14;
	v20 =	vsel vm2, $0x186A0, v18;
	v17 =	vshll.u32 v17, $0x7  }
0x32d: {  	v22 =	vcvt.s32.f32 v14;
	v17 =	vadd.s32 v6, v17  }
0x32e: {  	v21 =	vld [tilespmem:s6+$0x19B70];
	vm0 =	veq.s32 v14, $0x0;
	v16 =	vsel vm1, v19, v16  }
0x32f: {  	[tilespmem:s6+$0x1DF50] =	vst v22;
	v16 =	vsel vm0, $0x0, v16  }
0x330: {  	[tilespmem:s6+$0x1CB50] =	vst v16  }
0x331: {  	v16 =	vld.idx.msk [tilespmem:v20+s3+$0x0], $0xffff  }
0x332: {  	vm0 =	veq.s32 v18, $0x1;
	v17 =	vld.idx.msk [tilespmem:v17+s25+$0x0], $0xffff  }
0x333: {  	v8 =	vsel vm0, $0x0, v8;
	vm0 =	vgt.s32 v21, $0x186A0  }
0x334: {  	v19 =	vnsel vm0, $0x186A0, v21  }
0x335: {  	v18 =	vcvt.s32.f32 v8;
	v20 =	vsel vm0, $0x186A0, v21;
	v19 =	vshll.u32 v19, $0x7  }
0x336: {  	v19 =	vadd.s32 v7, v19  }
0x337: {  	s9 =	simm.s32 $0x80;
	vm1 =	veq.s32 v8, $0x0;
	[tilespmem:s6+$0x1DF60] =	vst v18;
	v16 =	vsel vm2, v17, v16  }
0x338: {  	v17 =	vld [tilespmem:s9+$0x19B00];
	v18 =	vsel vm1, $0x0, v16;
	vm1 =	veq.s32 v21, $0x1  }
0x339: {  	v16 =	vld [tilespmem:s9+$0x19B70];
	[tilespmem:s6+$0x1CB60] =	vst v18;
	v15 =	vsel vm1, $0x0, v15  }
0x33a: {  	v18 =	vld.idx.msk [tilespmem:v20+s3+$0x0], $0xffff;
	v20 =	vcvt.s32.f32 v15  }
0x33b: {  	s7 =	simm.s32 $0x400;
	vm1 =	veq.s32 v15, $0x0;
	v19 =	vld.idx.msk [tilespmem:v19+s25+$0x0], $0xffff  }
.LBB2_8:
0x33c: {  	p0 =	sne.s32 s7, $0x4E00;
	[tilespmem:s6+$0x1DF70] =	vst v20;
	s8 =	smov.u32 s7;
	s7 =	sadd.s32 $0x200, s7  }
0x33d: {  	vm3 =	veq.s32 v17, $0x1;
	vm2 =	vgt.s32 v17, $0x186A0  }
0x33e: {  	v9 =	vsel vm3, $0x0, v9;
	v20 =	vsel vm2, $0x186A0, v17;
	v17 =	vnsel vm2, $0x186A0, v17  }
0x33f: {  	vm3 =	veq.s32 v16, $0x1;
	v17 =	vshll.u32 v17, $0x7  }
0x340: {  	v15 =	vsel vm3, $0x0, v15;
	v17 =	vadd.s32 v0, v17  }
0x341: {  	v18 =	vsel vm0, v19, v18;
	v21 =	vld [tilespmem:s9+$0x19B10]  }
0x342: {  	v18 =	vsel vm1, $0x0, v18  }
0x343: {  	[tilespmem:s6+$0x1CB70] =	vst v18;
	s6 =	smov.u32 s9  }
0x344: {  	v18 =	vld.idx.msk [tilespmem:v20+s3+$0x0], $0xffff  }
0x345: {  	v17 =	vld.idx.msk [tilespmem:v17+s25+$0x0], $0xffff  }
0x346: {  	vm1 =	vgt.s32 v21, $0x186A0  }
0x347: {  	v19 =	vnsel vm1, $0x186A0, v21  }
0x348: {  	v19 =	vshll.u32 v19, $0x7  }
0x349: {  	v20 =	vsel vm1, $0x186A0, v21;
	v19 =	vadd.s32 v1, v19  }
0x34a: {  	v22 =	vcvt.s32.f32 v9  }
0x34b: {  	vm0 =	veq.s32 v9, $0x0;
	v17 =	vsel vm2, v17, v18;
	v18 =	vld [tilespmem:s6+$0x19B20]  }
0x34c: {  	v17 =	vsel vm0, $0x0, v17;
	[tilespmem:s6+$0x1DF00] =	vst v22  }
0x34d: {  	[tilespmem:s6+$0x1CB00] =	vst v17  }
0x34e: {  	v17 =	vld.idx.msk [tilespmem:v20+s3+$0x0], $0xffff  }
0x34f: {  	v19 =	vld.idx.msk [tilespmem:v19+s25+$0x0], $0xffff  }
0x350: {  	vm2 =	veq.s32 v18, $0x1;
	vm0 =	vgt.s32 v18, $0x186A0  }
0x351: {  	v10 =	vsel vm2, $0x0, v10;
	v20 =	vnsel vm0, $0x186A0, v18  }
0x352: {  	vm2 =	veq.s32 v21, $0x1;
	v20 =	vshll.u32 v20, $0x7  }
0x353: {  	v18 =	vsel vm0, $0x186A0, v18;
	v11 =	vsel vm2, $0x0, v11;
	v20 =	vadd.s32 v2, v20  }
0x354: {  	v21 =	vcvt.s32.f32 v11;
	vm2 =	veq.s32 v11, $0x0  }
0x355: {  	v17 =	vsel vm1, v19, v17;
	v19 =	vld [tilespmem:s6+$0x19B30]  }
0x356: {  	v17 =	vsel vm2, $0x0, v17;
	[tilespmem:s6+$0x1DF10] =	vst v21  }
0x357: {  	[tilespmem:s6+$0x1CB10] =	vst v17  }
0x358: {  	v17 =	vld.idx.msk [tilespmem:v18+s3+$0x0], $0xffff  }
0x359: {  	v18 =	vld.idx.msk [tilespmem:v20+s25+$0x0], $0xffff  }
0x35a: {  	vm2 =	veq.s32 v19, $0x1;
	vm1 =	vgt.s32 v19, $0x186A0  }
0x35b: {  	v12 =	vsel vm2, $0x0, v12;
	v20 =	vnsel vm1, $0x186A0, v19  }
0x35c: {  	v20 =	vshll.u32 v20, $0x7  }
0x35d: {  	vm2 =	veq.s32 v10, $0x0;
	v19 =	vsel vm1, $0x186A0, v19;
	v20 =	vadd.s32 v3, v20  }
0x35e: {  	v21 =	vcvt.s32.f32 v10  }
0x35f: {  	v17 =	vsel vm0, v18, v17;
	v18 =	vld [tilespmem:s6+$0x19B40]  }
0x360: {  	v17 =	vsel vm2, $0x0, v17;
	[tilespmem:s6+$0x1DF20] =	vst v21  }
0x361: {  	[tilespmem:s6+$0x1CB20] =	vst v17  }
0x362: {  	v17 =	vcvt.s32.f32 v12;
	v19 =	vld.idx.msk [tilespmem:v19+s3+$0x0], $0xffff  }
0x363: {  	v20 =	vld.idx.msk [tilespmem:v20+s25+$0x0], $0xffff  }
0x364: {  	[tilespmem:s6+$0x1DF30] =	vst v17;
	vm2 =	veq.s32 v18, $0x1;
	vm0 =	vgt.s32 v18, $0x186A0  }
0x365: {  	v13 =	vsel vm2, $0x0, v13;
	v17 =	vsel vm0, $0x186A0, v18;
	v18 =	vnsel vm0, $0x186A0, v18  }
0x366: {  	vm2 =	veq.s32 v12, $0x0;
	v18 =	vshll.u32 v18, $0x7  }
0x367: {  	v18 =	vadd.s32 v4, v18;
	_ =	sdelay $0x1  }
0x368: {  	v19 =	vsel vm1, v20, v19;
	v20 =	vld [tilespmem:s6+$0x19B50]  }
0x369: {  	v19 =	vsel vm2, $0x0, v19  }
0x36a: {  	[tilespmem:s6+$0x1CB30] =	vst v19  }
0x36b: {  	v19 =	vcvt.s32.f32 v13;
	v17 =	vld.idx.msk [tilespmem:v17+s3+$0x0], $0xffff  }
0x36c: {  	v18 =	vld.idx.msk [tilespmem:v18+s25+$0x0], $0xffff  }
0x36d: {  	[tilespmem:s6+$0x1DF40] =	vst v19;
	vm2 =	veq.s32 v20, $0x1;
	vm1 =	vgt.s32 v20, $0x186A0  }
0x36e: {  	vm3 =	veq.s32 v13, $0x0;
	v14 =	vsel vm2, $0x0, v14;
	v19 =	vnsel vm1, $0x186A0, v20  }
0x36f: {  	v19 =	vshll.u32 v19, $0x7  }
0x370: {  	v20 =	vsel vm1, $0x186A0, v20;
	v19 =	vadd.s32 v5, v19;
	_ =	sdelay $0x1  }
0x371: {  	v17 =	vsel vm0, v18, v17;
	v18 =	vld [tilespmem:s6+$0x19B60]  }
0x372: {  	v17 =	vsel vm3, $0x0, v17  }
0x373: {  	[tilespmem:s6+$0x1CB40] =	vst v17  }
0x374: {  	v17 =	vcvt.s32.f32 v14;
	v20 =	vld.idx.msk [tilespmem:v20+s3+$0x0], $0xffff  }
0x375: {  	v19 =	vld.idx.msk [tilespmem:v19+s25+$0x0], $0xffff  }
0x376: {  	vm0 =	veq.s32 v14, $0x0;
	[tilespmem:s6+$0x1DF50] =	vst v17;
	vm3 =	veq.s32 v18, $0x1;
	vm2 =	vgt.s32 v18, $0x186A0  }
0x377: {  	v8 =	vsel vm3, $0x0, v8;
	v17 =	vnsel vm2, $0x186A0, v18  }
0x378: {  	v17 =	vshll.u32 v17, $0x7  }
0x379: {  	v18 =	vsel vm2, $0x186A0, v18;
	v17 =	vadd.s32 v6, v17;
	_ =	sdelay $0x1  }
0x37a: {  	v19 =	vsel vm1, v19, v20  }
0x37b: {  	v19 =	vsel vm0, $0x0, v19  }
0x37c: {  	[tilespmem:s6+$0x1CB50] =	vst v19  }
0x37d: {  	v19 =	vcvt.s32.f32 v8;
	v18 =	vld.idx.msk [tilespmem:v18+s3+$0x0], $0xffff  }
0x37e: {  	vm1 =	veq.s32 v8, $0x0;
	v17 =	vld.idx.msk [tilespmem:v17+s25+$0x0], $0xffff  }
0x37f: {  	vm0 =	vgt.s32 v16, $0x186A0;
	[tilespmem:s6+$0x1DF60] =	vst v19  }
0x380: {  	v19 =	vsel vm0, $0x186A0, v16;
	v16 =	vnsel vm0, $0x186A0, v16  }
0x381: {  	v16 =	vshll.u32 v16, $0x7  }
0x382: {  	v21 =	vadd.s32 v7, v16;
	_ =	sdelay $0x1  }
.Ltmp3:
0x383: {  	s9 =	sshra.s32 s8, $0x2;
	v16 =	vsel vm2, v17, v18;
	(pc) =	sbr.rel @p0 .LBB2_8-.Ltmp3, $4  }
0x384: {  	v18 =	vsel vm1, $0x0, v16;
	v17 =	vld [tilespmem:s9+$0x19B00]  }
0x385: {  	v16 =	vld [tilespmem:s9+$0x19B70];
	[tilespmem:s6+$0x1CB60] =	vst v18  }
0x386: {  	v20 =	vcvt.s32.f32 v15;
	vm1 =	veq.s32 v15, $0x0;
	v18 =	vld.idx.msk [tilespmem:v19+s3+$0x0], $0xffff  }
0x387: {  	v19 =	vld.idx.msk [tilespmem:v21+s25+$0x0], $0xffff  }
0x388: {  	_ = 	snop  }
0x389: {  	vm2 =	vgt.s32 v17, $0x186A0  }
0x38a: {  	v21 =	vnsel vm2, $0x186A0, v17  }
0x38b: {  	v22 =	vsel vm2, $0x186A0, v17;
	v21 =	vshll.u32 v21, $0x7  }
0x38c: {  	[tilespmem:s6+$0x1DF70] =	vst v20;
	v20 =	vadd.s32 v0, v21  }
0x38d: {  	v18 =	vsel vm0, v19, v18;
	v19 =	vld [tilespmem:s9+$0x19B10]  }
0x38e: {  	v18 =	vsel vm1, $0x0, v18  }
0x38f: {  	[tilespmem:s6+$0x1CB70] =	vst v18  }
0x390: {  	v18 =	vld.idx.msk [tilespmem:v22+s3+$0x0], $0xffff  }
0x391: {  	v20 =	vld.idx.msk [tilespmem:v20+s25+$0x0], $0xffff  }
0x392: {  	vm0 =	vgt.s32 v19, $0x186A0  }
0x393: {  	vm1 =	veq.s32 v17, $0x1;
	v17 =	vnsel vm0, $0x186A0, v19  }
0x394: {  	v9 =	vsel vm1, $0x0, v9;
	v21 =	vsel vm0, $0x186A0, v19;
	v17 =	vshll.u32 v17, $0x7  }
0x395: {  	v22 =	vcvt.s32.f32 v9;
	v17 =	vadd.s32 v1, v17  }
0x396: {  	vm1 =	veq.s32 v9, $0x0;
	v18 =	vsel vm2, v20, v18;
	v20 =	vld [tilespmem:s9+$0x19B20]  }
0x397: {  	[tilespmem:s9+$0x1DF00] =	vst v22;
	v18 =	vsel vm1, $0x0, v18  }
0x398: {  	[tilespmem:s9+$0x1CB00] =	vst v18  }
0x399: {  	v18 =	vld.idx.msk [tilespmem:v21+s3+$0x0], $0xffff  }
0x39a: {  	v17 =	vld.idx.msk [tilespmem:v17+s25+$0x0], $0xffff  }
0x39b: {  	vm1 =	vgt.s32 v20, $0x186A0  }
0x39c: {  	vm2 =	veq.s32 v19, $0x1;
	v21 =	vnsel vm1, $0x186A0, v20  }
0x39d: {  	v11 =	vsel vm2, $0x0, v11;
	v19 =	vshll.u32 v21, $0x7;
	v21 =	vsel vm1, $0x186A0, v20  }
0x39e: {  	v22 =	vcvt.s32.f32 v11;
	v19 =	vadd.s32 v2, v19  }
0x39f: {  	v17 =	vsel vm0, v17, v18;
	vm0 =	veq.s32 v11, $0x0;
	v18 =	vld [tilespmem:s9+$0x19B30]  }
0x3a0: {  	[tilespmem:s9+$0x1DF10] =	vst v22;
	v17 =	vsel vm0, $0x0, v17  }
0x3a1: {  	[tilespmem:s9+$0x1CB10] =	vst v17  }
0x3a2: {  	v17 =	vld.idx.msk [tilespmem:v21+s3+$0x0], $0xffff  }
0x3a3: {  	v19 =	vld.idx.msk [tilespmem:v19+s25+$0x0], $0xffff  }
0x3a4: {  	vm0 =	vgt.s32 v18, $0x186A0  }
0x3a5: {  	vm2 =	veq.s32 v20, $0x1;
	v20 =	vnsel vm0, $0x186A0, v18  }
0x3a6: {  	v10 =	vsel vm2, $0x0, v10;
	v21 =	vsel vm0, $0x186A0, v18;
	v20 =	vshll.u32 v20, $0x7  }
0x3a7: {  	v22 =	vcvt.s32.f32 v10;
	v20 =	vadd.s32 v3, v20  }
0x3a8: {  	v17 =	vsel vm1, v19, v17;
	vm1 =	veq.s32 v10, $0x0;
	v19 =	vld [tilespmem:s9+$0x19B40]  }
0x3a9: {  	[tilespmem:s9+$0x1DF20] =	vst v22;
	v17 =	vsel vm1, $0x0, v17  }
0x3aa: {  	[tilespmem:s9+$0x1CB20] =	vst v17  }
0x3ab: {  	v17 =	vld.idx.msk [tilespmem:v21+s3+$0x0], $0xffff  }
0x3ac: {  	vm1 =	veq.s32 v18, $0x1;
	v18 =	vld.idx.msk [tilespmem:v20+s25+$0x0], $0xffff  }
0x3ad: {  	v12 =	vsel vm1, $0x0, v12;
	vm1 =	vgt.s32 v19, $0x186A0  }
0x3ae: {  	v20 =	vcvt.s32.f32 v12;
	v21 =	vnsel vm1, $0x186A0, v19  }
0x3af: {  	v22 =	vsel vm1, $0x186A0, v19;
	v21 =	vshll.u32 v21, $0x7  }
0x3b0: {  	[tilespmem:s9+$0x1DF30] =	vst v20;
	v20 =	vadd.s32 v4, v21  }
0x3b1: {  	vm2 =	veq.s32 v12, $0x0;
	v17 =	vsel vm0, v18, v17;
	v18 =	vld [tilespmem:s9+$0x19B50]  }
0x3b2: {  	v17 =	vsel vm2, $0x0, v17  }
0x3b3: {  	[tilespmem:s9+$0x1CB30] =	vst v17  }
0x3b4: {  	v17 =	vld.idx.msk [tilespmem:v22+s3+$0x0], $0xffff  }
0x3b5: {  	vm0 =	veq.s32 v19, $0x1;
	v19 =	vld.idx.msk [tilespmem:v20+s25+$0x0], $0xffff  }
0x3b6: {  	v13 =	vsel vm0, $0x0, v13;
	vm0 =	vgt.s32 v18, $0x186A0  }
0x3b7: {  	v20 =	vcvt.s32.f32 v13;
	v21 =	vnsel vm0, $0x186A0, v18  }
0x3b8: {  	v22 =	vsel vm0, $0x186A0, v18;
	v21 =	vshll.u32 v21, $0x7  }
0x3b9: {  	[tilespmem:s9+$0x1DF40] =	vst v20;
	v20 =	vadd.s32 v5, v21  }
0x3ba: {  	vm2 =	veq.s32 v13, $0x0;
	v17 =	vsel vm1, v19, v17;
	v19 =	vld [tilespmem:s9+$0x19B60]  }
0x3bb: {  	v17 =	vsel vm2, $0x0, v17  }
0x3bc: {  	[tilespmem:s9+$0x1CB40] =	vst v17  }
0x3bd: {  	v17 =	vld.idx.msk [tilespmem:v22+s3+$0x0], $0xffff  }
0x3be: {  	v20 =	vld.idx.msk [tilespmem:v20+s25+$0x0], $0xffff  }
0x3bf: {  	vm1 =	vgt.s32 v19, $0x186A0  }
0x3c0: {  	vm2 =	veq.s32 v18, $0x1;
	v18 =	vnsel vm1, $0x186A0, v19  }
0x3c1: {  	v14 =	vsel vm2, $0x0, v14;
	v21 =	vsel vm1, $0x186A0, v19;
	v18 =	vshll.u32 v18, $0x7  }
0x3c2: {  	v22 =	vcvt.s32.f32 v14;
	v18 =	vadd.s32 v6, v18  }
0x3c3: {  	v17 =	vsel vm0, v20, v17;
	vm0 =	veq.s32 v14, $0x0  }
0x3c4: {  	[tilespmem:s9+$0x1DF50] =	vst v22;
	v17 =	vsel vm0, $0x0, v17  }
0x3c5: {  	[tilespmem:s9+$0x1CB50] =	vst v17  }
0x3c6: {  	v17 =	vld.idx.msk [tilespmem:v21+s3+$0x0], $0xffff  }
0x3c7: {  	v18 =	vld.idx.msk [tilespmem:v18+s25+$0x0], $0xffff  }
0x3c8: {  	vm0 =	vgt.s32 v16, $0x186A0  }
0x3c9: {  	vm2 =	veq.s32 v19, $0x1;
	v19 =	vnsel vm0, $0x186A0, v16  }
0x3ca: {  	v8 =	vsel vm2, $0x0, v8;
	v20 =	vsel vm0, $0x186A0, v16;
	v19 =	vshll.u32 v19, $0x7  }
0x3cb: {  	v21 =	vcvt.s32.f32 v8;
	v19 =	vadd.s32 v7, v19  }
0x3cc: {  	vm2 =	veq.s32 v8, $0x0;
	v17 =	vsel vm1, v18, v17  }
0x3cd: {  	[tilespmem:s9+$0x1DF60] =	vst v21;
	v17 =	vsel vm2, $0x0, v17  }
0x3ce: {  	[tilespmem:s9+$0x1CB60] =	vst v17  }
0x3cf: {  	v17 =	vld.idx.msk [tilespmem:v20+s3+$0x0], $0xffff  }
0x3d0: {  	v18 =	vld.idx.msk [tilespmem:v19+s25+$0x0], $0xffff;
	_ =	sdelay $0x1  }
0x3d1: {  	vm1 =	veq.s32 v16, $0x1  }
0x3d2: {  	v15 =	vsel vm1, $0x0, v15  }
0x3d3: {  	v16 =	vcvt.s32.f32 v15  }
0x3d4: {  	vm1 =	veq.s32 v15, $0x0;
	v17 =	vsel vm0, v18, v17  }
0x3d5: {  	[tilespmem:s9+$0x1DF70] =	vst v16;
	v16 =	vsel vm1, $0x0, v17  }
0x3d6: {  	[tilespmem:s9+$0x1CB70] =	vst v16  }
0x3d7: {  	[hbm4b:s17+s22] =	stream.strided.scatter [tilespmem:s0], [sflag:$0x5], $0x1400, s23, s22, $0x38;
	[tilespmem:$0x1F300] =	vst v63  }
0x3d8: {  	_ = 	snop  }
0x3d9: {  	[hbm4b:s18+s22] =	stream.strided.scatter [tilespmem:s2], [sflag:$0x6], $0x1400, s23, s22, $0x38;
	[tilespmem:$0x1F300] =	vst v63  }
0x3da: {  	_ =	swait.ge [sflag:s28], $0x1400  }
0x3db: {  	[sflag:s28] =	ssyncset.done $0x0  }
0x3dc: {  	[sflag:s28] =	ssyncadd.s32 $0xFFFFEC00  }
0x3dd: {  	_ =	swait.ge [sflag:s26], $0x1400  }
0x3de: {  	[sflag:s26] =	ssyncset.done $0x0  }
0x3df: {  	[sflag:s26] =	ssyncadd.s32 $0xFFFFEC00  }
0x3e0: {  	_ =	swait.ge [sflag:s29], $0x1400  }
0x3e1: {  	[sflag:s29] =	ssyncset.done $0x0  }
0x3e2: {  	s6 =	simm.s32 $0x0;
	[sflag:s29] =	ssyncadd.s32 $0xFFFFEC00  }
0x3e3: {  	v16 =	vld [tilespmem:s6+$0x18700];
	_ =	sdelay $0x4  }
0x3e4: {  	vm0 =	vgt.s32 v16, $0x186A0  }
0x3e5: {  	v17 =	vnsel vm0, $0x186A0, v16  }
0x3e6: {  	v18 =	vsel vm0, $0x186A0, v16;
	v17 =	vshll.u32 v17, $0x7  }
0x3e7: {  	v17 =	vadd.s32 v0, v17  }
0x3e8: {  	v19 =	vld [tilespmem:s6+$0x18710];
	_ =	sdelay $0x2  }
0x3e9: {  	v18 =	vld.idx.msk [tilespmem:v18+s3+$0x0], $0xffff  }
0x3ea: {  	v17 =	vld.idx.msk [tilespmem:v17+s25+$0x0], $0xffff  }
0x3eb: {  	vm1 =	vgt.s32 v19, $0x186A0  }
0x3ec: {  	vm2 =	veq.s32 v16, $0x1;
	v16 =	vnsel vm1, $0x186A0, v19  }
0x3ed: {  	v9 =	vsel vm2, $0x0, v9;
	v20 =	vsel vm1, $0x186A0, v19;
	v16 =	vshll.u32 v16, $0x7  }
0x3ee: {  	v22 =	vcvt.s32.f32 v9;
	v16 =	vadd.s32 v1, v16  }
0x3ef: {  	v17 =	vsel vm0, v17, v18;
	vm0 =	veq.s32 v9, $0x0;
	v18 =	vld [tilespmem:s6+$0x18720]  }
0x3f0: {  	[tilespmem:s6+$0x1DF00] =	vst v22;
	v17 =	vsel vm0, $0x0, v17  }
0x3f1: {  	[tilespmem:s6+$0x1CB00] =	vst v17  }
0x3f2: {  	v17 =	vld.idx.msk [tilespmem:v20+s3+$0x0], $0xffff  }
0x3f3: {  	v16 =	vld.idx.msk [tilespmem:v16+s25+$0x0], $0xffff  }
0x3f4: {  	vm0 =	vgt.s32 v18, $0x186A0  }
0x3f5: {  	vm2 =	veq.s32 v19, $0x1;
	v20 =	vnsel vm0, $0x186A0, v18  }
0x3f6: {  	v11 =	vsel vm2, $0x0, v11;
	v19 =	vshll.u32 v20, $0x7;
	v20 =	vsel vm0, $0x186A0, v18  }
0x3f7: {  	v22 =	vcvt.s32.f32 v11;
	v19 =	vadd.s32 v2, v19  }
0x3f8: {  	v16 =	vsel vm1, v16, v17;
	vm1 =	veq.s32 v11, $0x0;
	v17 =	vld [tilespmem:s6+$0x18730]  }
0x3f9: {  	[tilespmem:s6+$0x1DF10] =	vst v22;
	v16 =	vsel vm1, $0x0, v16  }
0x3fa: {  	[tilespmem:s6+$0x1CB10] =	vst v16  }
0x3fb: {  	v16 =	vld.idx.msk [tilespmem:v20+s3+$0x0], $0xffff  }
0x3fc: {  	v19 =	vld.idx.msk [tilespmem:v19+s25+$0x0], $0xffff  }
0x3fd: {  	vm1 =	vgt.s32 v17, $0x186A0  }
0x3fe: {  	vm2 =	veq.s32 v18, $0x1;
	v18 =	vnsel vm1, $0x186A0, v17  }
0x3ff: {  	v10 =	vsel vm2, $0x0, v10;
	v20 =	vsel vm1, $0x186A0, v17;
	v18 =	vshll.u32 v18, $0x7  }
0x400: {  	v22 =	vcvt.s32.f32 v10;
	v18 =	vadd.s32 v3, v18  }
0x401: {  	v16 =	vsel vm0, v19, v16;
	vm0 =	veq.s32 v10, $0x0;
	v19 =	vld [tilespmem:s6+$0x18740]  }
0x402: {  	[tilespmem:s6+$0x1DF20] =	vst v22;
	v16 =	vsel vm0, $0x0, v16  }
0x403: {  	[tilespmem:s6+$0x1CB20] =	vst v16  }
0x404: {  	v16 =	vld.idx.msk [tilespmem:v20+s3+$0x0], $0xffff  }
0x405: {  	vm0 =	veq.s32 v17, $0x1;
	v17 =	vld.idx.msk [tilespmem:v18+s25+$0x0], $0xffff  }
0x406: {  	v12 =	vsel vm0, $0x0, v12;
	vm0 =	vgt.s32 v19, $0x186A0  }
0x407: {  	v18 =	vcvt.s32.f32 v12;
	v20 =	vnsel vm0, $0x186A0, v19  }
0x408: {  	v22 =	vsel vm0, $0x186A0, v19;
	v20 =	vshll.u32 v20, $0x7  }
0x409: {  	[tilespmem:s6+$0x1DF30] =	vst v18;
	v18 =	vadd.s32 v4, v20  }
0x40a: {  	vm2 =	veq.s32 v12, $0x0;
	v16 =	vsel vm1, v17, v16;
	v17 =	vld [tilespmem:s6+$0x18750]  }
0x40b: {  	v16 =	vsel vm2, $0x0, v16  }
0x40c: {  	[tilespmem:s6+$0x1CB30] =	vst v16  }
0x40d: {  	v16 =	vld.idx.msk [tilespmem:v22+s3+$0x0], $0xffff  }
0x40e: {  	vm1 =	veq.s32 v19, $0x1;
	v18 =	vld.idx.msk [tilespmem:v18+s25+$0x0], $0xffff  }
0x40f: {  	v13 =	vsel vm1, $0x0, v13;
	vm1 =	vgt.s32 v17, $0x186A0  }
0x410: {  	v19 =	vcvt.s32.f32 v13;
	v20 =	vnsel vm1, $0x186A0, v17  }
0x411: {  	v22 =	vsel vm1, $0x186A0, v17;
	v20 =	vshll.u32 v20, $0x7  }
0x412: {  	[tilespmem:s6+$0x1DF40] =	vst v19;
	v19 =	vadd.s32 v5, v20  }
0x413: {  	vm2 =	veq.s32 v13, $0x0;
	v16 =	vsel vm0, v18, v16;
	v18 =	vld [tilespmem:s6+$0x18760]  }
0x414: {  	v16 =	vsel vm2, $0x0, v16  }
0x415: {  	[tilespmem:s6+$0x1CB40] =	vst v16  }
0x416: {  	v16 =	vld.idx.msk [tilespmem:v22+s3+$0x0], $0xffff  }
0x417: {  	v19 =	vld.idx.msk [tilespmem:v19+s25+$0x0], $0xffff  }
0x418: {  	vm2 =	vgt.s32 v18, $0x186A0  }
0x419: {  	vm0 =	veq.s32 v17, $0x1;
	v17 =	vnsel vm2, $0x186A0, v18  }
0x41a: {  	v14 =	vsel vm0, $0x0, v14;
	v20 =	vsel vm2, $0x186A0, v18;
	v17 =	vshll.u32 v17, $0x7  }
0x41b: {  	v22 =	vcvt.s32.f32 v14;
	v17 =	vadd.s32 v6, v17  }
0x41c: {  	v21 =	vld [tilespmem:s6+$0x18770];
	vm0 =	veq.s32 v14, $0x0;
	v16 =	vsel vm1, v19, v16  }
0x41d: {  	[tilespmem:s6+$0x1DF50] =	vst v22;
	v16 =	vsel vm0, $0x0, v16  }
0x41e: {  	[tilespmem:s6+$0x1CB50] =	vst v16  }
0x41f: {  	v16 =	vld.idx.msk [tilespmem:v20+s3+$0x0], $0xffff  }
0x420: {  	vm0 =	veq.s32 v18, $0x1;
	v17 =	vld.idx.msk [tilespmem:v17+s25+$0x0], $0xffff  }
0x421: {  	v8 =	vsel vm0, $0x0, v8;
	vm0 =	vgt.s32 v21, $0x186A0  }
0x422: {  	v19 =	vnsel vm0, $0x186A0, v21  }
0x423: {  	v18 =	vcvt.s32.f32 v8;
	v20 =	vsel vm0, $0x186A0, v21;
	v19 =	vshll.u32 v19, $0x7  }
0x424: {  	v19 =	vadd.s32 v7, v19  }
0x425: {  	s9 =	simm.s32 $0x80;
	vm1 =	veq.s32 v8, $0x0;
	[tilespmem:s6+$0x1DF60] =	vst v18;
	v16 =	vsel vm2, v17, v16  }
0x426: {  	v17 =	vld [tilespmem:s9+$0x18700];
	v18 =	vsel vm1, $0x0, v16;
	vm1 =	veq.s32 v21, $0x1  }
0x427: {  	v16 =	vld [tilespmem:s9+$0x18770];
	[tilespmem:s6+$0x1CB60] =	vst v18;
	v15 =	vsel vm1, $0x0, v15  }
0x428: {  	v18 =	vld.idx.msk [tilespmem:v20+s3+$0x0], $0xffff;
	v20 =	vcvt.s32.f32 v15  }
0x429: {  	s7 =	simm.s32 $0x400;
	vm1 =	veq.s32 v15, $0x0;
	v19 =	vld.idx.msk [tilespmem:v19+s25+$0x0], $0xffff  }
.LBB2_10:
0x42a: {  	p0 =	sne.s32 s7, $0x4E00;
	[tilespmem:s6+$0x1DF70] =	vst v20;
	s8 =	smov.u32 s7;
	s7 =	sadd.s32 $0x200, s7  }
0x42b: {  	vm3 =	veq.s32 v17, $0x1;
	vm2 =	vgt.s32 v17, $0x186A0  }
0x42c: {  	v9 =	vsel vm3, $0x0, v9;
	v20 =	vsel vm2, $0x186A0, v17;
	v17 =	vnsel vm2, $0x186A0, v17  }
0x42d: {  	vm3 =	veq.s32 v16, $0x1;
	v17 =	vshll.u32 v17, $0x7  }
0x42e: {  	v15 =	vsel vm3, $0x0, v15;
	v17 =	vadd.s32 v0, v17  }
0x42f: {  	v18 =	vsel vm0, v19, v18;
	v21 =	vld [tilespmem:s9+$0x18710]  }
0x430: {  	v18 =	vsel vm1, $0x0, v18  }
0x431: {  	[tilespmem:s6+$0x1CB70] =	vst v18;
	s6 =	smov.u32 s9  }
0x432: {  	v18 =	vld.idx.msk [tilespmem:v20+s3+$0x0], $0xffff  }
0x433: {  	v17 =	vld.idx.msk [tilespmem:v17+s25+$0x0], $0xffff  }
0x434: {  	vm1 =	vgt.s32 v21, $0x186A0  }
0x435: {  	v19 =	vnsel vm1, $0x186A0, v21  }
0x436: {  	v19 =	vshll.u32 v19, $0x7  }
0x437: {  	v20 =	vsel vm1, $0x186A0, v21;
	v19 =	vadd.s32 v1, v19  }
0x438: {  	v22 =	vcvt.s32.f32 v9  }
0x439: {  	vm0 =	veq.s32 v9, $0x0;
	v17 =	vsel vm2, v17, v18;
	v18 =	vld [tilespmem:s6+$0x18720]  }
0x43a: {  	v17 =	vsel vm0, $0x0, v17;
	[tilespmem:s6+$0x1DF00] =	vst v22  }
0x43b: {  	[tilespmem:s6+$0x1CB00] =	vst v17  }
0x43c: {  	v17 =	vld.idx.msk [tilespmem:v20+s3+$0x0], $0xffff  }
0x43d: {  	v19 =	vld.idx.msk [tilespmem:v19+s25+$0x0], $0xffff  }
0x43e: {  	vm2 =	veq.s32 v18, $0x1;
	vm0 =	vgt.s32 v18, $0x186A0  }
0x43f: {  	v10 =	vsel vm2, $0x0, v10;
	v20 =	vnsel vm0, $0x186A0, v18  }
0x440: {  	vm2 =	veq.s32 v21, $0x1;
	v20 =	vshll.u32 v20, $0x7  }
0x441: {  	v18 =	vsel vm0, $0x186A0, v18;
	v11 =	vsel vm2, $0x0, v11;
	v20 =	vadd.s32 v2, v20  }
0x442: {  	v21 =	vcvt.s32.f32 v11;
	vm2 =	veq.s32 v11, $0x0  }
0x443: {  	v17 =	vsel vm1, v19, v17;
	v19 =	vld [tilespmem:s6+$0x18730]  }
0x444: {  	v17 =	vsel vm2, $0x0, v17;
	[tilespmem:s6+$0x1DF10] =	vst v21  }
0x445: {  	[tilespmem:s6+$0x1CB10] =	vst v17  }
0x446: {  	v17 =	vld.idx.msk [tilespmem:v18+s3+$0x0], $0xffff  }
0x447: {  	v18 =	vld.idx.msk [tilespmem:v20+s25+$0x0], $0xffff  }
0x448: {  	vm2 =	veq.s32 v19, $0x1;
	vm1 =	vgt.s32 v19, $0x186A0  }
0x449: {  	v12 =	vsel vm2, $0x0, v12;
	v20 =	vnsel vm1, $0x186A0, v19  }
0x44a: {  	v20 =	vshll.u32 v20, $0x7  }
0x44b: {  	vm2 =	veq.s32 v10, $0x0;
	v19 =	vsel vm1, $0x186A0, v19;
	v20 =	vadd.s32 v3, v20  }
0x44c: {  	v21 =	vcvt.s32.f32 v10  }
0x44d: {  	v17 =	vsel vm0, v18, v17;
	v18 =	vld [tilespmem:s6+$0x18740]  }
0x44e: {  	v17 =	vsel vm2, $0x0, v17;
	[tilespmem:s6+$0x1DF20] =	vst v21  }
0x44f: {  	[tilespmem:s6+$0x1CB20] =	vst v17  }
0x450: {  	v17 =	vcvt.s32.f32 v12;
	v19 =	vld.idx.msk [tilespmem:v19+s3+$0x0], $0xffff  }
0x451: {  	v20 =	vld.idx.msk [tilespmem:v20+s25+$0x0], $0xffff  }
0x452: {  	[tilespmem:s6+$0x1DF30] =	vst v17;
	vm2 =	veq.s32 v18, $0x1;
	vm0 =	vgt.s32 v18, $0x186A0  }
0x453: {  	v13 =	vsel vm2, $0x0, v13;
	v17 =	vsel vm0, $0x186A0, v18;
	v18 =	vnsel vm0, $0x186A0, v18  }
0x454: {  	vm2 =	veq.s32 v12, $0x0;
	v18 =	vshll.u32 v18, $0x7  }
0x455: {  	v18 =	vadd.s32 v4, v18;
	_ =	sdelay $0x1  }
0x456: {  	v19 =	vsel vm1, v20, v19;
	v20 =	vld [tilespmem:s6+$0x18750]  }
0x457: {  	v19 =	vsel vm2, $0x0, v19  }
0x458: {  	[tilespmem:s6+$0x1CB30] =	vst v19  }
0x459: {  	v19 =	vcvt.s32.f32 v13;
	v17 =	vld.idx.msk [tilespmem:v17+s3+$0x0], $0xffff  }
0x45a: {  	v18 =	vld.idx.msk [tilespmem:v18+s25+$0x0], $0xffff  }
0x45b: {  	[tilespmem:s6+$0x1DF40] =	vst v19;
	vm2 =	veq.s32 v20, $0x1;
	vm1 =	vgt.s32 v20, $0x186A0  }
0x45c: {  	vm3 =	veq.s32 v13, $0x0;
	v14 =	vsel vm2, $0x0, v14;
	v19 =	vnsel vm1, $0x186A0, v20  }
0x45d: {  	v19 =	vshll.u32 v19, $0x7  }
0x45e: {  	v20 =	vsel vm1, $0x186A0, v20;
	v19 =	vadd.s32 v5, v19;
	_ =	sdelay $0x1  }
0x45f: {  	v17 =	vsel vm0, v18, v17;
	v18 =	vld [tilespmem:s6+$0x18760]  }
0x460: {  	v17 =	vsel vm3, $0x0, v17  }
0x461: {  	[tilespmem:s6+$0x1CB40] =	vst v17  }
0x462: {  	v17 =	vcvt.s32.f32 v14;
	v20 =	vld.idx.msk [tilespmem:v20+s3+$0x0], $0xffff  }
0x463: {  	v19 =	vld.idx.msk [tilespmem:v19+s25+$0x0], $0xffff  }
0x464: {  	vm0 =	veq.s32 v14, $0x0;
	[tilespmem:s6+$0x1DF50] =	vst v17;
	vm3 =	veq.s32 v18, $0x1;
	vm2 =	vgt.s32 v18, $0x186A0  }
0x465: {  	v8 =	vsel vm3, $0x0, v8;
	v17 =	vnsel vm2, $0x186A0, v18  }
0x466: {  	v17 =	vshll.u32 v17, $0x7  }
0x467: {  	v18 =	vsel vm2, $0x186A0, v18;
	v17 =	vadd.s32 v6, v17;
	_ =	sdelay $0x1  }
0x468: {  	v19 =	vsel vm1, v19, v20  }
0x469: {  	v19 =	vsel vm0, $0x0, v19  }
0x46a: {  	[tilespmem:s6+$0x1CB50] =	vst v19  }
0x46b: {  	v19 =	vcvt.s32.f32 v8;
	v18 =	vld.idx.msk [tilespmem:v18+s3+$0x0], $0xffff  }
0x46c: {  	vm1 =	veq.s32 v8, $0x0;
	v17 =	vld.idx.msk [tilespmem:v17+s25+$0x0], $0xffff  }
0x46d: {  	vm0 =	vgt.s32 v16, $0x186A0;
	[tilespmem:s6+$0x1DF60] =	vst v19  }
0x46e: {  	v19 =	vsel vm0, $0x186A0, v16;
	v16 =	vnsel vm0, $0x186A0, v16  }
0x46f: {  	v16 =	vshll.u32 v16, $0x7  }
0x470: {  	v21 =	vadd.s32 v7, v16;
	_ =	sdelay $0x1  }
.Ltmp4:
0x471: {  	s9 =	sshra.s32 s8, $0x2;
	v16 =	vsel vm2, v17, v18;
	(pc) =	sbr.rel @p0 .LBB2_10-.Ltmp4, $4  }
0x472: {  	v18 =	vsel vm1, $0x0, v16;
	v17 =	vld [tilespmem:s9+$0x18700]  }
0x473: {  	v16 =	vld [tilespmem:s9+$0x18770];
	[tilespmem:s6+$0x1CB60] =	vst v18  }
0x474: {  	v20 =	vcvt.s32.f32 v15;
	vm1 =	veq.s32 v15, $0x0;
	v18 =	vld.idx.msk [tilespmem:v19+s3+$0x0], $0xffff  }
0x475: {  	v19 =	vld.idx.msk [tilespmem:v21+s25+$0x0], $0xffff  }
0x476: {  	_ = 	snop  }
0x477: {  	vm2 =	vgt.s32 v17, $0x186A0  }
0x478: {  	v21 =	vnsel vm2, $0x186A0, v17  }
0x479: {  	v22 =	vsel vm2, $0x186A0, v17;
	v21 =	vshll.u32 v21, $0x7  }
0x47a: {  	[tilespmem:s6+$0x1DF70] =	vst v20;
	v24 =	vadd.s32 v0, v21  }
0x47b: {  	v25 =	vld [tilespmem:s9+$0x18710];
	v18 =	vsel vm0, v19, v18  }
0x47c: {  	v18 =	vsel vm1, $0x0, v18  }
0x47d: {  	[tilespmem:s6+$0x1CB70] =	vst v18  }
0x47e: {  	v18 =	vld.idx.msk [tilespmem:v22+s3+$0x0], $0xffff  }
0x47f: {  	v20 =	vld.idx.msk [tilespmem:v24+s25+$0x0], $0xffff  }
0x480: {  	vm11 =	vgt.s32 v25, $0x186A0  }
0x481: {  	vm12 =	veq.s32 v17, $0x1;
	v26 =	vnsel vm11, $0x186A0, v25  }
0x482: {  	v9 =	vsel vm12, $0x0, v9;
	v27 =	vsel vm11, $0x186A0, v25;
	v17 =	vshll.u32 v26, $0x7  }
0x483: {  	v28 =	vcvt.s32.f32 v9;
	v17 =	vadd.s32 v1, v17  }
0x484: {  	vm1 =	veq.s32 v9, $0x0;
	v29 =	vld [tilespmem:s9+$0x18720];
	v18 =	vsel vm2, v20, v18  }
0x485: {  	[tilespmem:s9+$0x1DF00] =	vst v28;
	v18 =	vsel vm1, $0x0, v18  }
0x486: {  	[tilespmem:s9+$0x1CB00] =	vst v18  }
0x487: {  	v18 =	vld.idx.msk [tilespmem:v27+s3+$0x0], $0xffff  }
0x488: {  	v17 =	vld.idx.msk [tilespmem:v17+s25+$0x0], $0xffff  }
0x489: {  	vm13 =	vgt.s32 v29, $0x186A0  }
0x48a: {  	vm14 =	veq.s32 v25, $0x1;
	v30 =	vnsel vm13, $0x186A0, v29  }
0x48b: {  	v11 =	vsel vm14, $0x0, v11;
	v32 =	vsel vm13, $0x186A0, v29;
	v31 =	vshll.u32 v30, $0x7  }
0x48c: {  	v33 =	vcvt.s32.f32 v11;
	v19 =	vadd.s32 v2, v31  }
0x48d: {  	v35 =	vld [tilespmem:s9+$0x18730];
	vm2 =	veq.s32 v11, $0x0;
	v34 =	vsel vm11, v17, v18  }
0x48e: {  	[tilespmem:s9+$0x1DF10] =	vst v33;
	v11 =	vsel vm2, $0x0, v34  }
0x48f: {  	[tilespmem:s9+$0x1CB10] =	vst v11  }
0x490: {  	v11 =	vld.idx.msk [tilespmem:v32+s3+$0x0], $0xffff  }
0x491: {  	v36 =	vld.idx.msk [tilespmem:v19+s25+$0x0], $0xffff  }
0x492: {  	vm15 =	vgt.s32 v35, $0x186A0  }
0x493: {  	vm4 =	veq.s32 v29, $0x1;
	v37 =	vnsel vm15, $0x186A0, v35  }
0x494: {  	v10 =	vsel vm4, $0x0, v10;
	v38 =	vsel vm15, $0x186A0, v35;
	v9 =	vshll.u32 v37, $0x7  }
0x495: {  	v39 =	vcvt.s32.f32 v10;
	v9 =	vadd.s32 v3, v9  }
0x496: {  	v41 =	vld [tilespmem:s9+$0x18740];
	vm2 =	veq.s32 v10, $0x0;
	v40 =	vsel vm13, v36, v11  }
0x497: {  	[tilespmem:s9+$0x1DF20] =	vst v39;
	v10 =	vsel vm2, $0x0, v40  }
0x498: {  	[tilespmem:s9+$0x1CB20] =	vst v10  }
0x499: {  	v10 =	vld.idx.msk [tilespmem:v38+s3+$0x0], $0xffff  }
0x49a: {  	v9 =	vld.idx.msk [tilespmem:v9+s25+$0x0], $0xffff  }
0x49b: {  	vm6 =	vgt.s32 v41, $0x186A0  }
0x49c: {  	vm5 =	veq.s32 v35, $0x1;
	v43 =	vnsel vm6, $0x186A0, v41  }
0x49d: {  	v12 =	vsel vm5, $0x0, v12;
	v44 =	vsel vm6, $0x186A0, v41;
	v18 =	vshll.u32 v43, $0x7  }
0x49e: {  	v42 =	vcvt.s32.f32 v12;
	v45 =	vadd.s32 v4, v18  }
0x49f: {  	v46 =	vld [tilespmem:s9+$0x18750];
	vm7 =	veq.s32 v12, $0x0;
	v9 =	vsel vm15, v9, v10  }
0x4a0: {  	[tilespmem:s9+$0x1DF30] =	vst v42;
	v9 =	vsel vm7, $0x0, v9  }
0x4a1: {  	[tilespmem:s9+$0x1CB30] =	vst v9  }
0x4a2: {  	v9 =	vld.idx.msk [tilespmem:v44+s3+$0x0], $0xffff  }
0x4a3: {  	v47 =	vld.idx.msk [tilespmem:v45+s25+$0x0], $0xffff  }
0x4a4: {  	vm9 =	vgt.s32 v46, $0x186A0  }
0x4a5: {  	vm8 =	veq.s32 v41, $0x1;
	v49 =	vnsel vm9, $0x186A0, v46  }
0x4a6: {  	v48 =	vsel vm8, $0x0, v13;
	v50 =	vsel vm9, $0x186A0, v46;
	v17 =	vshll.u32 v49, $0x7  }
0x4a7: {  	v13 =	vcvt.s32.f32 v48;
	v51 =	vadd.s32 v5, v17  }
0x4a8: {  	v52 =	vld [tilespmem:s9+$0x18760];
	vm10 =	veq.s32 v48, $0x0;
	v9 =	vsel vm6, v47, v9  }
0x4a9: {  	[tilespmem:s9+$0x1DF40] =	vst v13;
	v9 =	vsel vm10, $0x0, v9  }
0x4aa: {  	[tilespmem:s9+$0x1CB40] =	vst v9  }
0x4ab: {  	v9 =	vld.idx.msk [tilespmem:v50+s3+$0x0], $0xffff  }
0x4ac: {  	v53 =	vld.idx.msk [tilespmem:v51+s25+$0x0], $0xffff  }
0x4ad: {  	vm11 =	vgt.s32 v52, $0x186A0  }
0x4ae: {  	vm12 =	veq.s32 v46, $0x1;
	v54 =	vnsel vm11, $0x186A0, v52  }
0x4af: {  	v55 =	vsel vm12, $0x0, v14;
	v56 =	vsel vm11, $0x186A0, v52;
	v10 =	vshll.u32 v54, $0x7  }
0x4b0: {  	v57 =	vcvt.s32.f32 v55;
	v10 =	vadd.s32 v6, v10  }
0x4b1: {  	vm2 =	veq.s32 v55, $0x0;
	v9 =	vsel vm9, v53, v9  }
0x4b2: {  	[tilespmem:s9+$0x1DF50] =	vst v57;
	v9 =	vsel vm2, $0x0, v9  }
0x4b3: {  	[tilespmem:s9+$0x1CB50] =	vst v9  }
0x4b4: {  	v9 =	vld.idx.msk [tilespmem:v56+s3+$0x0], $0xffff  }
0x4b5: {  	v10 =	vld.idx.msk [tilespmem:v10+s25+$0x0], $0xffff  }
0x4b6: {  	vm13 =	vgt.s32 v16, $0x186A0  }
0x4b7: {  	vm14 =	veq.s32 v52, $0x1;
	v58 =	vnsel vm13, $0x186A0, v16  }
0x4b8: {  	v8 =	vsel vm14, $0x0, v8;
	v59 =	vsel vm13, $0x186A0, v16;
	v11 =	vshll.u32 v58, $0x7  }
0x4b9: {  	v60 =	vcvt.s32.f32 v8;
	v11 =	vadd.s32 v7, v11  }
0x4ba: {  	vm2 =	veq.s32 v8, $0x0;
	v8 =	vsel vm11, v10, v9  }
0x4bb: {  	[tilespmem:s9+$0x1DF60] =	vst v60;
	v8 =	vsel vm2, $0x0, v8  }
0x4bc: {  	[tilespmem:s9+$0x1CB60] =	vst v8  }
0x4bd: {  	v8 =	vld.idx.msk [tilespmem:v59+s3+$0x0], $0xffff  }
0x4be: {  	v61 =	vld.idx.msk [tilespmem:v11+s25+$0x0], $0xffff;
	_ =	sdelay $0x1  }
0x4bf: {  	vm15 =	veq.s32 v16, $0x1  }
0x4c0: {  	v62 =	vsel vm15, $0x0, v15  }
0x4c1: {  	v63 =	vcvt.s32.f32 v62  }
0x4c2: {  	vm1 =	veq.s32 v62, $0x0;
	v8 =	vsel vm13, v61, v8  }
0x4c3: {  	[tilespmem:s9+$0x1DF70] =	vst v63;
	v8 =	vsel vm1, $0x0, v8  }
0x4c4: {  	[tilespmem:s9+$0x1CB70] =	vst v8  }
0x4c5: {  	[hbm4b:s19+s22] =	stream.strided.scatter [tilespmem:s0], [sflag:$0x5], $0x1400, s23, s22, $0x38;
	[tilespmem:$0x1F300] =	vst v63  }
0x4c6: {  	s5 =	sadd.s32 $0x1, s5  }
0x4c7: {  	[hbm4b:s20+s22] =	stream.strided.scatter [tilespmem:s2], [sflag:$0x6], $0x1400, s23, s22, $0x38;
	[tilespmem:$0x1F300] =	vst v63  }
0x4c8: {  	p0 =	sne.s32 s5, s21;
	_ =	swait.ge [sflag:s26], $0x1400  }
.Ltmp5:
0x4c9: {  	[sflag:s26] =	ssyncset.done $0x0;
	(pc) =	sbr.rel @p0 .LBB2_1-.Ltmp5, $4  }
0x4ca: {  	[sflag:s26] =	ssyncadd.s32 $0xFFFFEC00  }
0x4cb: {  	_ =	swait.ge [sflag:s29], $0x1400  }
0x4cc: {  	[sflag:s29] =	ssyncset.done $0x0  }
0x4cd: {  	[sflag:s29] =	ssyncadd.s32 $0xFFFFEC00  }
0x4ce: {  	_ =	sfence.sel $0x180000  }
0x4cf: {  	[bflag:$0x0] =	sbarrier.arrive $0xFFFF  }
0x4d0: {  	_ =	strace $0x90000047  }
0x4d1: {  	s0 =	stileid.u32;
	[bflag:$0x2] =	sbarrier.arrive $0xFFFF  }
0x4d2: {  	p0 =	sne.s32 s0, $0x0;
	s0 =	rddreg [dreg:$0x5]  }
0x4d3: {  	s0 =	sadd.s32 @!p0 $0x100000, s0  }
0x4d4: {  	[sflag:s0] =	ssyncadd.tile.s32 @!p0 $0x1;
	_ =	shalt  }
.Lfunc_end2:
_tile_overlayer_lowered:
.L_overlay_start_2:
0x4d5: {  	(tag) =	ssettag $0x2  }
0x4d6: {  	s0 =	rddreg [dreg:$0x0];
	s2 =	stileid.u32  }
0x4d7: {  	s1 =	rddreg [dreg:$0x1];
	p0 =	sne.s32 s2, $0x0  }
0x4d8: {  	s3 =	rddreg [dreg:$0x2];
	[bflag:$0x3] =	sbarrier.arrive $0xFFFF;
	s2 =	simm.s32 @!p0 $0x1C07  }
0x4d9: {  	[timem:s3], [sflag:s2] =	dma.local @!p0 [hbm:s0], s1  }
0x4da: {  	s0 =	simm.s32 @!p0 $0x7  }
0x4db: {  	_ =	swait.ge @!p0 [sflag:s0], s1  }
0x4dc: {  	s1 =	ssub.s32 @!p0 $0x0, s1;
	[sflag:s0] =	ssyncset.done @!p0 $0x0  }
0x4dd: {  	[sflag:s0] =	ssyncadd.s32 @!p0 s1  }
0x4de: {  	[bflag:$0x3] =	sbarrier.arrive $0xFFFF  }
0x4df: {  	_ =	shalt  }

</sc_bundles>
